<compile_context>
chip_gen: v7x
topology: tpu7x:2x2x1
jax: 0.10.2.dev20260603
libtpu: 0.0.44.dev20260713+nightly
codegen_flags: <defaults>
</compile_context>

<pallas_src>
import functools

import jax
import jax.numpy as jnp
from jax import lax
from jax.experimental import pallas as pl
from jax.experimental.pallas import tpu as pltpu
from jax.experimental.pallas import tpu_sc as plsc

LAT = 64
XD = 16
UW = LAT + 2 * XD
IW = LAT + XD
B = 16384
NC, NS, L = 2, 16, 16
NW = NC * NS
RPW = B // NW
CHUNK = 128
NCH = RPW // CHUNK


def _sc_body(u_hbm, i_hbm, x_hbm, ucat_hbm, icat_hbm, out_hbm,
             uidx, iidx, xv, urows, irows, outv, sem):
  wid = lax.axis_index("s") * NC + lax.axis_index("c")
  base = wid * RPW

  pltpu.sync_copy(u_hbm.at[pl.ds(base, RPW)], uidx)
  pltpu.sync_copy(i_hbm.at[pl.ds(base, RPW)], iidx)
  pltpu.sync_copy(x_hbm.at[pl.ds(base, RPW)], xv)

  cps = []
  for j in range(NCH):
    rows = pl.ds(j * CHUNK, CHUNK)
    cps.append(pltpu.async_copy(ucat_hbm.at[uidx.at[rows]], urows.at[rows], sem))
    cps.append(pltpu.async_copy(icat_hbm.at[iidx.at[rows]], irows.at[rows], sem))
  for cp in cps:
    cp.wait()

  lane = lax.broadcasted_iota(jnp.int32, (L,), 0)

  @plsc.parallel_loop(0, RPW, 1, unroll=8)
  def row_body(r):
    rsplat = jnp.full((L,), r, jnp.int32)
    mfr = plsc.load_gather(xv, [rsplat]).astype(jnp.float32)
    u4 = urows[r, pl.ds(LAT, XD)] * mfr
    ux0 = urows[r, pl.ds(LAT + XD, XD)]
    i4 = ux0 + (irows[r, pl.ds(LAT, XD)] - ux0) * mfr
    ivec = [irows[r, pl.ds(j * L, L)] for j in range(4)] + [i4]
    uvec = [urows[r, pl.ds(j * L, L)] for j in range(4)] + [u4]
    mx = jnp.maximum(jnp.maximum(jnp.maximum(ivec[0], ivec[1]),
                                 jnp.maximum(ivec[2], ivec[3])), ivec[4])
    m_s = jnp.max(mx)
    e = [jnp.exp(v - m_s) for v in ivec]
    s = [1.0 / (1.0 + jnp.exp(-v)) for v in uvec]
    evec = (e[0] + e[1]) + (e[2] + e[3]) + e[4]
    pvec = (s[0] * e[0] + s[1] * e[1]) + (s[2] * e[2] + s[3] * e[3]) + s[4] * e[4]
    valvec = jnp.full((L,), jnp.sum(pvec), jnp.float32) / jnp.full(
        (L,), jnp.sum(evec), jnp.float32)
    plsc.store_scatter(outv, [rsplat], valvec, mask=lane == 0)

  del row_body
  pltpu.sync_copy(outv, out_hbm.at[pl.ds(base, RPW)])


RB = 1024


def _mxu_t(x):
  k = x.shape[0]
  i = lax.broadcasted_iota(jnp.int32, (k, k), 0)
  j = lax.broadcasted_iota(jnp.int32, (k, k), 1)
  eye = (i == j).astype(jnp.float32)
  return lax.dot_general(x, eye, (((0,), (0,)), ((), ())),
                         preferred_element_type=jnp.float32)


def _tc_transpose_body(ut_ref, ux1_ref, ux0_ref, it_ref, ix1_ref,
                       ucat_ref, icat_ref):
  ucat_ref[:, pl.ds(0, LAT)] = _mxu_t(ut_ref[...])
  ucat_ref[:, pl.ds(LAT, XD)] = _mxu_t(ux1_ref[...])
  ucat_ref[:, pl.ds(LAT + XD, XD)] = _mxu_t(ux0_ref[...])
  icat_ref[:, pl.ds(0, LAT)] = _mxu_t(it_ref[...])
  icat_ref[:, pl.ds(LAT, XD)] = _mxu_t(ix1_ref[...])


def _fuse_tables(ut_t, ux1_t, ux0_t, it_t, ix1_t):
  n = ut_t.shape[1]
  grid = (n + RB - 1) // RB
  wide = lambda w: pl.BlockSpec((w, RB), lambda i: (0, i))
  return pl.pallas_call(
      _tc_transpose_body,
      grid=(grid,),
      in_specs=[wide(LAT), wide(XD), wide(XD), wide(LAT), wide(XD)],
      out_specs=[pl.BlockSpec((RB, UW), lambda i: (i, 0)),
                 pl.BlockSpec((RB, IW), lambda i: (i, 0))],
      out_shape=[jax.ShapeDtypeStruct((n, UW), jnp.float32),
                 jax.ShapeDtypeStruct((n, IW), jnp.float32)],
  )(ut_t, ux1_t, ux0_t, it_t, ix1_t)


@jax.jit
def kernel(users, items, xij, user_table, item_table, item_xij1_table,
           item_xij0_table, user_xij1_table, user_xij0_table):
  del item_xij0_table
  ucat, icat = _fuse_tables(
      jnp.swapaxes(user_table, 0, 1), jnp.swapaxes(user_xij1_table, 0, 1),
      jnp.swapaxes(user_xij0_table, 0, 1), jnp.swapaxes(item_table, 0, 1),
      jnp.swapaxes(item_xij1_table, 0, 1))

  mesh = plsc.VectorSubcoreMesh(core_axis_name="c", subcore_axis_name="s")
  run = functools.partial(
      pl.kernel,
      out_type=jax.ShapeDtypeStruct((B,), jnp.float32),
      mesh=mesh,
      compiler_params=pltpu.CompilerParams(needs_layout_passes=False,
                                           use_tc_tiling_on_sc=False),
      scratch_types=[
          pltpu.VMEM((RPW,), jnp.int32),
          pltpu.VMEM((RPW,), jnp.int32),
          pltpu.VMEM((RPW,), jnp.int32),
          pltpu.VMEM((RPW, UW), jnp.float32),
          pltpu.VMEM((RPW, IW), jnp.float32),
          pltpu.VMEM((RPW,), jnp.float32),
          pltpu.SemaphoreType.DMA,
      ],
  )(_sc_body)
  return run(users.astype(jnp.int32), items.astype(jnp.int32),
             xij.astype(jnp.int32), ucat, icat)

# --- scband reference (transcript-rebuilt; emitter-appended) ---
"""Pipeline reference for scband-var-mf-xij-symmetric-personal-50534585204894 (READ-ONLY COPY).

The authoritative reference and input builder live on the scoring server;
editing this copy changes nothing except your own understanding.
"""

import jax, jax.numpy as jnp
import numpy as np

NUM_USERS = 100000
NUM_ITEMS = 100000
LATENT_DIM = 64
XIJ_DIM = 16
BATCH = 16384


def setup_inputs(seed: int = 0) -> dict:
    key = jax.random.key(seed)
    ks = jax.random.split(key, 9)
    users = jax.random.randint(ks[0], (BATCH,), 0, NUM_USERS)
    items = jax.random.randint(ks[1], (BATCH,), 0, NUM_ITEMS)
    xij = jax.random.randint(ks[2], (BATCH,), 0, 2)
    user_table = jax.random.normal(ks[3], (NUM_USERS, LATENT_DIM), dtype=jnp.float32)
    item_table = jax.random.normal(ks[4], (NUM_ITEMS, LATENT_DIM), dtype=jnp.float32)
    item_xij1_table = jax.random.normal(ks[5], (NUM_ITEMS, XIJ_DIM), dtype=jnp.float32)
    item_xij0_table = jax.random.normal(ks[6], (NUM_ITEMS, XIJ_DIM), dtype=jnp.float32)
    user_xij1_table = jax.random.normal(ks[7], (NUM_USERS, XIJ_DIM), dtype=jnp.float32)
    user_xij0_table = jax.random.normal(ks[8], (NUM_USERS, XIJ_DIM), dtype=jnp.float32)
    return {
        "users": users,
        "items": items,
        "xij": xij,
        "user_table": user_table,
        "item_table": item_table,
        "item_xij1_table": item_xij1_table,
        "item_xij0_table": item_xij0_table,
        "user_xij1_table": user_xij1_table,
        "user_xij0_table": user_xij0_table,
    }


def reference(users, items, xij, user_table, item_table, item_xij1_table,
              item_xij0_table, user_xij1_table, user_xij0_table):
    mask = xij.astype(bool)
    m = mask[:, None]
    users_lat = jnp.take(user_table, users, axis=0)
    items_lat = jnp.take(item_table, items, axis=0)
    # first pair of masked scatter-writes into xij_item_emb
    xij_item_emb = jnp.where(m,
                             jnp.take(item_xij1_table, items, axis=0),
                             jnp.take(item_xij0_table, items, axis=0))
    # xij_user_emb: only the xij==1 rows are written; xij==0 rows stay zero
    xij_user_emb = jnp.where(m,
                             jnp.take(user_xij1_table, users, axis=0),
                             jnp.zeros((users.shape[0], XIJ_DIM), dtype=jnp.float32))
    # faithful to the original code: the last assignment overwrites the
    # ~xij rows of xij_item_emb with embedding_user_xij0(users)
    xij_item_emb = jnp.where(m,
                             xij_item_emb,
                             jnp.take(user_xij0_table, users, axis=0))
    users_emb = jax.nn.sigmoid(jnp.concatenate([users_lat, xij_user_emb], axis=1))
    items_emb = jax.nn.softmax(jnp.concatenate([items_lat, xij_item_emb], axis=1), axis=1)
    inner_pro = users_emb * items_emb
    rating = jnp.sum(inner_pro, axis=1)
    return rating

if __name__ == "__main__":
    import jax
    _d = setup_inputs()
    print(jax.jit(kernel)(*tuple(_d.values())))

</pallas_src>

<mosaic_0001>
#map = affine_map<(d0, d1) -> (0)>
#map1 = affine_map<(d0, d1) -> (0, 0)>
module attributes {stable_mosaic.version = 14 : i64} {
  func.func @_sc_body(%arg0: i32, %arg1: i32, %arg2: memref<16384xi32, #tpu.memory_space<hbm>>, %arg3: memref<16384xi32, #tpu.memory_space<hbm>>, %arg4: memref<16384xi32, #tpu.memory_space<hbm>>, %arg5: memref<100000x96xf32, #tpu.memory_space<hbm>>, %arg6: memref<100000x80xf32, #tpu.memory_space<hbm>>, %arg7: memref<16384xf32, #tpu.memory_space<hbm>>, %arg8: memref<512xi32, #tpu.memory_space<vmem>>, %arg9: memref<512xi32, #tpu.memory_space<vmem>>, %arg10: memref<512xi32, #tpu.memory_space<vmem>>, %arg11: memref<512x96xf32, #tpu.memory_space<vmem>>, %arg12: memref<512x80xf32, #tpu.memory_space<vmem>>, %arg13: memref<512xf32, #tpu.memory_space<vmem>>, %arg14: memref<!tpu.dma_semaphore, #tpu.memory_space<semaphore_mem>>) attributes {dimension_semantics = [#tpu.dimension_semantics<core_parallel>, #tpu.dimension_semantics<subcore_parallel>], iteration_bounds = array<i64: 2, 16>, scalar_prefetch = 0 : i64, scratch_operands = 7 : i64, tpu.core_type = #tpu.core_type<sc_vector_subcore>, window_params = [{transform_indices = #map}, {transform_indices = #map}, {transform_indices = #map}, {transform_indices = #map1}, {transform_indices = #map1}, {transform_indices = #map}]} {
    %mul3A = arith.constant 2 : i32
    %mul3A_0 = arith.muli %arg1, %mul3A : i32
    %add3A = arith.addi %mul3A_0, %arg0 : i32
    %mul3A_1 = arith.constant 512 : i32
    %mul3A_2 = arith.muli %add3A, %mul3A_1 : i32
    "tpu.region"() ({
      %run_scoped3A = tpu.sem_alloc : memref<!tpu.dma_semaphore, #tpu.memory_space<semaphore_mem>>
      %dma_start3A_131 = tpu.memref_slice %arg2[%mul3A_2] : memref<16384xi32, #tpu.memory_space<hbm>> -> memref<512xi32, #tpu.memory_space<hbm>>
      %dma_start3A_132 = tpu.memref_slice %arg2[%mul3A_2] : memref<16384xi32, #tpu.memory_space<hbm>> -> memref<512xi32, #tpu.memory_space<hbm>>
      tpu.enqueue_dma source(%dma_start3A_132 : memref<512xi32, #tpu.memory_space<hbm>>) target(%arg8 : memref<512xi32, #tpu.memory_space<vmem>>) target_semaphore(%run_scoped3A : memref<!tpu.dma_semaphore, #tpu.memory_space<semaphore_mem>>)
      %dma_wait3A_133 = tpu.memref_slice %arg2[%mul3A_2] : memref<16384xi32, #tpu.memory_space<hbm>> -> memref<512xi32, #tpu.memory_space<hbm>>
      %dma_wait3A_134 = tpu.memref_slice %arg2[%mul3A_2] : memref<16384xi32, #tpu.memory_space<hbm>> -> memref<512xi32, #tpu.memory_space<hbm>>
      tpu.wait_dma2 semaphore(%run_scoped3A : memref<!tpu.dma_semaphore, #tpu.memory_space<semaphore_mem>>) src(%dma_wait3A_134 : memref<512xi32, #tpu.memory_space<hbm>>) dst(%arg8 : memref<512xi32, #tpu.memory_space<vmem>>)
      tpu.yield
    }) : () -> ()
    "tpu.region"() ({
      %run_scoped3A = tpu.sem_alloc : memref<!tpu.dma_semaphore, #tpu.memory_space<semaphore_mem>>
      %dma_start3A_131 = tpu.memref_slice %arg3[%mul3A_2] : memref<16384xi32, #tpu.memory_space<hbm>> -> memref<512xi32, #tpu.memory_space<hbm>>
      %dma_start3A_132 = tpu.memref_slice %arg3[%mul3A_2] : memref<16384xi32, #tpu.memory_space<hbm>> -> memref<512xi32, #tpu.memory_space<hbm>>
      tpu.enqueue_dma source(%dma_start3A_132 : memref<512xi32, #tpu.memory_space<hbm>>) target(%arg9 : memref<512xi32, #tpu.memory_space<vmem>>) target_semaphore(%run_scoped3A : memref<!tpu.dma_semaphore, #tpu.memory_space<semaphore_mem>>)
      %dma_wait3A_133 = tpu.memref_slice %arg3[%mul3A_2] : memref<16384xi32, #tpu.memory_space<hbm>> -> memref<512xi32, #tpu.memory_space<hbm>>
      %dma_wait3A_134 = tpu.memref_slice %arg3[%mul3A_2] : memref<16384xi32, #tpu.memory_space<hbm>> -> memref<512xi32, #tpu.memory_space<hbm>>
      tpu.wait_dma2 semaphore(%run_scoped3A : memref<!tpu.dma_semaphore, #tpu.memory_space<semaphore_mem>>) src(%dma_wait3A_134 : memref<512xi32, #tpu.memory_space<hbm>>) dst(%arg9 : memref<512xi32, #tpu.memory_space<vmem>>)
      tpu.yield
    }) : () -> ()
    "tpu.region"() ({
      %run_scoped3A = tpu.sem_alloc : memref<!tpu.dma_semaphore, #tpu.memory_space<semaphore_mem>>
      %dma_start3A_131 = tpu.memref_slice %arg4[%mul3A_2] : memref<16384xi32, #tpu.memory_space<hbm>> -> memref<512xi32, #tpu.memory_space<hbm>>
      %dma_start3A_132 = tpu.memref_slice %arg4[%mul3A_2] : memref<16384xi32, #tpu.memory_space<hbm>> -> memref<512xi32, #tpu.memory_space<hbm>>
      tpu.enqueue_dma source(%dma_start3A_132 : memref<512xi32, #tpu.memory_space<hbm>>) target(%arg10 : memref<512xi32, #tpu.memory_space<vmem>>) target_semaphore(%run_scoped3A : memref<!tpu.dma_semaphore, #tpu.memory_space<semaphore_mem>>)
      %dma_wait3A_133 = tpu.memref_slice %arg4[%mul3A_2] : memref<16384xi32, #tpu.memory_space<hbm>> -> memref<512xi32, #tpu.memory_space<hbm>>
      %dma_wait3A_134 = tpu.memref_slice %arg4[%mul3A_2] : memref<16384xi32, #tpu.memory_space<hbm>> -> memref<512xi32, #tpu.memory_space<hbm>>
      tpu.wait_dma2 semaphore(%run_scoped3A : memref<!tpu.dma_semaphore, #tpu.memory_space<semaphore_mem>>) src(%dma_wait3A_134 : memref<512xi32, #tpu.memory_space<hbm>>) dst(%arg10 : memref<512xi32, #tpu.memory_space<vmem>>)
      tpu.yield
    }) : () -> ()
    %dma_start3A = arith.constant 0 : i32
    %dma_start3A_3 = arith.constant 0 : i32
    %dma_start3A_4 = tpu.memref_slice %arg11[%dma_start3A, %dma_start3A_3] : memref<512x96xf32, #tpu.memory_space<vmem>> -> memref<128x96xf32, #tpu.memory_space<vmem>>
    %dma_start3A_5 = arith.constant 0 : i32
    %dma_start3A_6 = tpu.memref_slice %arg8[%dma_start3A_5] : memref<512xi32, #tpu.memory_space<vmem>> -> memref<128xi32, #tpu.memory_space<vmem>>
    %dma_start3A_7 = arith.constant 0 : i32
    %dma_start3A_8 = arith.constant 0 : i32
    %dma_start3A_9 = tpu.memref_slice %arg5[%dma_start3A_7, %dma_start3A_8] : memref<100000x96xf32, #tpu.memory_space<hbm>> -> memref<100000x96xf32, #tpu.memory_space<hbm>>
    tpu.enqueue_indirect_dma source(%dma_start3A_9 : memref<100000x96xf32, #tpu.memory_space<hbm>>) target(%dma_start3A_4 : memref<128x96xf32, #tpu.memory_space<vmem>>) offsets(%dma_start3A_6 : memref<128xi32, #tpu.memory_space<vmem>>) semaphore(%arg14 : memref<!tpu.dma_semaphore, #tpu.memory_space<semaphore_mem>>)
    %dma_start3A_10 = arith.constant 0 : i32
    %dma_start3A_11 = arith.constant 0 : i32
    %dma_start3A_12 = tpu.memref_slice %arg12[%dma_start3A_10, %dma_start3A_11] : memref<512x80xf32, #tpu.memory_space<vmem>> -> memref<128x80xf32, #tpu.memory_space<vmem>>
    %dma_start3A_13 = arith.constant 0 : i32
    %dma_start3A_14 = tpu.memref_slice %arg9[%dma_start3A_13] : memref<512xi32, #tpu.memory_space<vmem>> -> memref<128xi32, #tpu.memory_space<vmem>>
    %dma_start3A_15 = arith.constant 0 : i32
    %dma_start3A_16 = arith.constant 0 : i32
    %dma_start3A_17 = tpu.memref_slice %arg6[%dma_start3A_15, %dma_start3A_16] : memref<100000x80xf32, #tpu.memory_space<hbm>> -> memref<100000x80xf32, #tpu.memory_space<hbm>>
    tpu.enqueue_indirect_dma source(%dma_start3A_17 : memref<100000x80xf32, #tpu.memory_space<hbm>>) target(%dma_start3A_12 : memref<128x80xf32, #tpu.memory_space<vmem>>) offsets(%dma_start3A_14 : memref<128xi32, #tpu.memory_space<vmem>>) semaphore(%arg14 : memref<!tpu.dma_semaphore, #tpu.memory_space<semaphore_mem>>)
    %dma_start3A_18 = arith.constant 128 : i32
    %dma_start3A_19 = arith.constant 0 : i32
    %dma_start3A_20 = tpu.memref_slice %arg11[%dma_start3A_18, %dma_start3A_19] : memref<512x96xf32, #tpu.memory_space<vmem>> -> memref<128x96xf32, #tpu.memory_space<vmem>>
    %dma_start3A_21 = arith.constant 128 : i32
    %dma_start3A_22 = tpu.memref_slice %arg8[%dma_start3A_21] : memref<512xi32, #tpu.memory_space<vmem>> -> memref<128xi32, #tpu.memory_space<vmem>>
    %dma_start3A_23 = arith.constant 0 : i32
    %dma_start3A_24 = arith.constant 0 : i32
    %dma_start3A_25 = tpu.memref_slice %arg5[%dma_start3A_23, %dma_start3A_24] : memref<100000x96xf32, #tpu.memory_space<hbm>> -> memref<100000x96xf32, #tpu.memory_space<hbm>>
    tpu.enqueue_indirect_dma source(%dma_start3A_25 : memref<100000x96xf32, #tpu.memory_space<hbm>>) target(%dma_start3A_20 : memref<128x96xf32, #tpu.memory_space<vmem>>) offsets(%dma_start3A_22 : memref<128xi32, #tpu.memory_space<vmem>>) semaphore(%arg14 : memref<!tpu.dma_semaphore, #tpu.memory_space<semaphore_mem>>)
    %dma_start3A_26 = arith.constant 128 : i32
    %dma_start3A_27 = arith.constant 0 : i32
    %dma_start3A_28 = tpu.memref_slice %arg12[%dma_start3A_26, %dma_start3A_27] : memref<512x80xf32, #tpu.memory_space<vmem>> -> memref<128x80xf32, #tpu.memory_space<vmem>>
    %dma_start3A_29 = arith.constant 128 : i32
    %dma_start3A_30 = tpu.memref_slice %arg9[%dma_start3A_29] : memref<512xi32, #tpu.memory_space<vmem>> -> memref<128xi32, #tpu.memory_space<vmem>>
    %dma_start3A_31 = arith.constant 0 : i32
    %dma_start3A_32 = arith.constant 0 : i32
    %dma_start3A_33 = tpu.memref_slice %arg6[%dma_start3A_31, %dma_start3A_32] : memref<100000x80xf32, #tpu.memory_space<hbm>> -> memref<100000x80xf32, #tpu.memory_space<hbm>>
    tpu.enqueue_indirect_dma source(%dma_start3A_33 : memref<100000x80xf32, #tpu.memory_space<hbm>>) target(%dma_start3A_28 : memref<128x80xf32, #tpu.memory_space<vmem>>) offsets(%dma_start3A_30 : memref<128xi32, #tpu.memory_space<vmem>>) semaphore(%arg14 : memref<!tpu.dma_semaphore, #tpu.memory_space<semaphore_mem>>)
    %dma_start3A_34 = arith.constant 256 : i32
    %dma_start3A_35 = arith.constant 0 : i32
    %dma_start3A_36 = tpu.memref_slice %arg11[%dma_start3A_34, %dma_start3A_35] : memref<512x96xf32, #tpu.memory_space<vmem>> -> memref<128x96xf32, #tpu.memory_space<vmem>>
    %dma_start3A_37 = arith.constant 256 : i32
    %dma_start3A_38 = tpu.memref_slice %arg8[%dma_start3A_37] : memref<512xi32, #tpu.memory_space<vmem>> -> memref<128xi32, #tpu.memory_space<vmem>>
    %dma_start3A_39 = arith.constant 0 : i32
    %dma_start3A_40 = arith.constant 0 : i32
    %dma_start3A_41 = tpu.memref_slice %arg5[%dma_start3A_39, %dma_start3A_40] : memref<100000x96xf32, #tpu.memory_space<hbm>> -> memref<100000x96xf32, #tpu.memory_space<hbm>>
    tpu.enqueue_indirect_dma source(%dma_start3A_41 : memref<100000x96xf32, #tpu.memory_space<hbm>>) target(%dma_start3A_36 : memref<128x96xf32, #tpu.memory_space<vmem>>) offsets(%dma_start3A_38 : memref<128xi32, #tpu.memory_space<vmem>>) semaphore(%arg14 : memref<!tpu.dma_semaphore, #tpu.memory_space<semaphore_mem>>)
    %dma_start3A_42 = arith.constant 256 : i32
    %dma_start3A_43 = arith.constant 0 : i32
    %dma_start3A_44 = tpu.memref_slice %arg12[%dma_start3A_42, %dma_start3A_43] : memref<512x80xf32, #tpu.memory_space<vmem>> -> memref<128x80xf32, #tpu.memory_space<vmem>>
    %dma_start3A_45 = arith.constant 256 : i32
    %dma_start3A_46 = tpu.memref_slice %arg9[%dma_start3A_45] : memref<512xi32, #tpu.memory_space<vmem>> -> memref<128xi32, #tpu.memory_space<vmem>>
    %dma_start3A_47 = arith.constant 0 : i32
    %dma_start3A_48 = arith.constant 0 : i32
    %dma_start3A_49 = tpu.memref_slice %arg6[%dma_start3A_47, %dma_start3A_48] : memref<100000x80xf32, #tpu.memory_space<hbm>> -> memref<100000x80xf32, #tpu.memory_space<hbm>>
    tpu.enqueue_indirect_dma source(%dma_start3A_49 : memref<100000x80xf32, #tpu.memory_space<hbm>>) target(%dma_start3A_44 : memref<128x80xf32, #tpu.memory_space<vmem>>) offsets(%dma_start3A_46 : memref<128xi32, #tpu.memory_space<vmem>>) semaphore(%arg14 : memref<!tpu.dma_semaphore, #tpu.memory_space<semaphore_mem>>)
    %dma_start3A_50 = arith.constant 384 : i32
    %dma_start3A_51 = arith.constant 0 : i32
    %dma_start3A_52 = tpu.memref_slice %arg11[%dma_start3A_50, %dma_start3A_51] : memref<512x96xf32, #tpu.memory_space<vmem>> -> memref<128x96xf32, #tpu.memory_space<vmem>>
    %dma_start3A_53 = arith.constant 384 : i32
    %dma_start3A_54 = tpu.memref_slice %arg8[%dma_start3A_53] : memref<512xi32, #tpu.memory_space<vmem>> -> memref<128xi32, #tpu.memory_space<vmem>>
    %dma_start3A_55 = arith.constant 0 : i32
    %dma_start3A_56 = arith.constant 0 : i32
    %dma_start3A_57 = tpu.memref_slice %arg5[%dma_start3A_55, %dma_start3A_56] : memref<100000x96xf32, #tpu.memory_space<hbm>> -> memref<100000x96xf32, #tpu.memory_space<hbm>>
    tpu.enqueue_indirect_dma source(%dma_start3A_57 : memref<100000x96xf32, #tpu.memory_space<hbm>>) target(%dma_start3A_52 : memref<128x96xf32, #tpu.memory_space<vmem>>) offsets(%dma_start3A_54 : memref<128xi32, #tpu.memory_space<vmem>>) semaphore(%arg14 : memref<!tpu.dma_semaphore, #tpu.memory_space<semaphore_mem>>)
    %dma_start3A_58 = arith.constant 384 : i32
    %dma_start3A_59 = arith.constant 0 : i32
    %dma_start3A_60 = tpu.memref_slice %arg12[%dma_start3A_58, %dma_start3A_59] : memref<512x80xf32, #tpu.memory_space<vmem>> -> memref<128x80xf32, #tpu.memory_space<vmem>>
    %dma_start3A_61 = arith.constant 384 : i32
    %dma_start3A_62 = tpu.memref_slice %arg9[%dma_start3A_61] : memref<512xi32, #tpu.memory_space<vmem>> -> memref<128xi32, #tpu.memory_space<vmem>>
    %dma_start3A_63 = arith.constant 0 : i32
    %dma_start3A_64 = arith.constant 0 : i32
    %dma_start3A_65 = tpu.memref_slice %arg6[%dma_start3A_63, %dma_start3A_64] : memref<100000x80xf32, #tpu.memory_space<hbm>> -> memref<100000x80xf32, #tpu.memory_space<hbm>>
    tpu.enqueue_indirect_dma source(%dma_start3A_65 : memref<100000x80xf32, #tpu.memory_space<hbm>>) target(%dma_start3A_60 : memref<128x80xf32, #tpu.memory_space<vmem>>) offsets(%dma_start3A_62 : memref<128xi32, #tpu.memory_space<vmem>>) semaphore(%arg14 : memref<!tpu.dma_semaphore, #tpu.memory_space<semaphore_mem>>)
    %dma_wait3A = arith.constant 0 : i32
    %dma_wait3A_66 = arith.constant 0 : i32
    %dma_wait3A_67 = tpu.memref_slice %arg11[%dma_wait3A, %dma_wait3A_66] : memref<512x96xf32, #tpu.memory_space<vmem>> -> memref<128x96xf32, #tpu.memory_space<vmem>>
    %dma_wait3A_68 = arith.constant 0 : i32
    %dma_wait3A_69 = tpu.memref_slice %arg8[%dma_wait3A_68] : memref<512xi32, #tpu.memory_space<vmem>> -> memref<128xi32, #tpu.memory_space<vmem>>
    %dma_wait3A_70 = arith.constant 0 : i32
    %dma_wait3A_71 = arith.constant 0 : i32
    %dma_wait3A_72 = tpu.memref_slice %arg5[%dma_wait3A_70, %dma_wait3A_71] : memref<100000x96xf32, #tpu.memory_space<hbm>> -> memref<100000x96xf32, #tpu.memory_space<hbm>>
    tpu.wait_indirect_dma semaphore(%arg14 : memref<!tpu.dma_semaphore, #tpu.memory_space<semaphore_mem>>) src(%dma_wait3A_72 : memref<100000x96xf32, #tpu.memory_space<hbm>>) dst(%dma_wait3A_67 : memref<128x96xf32, #tpu.memory_space<vmem>>)
    %dma_wait3A_73 = arith.constant 0 : i32
    %dma_wait3A_74 = arith.constant 0 : i32
    %dma_wait3A_75 = tpu.memref_slice %arg12[%dma_wait3A_73, %dma_wait3A_74] : memref<512x80xf32, #tpu.memory_space<vmem>> -> memref<128x80xf32, #tpu.memory_space<vmem>>
    %dma_wait3A_76 = arith.constant 0 : i32
    %dma_wait3A_77 = tpu.memref_slice %arg9[%dma_wait3A_76] : memref<512xi32, #tpu.memory_space<vmem>> -> memref<128xi32, #tpu.memory_space<vmem>>
    %dma_wait3A_78 = arith.constant 0 : i32
    %dma_wait3A_79 = arith.constant 0 : i32
    %dma_wait3A_80 = tpu.memref_slice %arg6[%dma_wait3A_78, %dma_wait3A_79] : memref<100000x80xf32, #tpu.memory_space<hbm>> -> memref<100000x80xf32, #tpu.memory_space<hbm>>
    tpu.wait_indirect_dma semaphore(%arg14 : memref<!tpu.dma_semaphore, #tpu.memory_space<semaphore_mem>>) src(%dma_wait3A_80 : memref<100000x80xf32, #tpu.memory_space<hbm>>) dst(%dma_wait3A_75 : memref<128x80xf32, #tpu.memory_space<vmem>>)
    %dma_wait3A_81 = arith.constant 128 : i32
    %dma_wait3A_82 = arith.constant 0 : i32
    %dma_wait3A_83 = tpu.memref_slice %arg11[%dma_wait3A_81, %dma_wait3A_82] : memref<512x96xf32, #tpu.memory_space<vmem>> -> memref<128x96xf32, #tpu.memory_space<vmem>>
    %dma_wait3A_84 = arith.constant 128 : i32
    %dma_wait3A_85 = tpu.memref_slice %arg8[%dma_wait3A_84] : memref<512xi32, #tpu.memory_space<vmem>> -> memref<128xi32, #tpu.memory_space<vmem>>
    %dma_wait3A_86 = arith.constant 0 : i32
    %dma_wait3A_87 = arith.constant 0 : i32
    %dma_wait3A_88 = tpu.memref_slice %arg5[%dma_wait3A_86, %dma_wait3A_87] : memref<100000x96xf32, #tpu.memory_space<hbm>> -> memref<100000x96xf32, #tpu.memory_space<hbm>>
    tpu.wait_indirect_dma semaphore(%arg14 : memref<!tpu.dma_semaphore, #tpu.memory_space<semaphore_mem>>) src(%dma_wait3A_88 : memref<100000x96xf32, #tpu.memory_space<hbm>>) dst(%dma_wait3A_83 : memref<128x96xf32, #tpu.memory_space<vmem>>)
    %dma_wait3A_89 = arith.constant 128 : i32
    %dma_wait3A_90 = arith.constant 0 : i32
    %dma_wait3A_91 = tpu.memref_slice %arg12[%dma_wait3A_89, %dma_wait3A_90] : memref<512x80xf32, #tpu.memory_space<vmem>> -> memref<128x80xf32, #tpu.memory_space<vmem>>
    %dma_wait3A_92 = arith.constant 128 : i32
    %dma_wait3A_93 = tpu.memref_slice %arg9[%dma_wait3A_92] : memref<512xi32, #tpu.memory_space<vmem>> -> memref<128xi32, #tpu.memory_space<vmem>>
    %dma_wait3A_94 = arith.constant 0 : i32
    %dma_wait3A_95 = arith.constant 0 : i32
    %dma_wait3A_96 = tpu.memref_slice %arg6[%dma_wait3A_94, %dma_wait3A_95] : memref<100000x80xf32, #tpu.memory_space<hbm>> -> memref<100000x80xf32, #tpu.memory_space<hbm>>
    tpu.wait_indirect_dma semaphore(%arg14 : memref<!tpu.dma_semaphore, #tpu.memory_space<semaphore_mem>>) src(%dma_wait3A_96 : memref<100000x80xf32, #tpu.memory_space<hbm>>) dst(%dma_wait3A_91 : memref<128x80xf32, #tpu.memory_space<vmem>>)
    %dma_wait3A_97 = arith.constant 256 : i32
    %dma_wait3A_98 = arith.constant 0 : i32
    %dma_wait3A_99 = tpu.memref_slice %arg11[%dma_wait3A_97, %dma_wait3A_98] : memref<512x96xf32, #tpu.memory_space<vmem>> -> memref<128x96xf32, #tpu.memory_space<vmem>>
    %dma_wait3A_100 = arith.constant 256 : i32
    %dma_wait3A_101 = tpu.memref_slice %arg8[%dma_wait3A_100] : memref<512xi32, #tpu.memory_space<vmem>> -> memref<128xi32, #tpu.memory_space<vmem>>
    %dma_wait3A_102 = arith.constant 0 : i32
    %dma_wait3A_103 = arith.constant 0 : i32
    %dma_wait3A_104 = tpu.memref_slice %arg5[%dma_wait3A_102, %dma_wait3A_103] : memref<100000x96xf32, #tpu.memory_space<hbm>> -> memref<100000x96xf32, #tpu.memory_space<hbm>>
    tpu.wait_indirect_dma semaphore(%arg14 : memref<!tpu.dma_semaphore, #tpu.memory_space<semaphore_mem>>) src(%dma_wait3A_104 : memref<100000x96xf32, #tpu.memory_space<hbm>>) dst(%dma_wait3A_99 : memref<128x96xf32, #tpu.memory_space<vmem>>)
    %dma_wait3A_105 = arith.constant 256 : i32
    %dma_wait3A_106 = arith.constant 0 : i32
    %dma_wait3A_107 = tpu.memref_slice %arg12[%dma_wait3A_105, %dma_wait3A_106] : memref<512x80xf32, #tpu.memory_space<vmem>> -> memref<128x80xf32, #tpu.memory_space<vmem>>
    %dma_wait3A_108 = arith.constant 256 : i32
    %dma_wait3A_109 = tpu.memref_slice %arg9[%dma_wait3A_108] : memref<512xi32, #tpu.memory_space<vmem>> -> memref<128xi32, #tpu.memory_space<vmem>>
    %dma_wait3A_110 = arith.constant 0 : i32
    %dma_wait3A_111 = arith.constant 0 : i32
    %dma_wait3A_112 = tpu.memref_slice %arg6[%dma_wait3A_110, %dma_wait3A_111] : memref<100000x80xf32, #tpu.memory_space<hbm>> -> memref<100000x80xf32, #tpu.memory_space<hbm>>
    tpu.wait_indirect_dma semaphore(%arg14 : memref<!tpu.dma_semaphore, #tpu.memory_space<semaphore_mem>>) src(%dma_wait3A_112 : memref<100000x80xf32, #tpu.memory_space<hbm>>) dst(%dma_wait3A_107 : memref<128x80xf32, #tpu.memory_space<vmem>>)
    %dma_wait3A_113 = arith.constant 384 : i32
    %dma_wait3A_114 = arith.constant 0 : i32
    %dma_wait3A_115 = tpu.memref_slice %arg11[%dma_wait3A_113, %dma_wait3A_114] : memref<512x96xf32, #tpu.memory_space<vmem>> -> memref<128x96xf32, #tpu.memory_space<vmem>>
    %dma_wait3A_116 = arith.constant 384 : i32
    %dma_wait3A_117 = tpu.memref_slice %arg8[%dma_wait3A_116] : memref<512xi32, #tpu.memory_space<vmem>> -> memref<128xi32, #tpu.memory_space<vmem>>
    %dma_wait3A_118 = arith.constant 0 : i32
    %dma_wait3A_119 = arith.constant 0 : i32
    %dma_wait3A_120 = tpu.memref_slice %arg5[%dma_wait3A_118, %dma_wait3A_119] : memref<100000x96xf32, #tpu.memory_space<hbm>> -> memref<100000x96xf32, #tpu.memory_space<hbm>>
    tpu.wait_indirect_dma semaphore(%arg14 : memref<!tpu.dma_semaphore, #tpu.memory_space<semaphore_mem>>) src(%dma_wait3A_120 : memref<100000x96xf32, #tpu.memory_space<hbm>>) dst(%dma_wait3A_115 : memref<128x96xf32, #tpu.memory_space<vmem>>)
    %dma_wait3A_121 = arith.constant 384 : i32
    %dma_wait3A_122 = arith.constant 0 : i32
    %dma_wait3A_123 = tpu.memref_slice %arg12[%dma_wait3A_121, %dma_wait3A_122] : memref<512x80xf32, #tpu.memory_space<vmem>> -> memref<128x80xf32, #tpu.memory_space<vmem>>
    %dma_wait3A_124 = arith.constant 384 : i32
    %dma_wait3A_125 = tpu.memref_slice %arg9[%dma_wait3A_124] : memref<512xi32, #tpu.memory_space<vmem>> -> memref<128xi32, #tpu.memory_space<vmem>>
    %dma_wait3A_126 = arith.constant 0 : i32
    %dma_wait3A_127 = arith.constant 0 : i32
    %dma_wait3A_128 = tpu.memref_slice %arg6[%dma_wait3A_126, %dma_wait3A_127] : memref<100000x80xf32, #tpu.memory_space<hbm>> -> memref<100000x80xf32, #tpu.memory_space<hbm>>
    tpu.wait_indirect_dma semaphore(%arg14 : memref<!tpu.dma_semaphore, #tpu.memory_space<semaphore_mem>>) src(%dma_wait3A_128 : memref<100000x80xf32, #tpu.memory_space<hbm>>) dst(%dma_wait3A_123 : memref<128x80xf32, #tpu.memory_space<vmem>>)
    %iota3A = tpu.iota {dimensions = array<i32: 0>} : vector<16xi32>
    %parallel_loop3A = arith.constant 0 : i32
    %parallel_loop3A_129 = arith.constant 512 : i32
    %parallel_loop3A_130 = arith.constant 1 : i32
    scf.for %parallel_loop3A_131 = %parallel_loop3A to %parallel_loop3A_129 step %parallel_loop3A_130  : i32 {
      %parallel_loop3A_132 = vector.broadcast %parallel_loop3A_131 : i32 to vector<16xi32>
      %parallel_loop3A_133 = tpu.vector_load_idx %arg10[%parallel_loop3A_132] : memref<512xi32, #tpu.memory_space<vmem>>[vector<16xi32>], vector<16xi32>,
      %parallel_loop3A_134 = arith.sitofp %parallel_loop3A_133 : vector<16xi32> to vector<16xf32>
      %parallel_loop3A_135 = arith.index_cast %parallel_loop3A_131 : i32 to index
      %parallel_loop3A_136 = arith.constant 64 : index
      %parallel_loop3A_137 = tpu.vector_load %arg11[%parallel_loop3A_135, %parallel_loop3A_136] {strides = array<i32>} : memref<512x96xf32, #tpu.memory_space<vmem>>, vector<16xf32>,
      %parallel_loop3A_138 = arith.mulf %parallel_loop3A_137, %parallel_loop3A_134 : vector<16xf32>
      %parallel_loop3A_139 = arith.index_cast %parallel_loop3A_131 : i32 to index
      %parallel_loop3A_140 = arith.constant 80 : index
      %parallel_loop3A_141 = tpu.vector_load %arg11[%parallel_loop3A_139, %parallel_loop3A_140] {strides = array<i32>} : memref<512x96xf32, #tpu.memory_space<vmem>>, vector<16xf32>,
      %parallel_loop3A_142 = arith.index_cast %parallel_loop3A_131 : i32 to index
      %parallel_loop3A_143 = arith.constant 64 : index
      %parallel_loop3A_144 = tpu.vector_load %arg12[%parallel_loop3A_142, %parallel_loop3A_143] {strides = array<i32>} : memref<512x80xf32, #tpu.memory_space<vmem>>, vector<16xf32>,
      %parallel_loop3A_145 = arith.subf %parallel_loop3A_144, %parallel_loop3A_141 : vector<16xf32>
      %parallel_loop3A_146 = arith.mulf %parallel_loop3A_145, %parallel_loop3A_134 : vector<16xf32>
      %parallel_loop3A_147 = arith.addf %parallel_loop3A_141, %parallel_loop3A_146 : vector<16xf32>
      %parallel_loop3A_148 = arith.index_cast %parallel_loop3A_131 : i32 to index
      %parallel_loop3A_149 = arith.constant 0 : index
      %parallel_loop3A_150 = tpu.vector_load %arg12[%parallel_loop3A_148, %parallel_loop3A_149] {strides = array<i32>} : memref<512x80xf32, #tpu.memory_space<vmem>>, vector<16xf32>,
      %parallel_loop3A_151 = arith.index_cast %parallel_loop3A_131 : i32 to index
      %parallel_loop3A_152 = arith.constant 16 : index
      %parallel_loop3A_153 = tpu.vector_load %arg12[%parallel_loop3A_151, %parallel_loop3A_152] {strides = array<i32>} : memref<512x80xf32, #tpu.memory_space<vmem>>, vector<16xf32>,
      %parallel_loop3A_154 = arith.index_cast %parallel_loop3A_131 : i32 to index
      %parallel_loop3A_155 = arith.constant 32 : index
      %parallel_loop3A_156 = tpu.vector_load %arg12[%parallel_loop3A_154, %parallel_loop3A_155] {strides = array<i32>} : memref<512x80xf32, #tpu.memory_space<vmem>>, vector<16xf32>,
      %parallel_loop3A_157 = arith.index_cast %parallel_loop3A_131 : i32 to index
      %parallel_loop3A_158 = arith.constant 48 : index
      %parallel_loop3A_159 = tpu.vector_load %arg12[%parallel_loop3A_157, %parallel_loop3A_158] {strides = array<i32>} : memref<512x80xf32, #tpu.memory_space<vmem>>, vector<16xf32>,
      %parallel_loop3A_160 = arith.index_cast %parallel_loop3A_131 : i32 to index
      %parallel_loop3A_161 = arith.constant 0 : index
      %parallel_loop3A_162 = tpu.vector_load %arg11[%parallel_loop3A_160, %parallel_loop3A_161] {strides = array<i32>} : memref<512x96xf32, #tpu.memory_space<vmem>>, vector<16xf32>,
      %parallel_loop3A_163 = arith.index_cast %parallel_loop3A_131 : i32 to index
      %parallel_loop3A_164 = arith.constant 16 : index
      %parallel_loop3A_165 = tpu.vector_load %arg11[%parallel_loop3A_163, %parallel_loop3A_164] {strides = array<i32>} : memref<512x96xf32, #tpu.memory_space<vmem>>, vector<16xf32>,
      %parallel_loop3A_166 = arith.index_cast %parallel_loop3A_131 : i32 to index
      %parallel_loop3A_167 = arith.constant 32 : index
      %parallel_loop3A_168 = tpu.vector_load %arg11[%parallel_loop3A_166, %parallel_loop3A_167] {strides = array<i32>} : memref<512x96xf32, #tpu.memory_space<vmem>>, vector<16xf32>,
      %parallel_loop3A_169 = arith.index_cast %parallel_loop3A_131 : i32 to index
      %parallel_loop3A_170 = arith.constant 48 : index
      %parallel_loop3A_171 = tpu.vector_load %arg11[%parallel_loop3A_169, %parallel_loop3A_170] {strides = array<i32>} : memref<512x96xf32, #tpu.memory_space<vmem>>, vector<16xf32>,
      %parallel_loop3A_172 = arith.maximumf %parallel_loop3A_150, %parallel_loop3A_153 : vector<16xf32>
      %parallel_loop3A_173 = arith.maximumf %parallel_loop3A_156, %parallel_loop3A_159 : vector<16xf32>
      %parallel_loop3A_174 = arith.maximumf %parallel_loop3A_172, %parallel_loop3A_173 : vector<16xf32>
      %parallel_loop3A_175 = arith.maximumf %parallel_loop3A_174, %parallel_loop3A_147 : vector<16xf32>
      %parallel_loop3A_176 = arith.constant true
      %parallel_loop3A_177 = vector.broadcast %parallel_loop3A_176 : i1 to vector<16xi1>
      %parallel_loop3A_178 = tpu.scan <max>, %parallel_loop3A_175 masked %parallel_loop3A_177 : vector<16xf32>, vector<16xi1> -> vector<16xf32>
      %parallel_loop3A_179 = vector.extract %parallel_loop3A_178[15] : f32 from vector<16xf32>
      %parallel_loop3A_180 = vector.broadcast %parallel_loop3A_179 : f32 to vector<16xf32>
      %parallel_loop3A_181 = arith.subf %parallel_loop3A_150, %parallel_loop3A_180 : vector<16xf32>
      %parallel_loop3A_182 = math.exp %parallel_loop3A_181 : vector<16xf32>
      %parallel_loop3A_183 = vector.broadcast %parallel_loop3A_179 : f32 to vector<16xf32>
      %parallel_loop3A_184 = arith.subf %parallel_loop3A_153, %parallel_loop3A_183 : vector<16xf32>
      %parallel_loop3A_185 = math.exp %parallel_loop3A_184 : vector<16xf32>
      %parallel_loop3A_186 = vector.broadcast %parallel_loop3A_179 : f32 to vector<16xf32>
      %parallel_loop3A_187 = arith.subf %parallel_loop3A_156, %parallel_loop3A_186 : vector<16xf32>
      %parallel_loop3A_188 = math.exp %parallel_loop3A_187 : vector<16xf32>
      %parallel_loop3A_189 = vector.broadcast %parallel_loop3A_179 : f32 to vector<16xf32>
      %parallel_loop3A_190 = arith.subf %parallel_loop3A_159, %parallel_loop3A_189 : vector<16xf32>
      %parallel_loop3A_191 = math.exp %parallel_loop3A_190 : vector<16xf32>
      %parallel_loop3A_192 = vector.broadcast %parallel_loop3A_179 : f32 to vector<16xf32>
      %parallel_loop3A_193 = arith.subf %parallel_loop3A_147, %parallel_loop3A_192 : vector<16xf32>
      %parallel_loop3A_194 = math.exp %parallel_loop3A_193 : vector<16xf32>
      %parallel_loop3A_195 = arith.constant 0.000000e+00 : f32
      %parallel_loop3A_196 = vector.broadcast %parallel_loop3A_195 : f32 to vector<16xf32>
      %parallel_loop3A_197 = arith.subf %parallel_loop3A_196, %parallel_loop3A_162 : vector<16xf32>
      %parallel_loop3A_198 = math.exp %parallel_loop3A_197 : vector<16xf32>
      %parallel_loop3A_199 = arith.constant 1.000000e+00 : f32
      %parallel_loop3A_200 = vector.broadcast %parallel_loop3A_199 : f32 to vector<16xf32>
      %parallel_loop3A_201 = arith.addf %parallel_loop3A_200, %parallel_loop3A_198 : vector<16xf32>
      %parallel_loop3A_202 = arith.constant 1.000000e+00 : f32
      %parallel_loop3A_203 = vector.broadcast %parallel_loop3A_202 : f32 to vector<16xf32>
      %parallel_loop3A_204 = arith.divf %parallel_loop3A_203, %parallel_loop3A_201 : vector<16xf32>
      %parallel_loop3A_205 = arith.constant 0.000000e+00 : f32
      %parallel_loop3A_206 = vector.broadcast %parallel_loop3A_205 : f32 to vector<16xf32>
      %parallel_loop3A_207 = arith.subf %parallel_loop3A_206, %parallel_loop3A_165 : vector<16xf32>
      %parallel_loop3A_208 = math.exp %parallel_loop3A_207 : vector<16xf32>
      %parallel_loop3A_209 = arith.constant 1.000000e+00 : f32
      %parallel_loop3A_210 = vector.broadcast %parallel_loop3A_209 : f32 to vector<16xf32>
      %parallel_loop3A_211 = arith.addf %parallel_loop3A_210, %parallel_loop3A_208 : vector<16xf32>
      %parallel_loop3A_212 = arith.constant 1.000000e+00 : f32
      %parallel_loop3A_213 = vector.broadcast %parallel_loop3A_212 : f32 to vector<16xf32>
      %parallel_loop3A_214 = arith.divf %parallel_loop3A_213, %parallel_loop3A_211 : vector<16xf32>
      %parallel_loop3A_215 = arith.constant 0.000000e+00 : f32
      %parallel_loop3A_216 = vector.broadcast %parallel_loop3A_215 : f32 to vector<16xf32>
      %parallel_loop3A_217 = arith.subf %parallel_loop3A_216, %parallel_loop3A_168 : vector<16xf32>
      %parallel_loop3A_218 = math.exp %parallel_loop3A_217 : vector<16xf32>
      %parallel_loop3A_219 = arith.constant 1.000000e+00 : f32
      %parallel_loop3A_220 = vector.broadcast %parallel_loop3A_219 : f32 to vector<16xf32>
      %parallel_loop3A_221 = arith.addf %parallel_loop3A_220, %parallel_loop3A_218 : vector<16xf32>
      %parallel_loop3A_222 = arith.constant 1.000000e+00 : f32
      %parallel_loop3A_223 = vector.broadcast %parallel_loop3A_222 : f32 to vector<16xf32>
      %parallel_loop3A_224 = arith.divf %parallel_loop3A_223, %parallel_loop3A_221 : vector<16xf32>
      %parallel_loop3A_225 = arith.constant 0.000000e+00 : f32
      %parallel_loop3A_226 = vector.broadcast %parallel_loop3A_225 : f32 to vector<16xf32>
      %parallel_loop3A_227 = arith.subf %parallel_loop3A_226, %parallel_loop3A_171 : vector<16xf32>
      %parallel_loop3A_228 = math.exp %parallel_loop3A_227 : vector<16xf32>
      %parallel_loop3A_229 = arith.constant 1.000000e+00 : f32
      %parallel_loop3A_230 = vector.broadcast %parallel_loop3A_229 : f32 to vector<16xf32>
      %parallel_loop3A_231 = arith.addf %parallel_loop3A_230, %parallel_loop3A_228 : vector<16xf32>
      %parallel_loop3A_232 = arith.constant 1.000000e+00 : f32
      %parallel_loop3A_233 = vector.broadcast %parallel_loop3A_232 : f32 to vector<16xf32>
      %parallel_loop3A_234 = arith.divf %parallel_loop3A_233, %parallel_loop3A_231 : vector<16xf32>
      %parallel_loop3A_235 = arith.constant 0.000000e+00 : f32
      %parallel_loop3A_236 = vector.broadcast %parallel_loop3A_235 : f32 to vector<16xf32>
      %parallel_loop3A_237 = arith.subf %parallel_loop3A_236, %parallel_loop3A_138 : vector<16xf32>
      %parallel_loop3A_238 = math.exp %parallel_loop3A_237 : vector<16xf32>
      %parallel_loop3A_239 = arith.constant 1.000000e+00 : f32
      %parallel_loop3A_240 = vector.broadcast %parallel_loop3A_239 : f32 to vector<16xf32>
      %parallel_loop3A_241 = arith.addf %parallel_loop3A_240, %parallel_loop3A_238 : vector<16xf32>
      %parallel_loop3A_242 = arith.constant 1.000000e+00 : f32
      %parallel_loop3A_243 = vector.broadcast %parallel_loop3A_242 : f32 to vector<16xf32>
      %parallel_loop3A_244 = arith.divf %parallel_loop3A_243, %parallel_loop3A_241 : vector<16xf32>
      %parallel_loop3A_245 = arith.addf %parallel_loop3A_182, %parallel_loop3A_185 : vector<16xf32>
      %parallel_loop3A_246 = arith.addf %parallel_loop3A_188, %parallel_loop3A_191 : vector<16xf32>
      %parallel_loop3A_247 = arith.addf %parallel_loop3A_245, %parallel_loop3A_246 : vector<16xf32>
      %parallel_loop3A_248 = arith.addf %parallel_loop3A_247, %parallel_loop3A_194 : vector<16xf32>
      %parallel_loop3A_249 = arith.mulf %parallel_loop3A_204, %parallel_loop3A_182 : vector<16xf32>
      %parallel_loop3A_250 = arith.mulf %parallel_loop3A_214, %parallel_loop3A_185 : vector<16xf32>
      %parallel_loop3A_251 = arith.addf %parallel_loop3A_249, %parallel_loop3A_250 : vector<16xf32>
      %parallel_loop3A_252 = arith.mulf %parallel_loop3A_224, %parallel_loop3A_188 : vector<16xf32>
      %parallel_loop3A_253 = arith.mulf %parallel_loop3A_234, %parallel_loop3A_191 : vector<16xf32>
      %parallel_loop3A_254 = arith.addf %parallel_loop3A_252, %parallel_loop3A_253 : vector<16xf32>
      %parallel_loop3A_255 = arith.addf %parallel_loop3A_251, %parallel_loop3A_254 : vector<16xf32>
      %parallel_loop3A_256 = arith.mulf %parallel_loop3A_244, %parallel_loop3A_194 : vector<16xf32>
      %parallel_loop3A_257 = arith.addf %parallel_loop3A_255, %parallel_loop3A_256 : vector<16xf32>
      %parallel_loop3A_258 = arith.constant true
      %parallel_loop3A_259 = vector.broadcast %parallel_loop3A_258 : i1 to vector<16xi1>
      %parallel_loop3A_260 = tpu.scan <sum>, %parallel_loop3A_257 masked %parallel_loop3A_259 : vector<16xf32>, vector<16xi1> -> vector<16xf32>
      %parallel_loop3A_261 = vector.extract %parallel_loop3A_260[15] : f32 from vector<16xf32>
      %parallel_loop3A_262 = vector.broadcast %parallel_loop3A_261 : f32 to vector<16xf32>
      %parallel_loop3A_263 = arith.constant true
      %parallel_loop3A_264 = vector.broadcast %parallel_loop3A_263 : i1 to vector<16xi1>
      %parallel_loop3A_265 = tpu.scan <sum>, %parallel_loop3A_248 masked %parallel_loop3A_264 : vector<16xf32>, vector<16xi1> -> vector<16xf32>
      %parallel_loop3A_266 = vector.extract %parallel_loop3A_265[15] : f32 from vector<16xf32>
      %parallel_loop3A_267 = vector.broadcast %parallel_loop3A_266 : f32 to vector<16xf32>
      %parallel_loop3A_268 = arith.divf %parallel_loop3A_262, %parallel_loop3A_267 : vector<16xf32>
      %parallel_loop3A_269 = arith.constant 0 : i32
      %parallel_loop3A_270 = vector.broadcast %parallel_loop3A_269 : i32 to vector<16xi32>
      %parallel_loop3A_271 = arith.cmpi eq, %iota3A, %parallel_loop3A_270 : vector<16xi32>
      tpu.vector_store_idx %arg13[%parallel_loop3A_132], %parallel_loop3A_268 masked %parallel_loop3A_271 : memref<512xf32, #tpu.memory_space<vmem>>[vector<16xi32>], vector<16xf32>, vector<16xi1>
    } {sc.loop_unroll_factor = 8 : i64, sc.parallel_access}
    "tpu.region"() ({
      %run_scoped3A = tpu.sem_alloc : memref<!tpu.dma_semaphore, #tpu.memory_space<semaphore_mem>>
      %dma_start3A_131 = tpu.memref_slice %arg7[%mul3A_2] : memref<16384xf32, #tpu.memory_space<hbm>> -> memref<512xf32, #tpu.memory_space<hbm>>
      %dma_start3A_132 = tpu.memref_slice %arg7[%mul3A_2] : memref<16384xf32, #tpu.memory_space<hbm>> -> memref<512xf32, #tpu.memory_space<hbm>>
      tpu.enqueue_dma source(%arg13 : memref<512xf32, #tpu.memory_space<vmem>>) target(%dma_start3A_132 : memref<512xf32, #tpu.memory_space<hbm>>) target_semaphore(%run_scoped3A : memref<!tpu.dma_semaphore, #tpu.memory_space<semaphore_mem>>)
      %dma_wait3A_133 = tpu.memref_slice %arg7[%mul3A_2] : memref<16384xf32, #tpu.memory_space<hbm>> -> memref<512xf32, #tpu.memory_space<hbm>>
      %dma_wait3A_134 = tpu.memref_slice %arg7[%mul3A_2] : memref<16384xf32, #tpu.memory_space<hbm>> -> memref<512xf32, #tpu.memory_space<hbm>>
      tpu.wait_dma2 semaphore(%run_scoped3A : memref<!tpu.dma_semaphore, #tpu.memory_space<semaphore_mem>>) src(%arg13 : memref<512xf32, #tpu.memory_space<vmem>>) dst(%dma_wait3A_134 : memref<512xf32, #tpu.memory_space<hbm>>)
      tpu.yield
    }) : () -> ()
    return
  }
}

module attributes {stable_mosaic.version = 14 : i64} {
  func.func @_tc_transpose_body(%arg0: i32, %arg1: memref<64x1024xf32, #tpu.memory_space<vmem>>, %arg2: memref<16x1024xf32, #tpu.memory_space<vmem>>, %arg3: memref<16x1024xf32, #tpu.memory_space<vmem>>, %arg4: memref<64x1024xf32, #tpu.memory_space<vmem>>, %arg5: memref<16x1024xf32, #tpu.memory_space<vmem>>, %arg6: memref<1024x96xf32, #tpu.memory_space<vmem>>, %arg7: memref<1024x80xf32, #tpu.memory_space<vmem>>) attributes {dimension_semantics = [#tpu.dimension_semantics<arbitrary>], iteration_bounds = array<i64: 98>, scalar_prefetch = 0 : i64, scratch_operands = 0 : i64, tpu.core_type = #tpu.core_type<tc>, window_params = [{transform_indices = @transform_0, window_bounds = array<i64: 64, 1024>}, {transform_indices = @transform_1, window_bounds = array<i64: 16, 1024>}, {transform_indices = @transform_2, window_bounds = array<i64: 16, 1024>}, {transform_indices = @transform_3, window_bounds = array<i64: 64, 1024>}, {transform_indices = @transform_4, window_bounds = array<i64: 16, 1024>}, {transform_indices = @transform_5, window_bounds = array<i64: 1024, 96>}, {transform_indices = @transform_6, window_bounds = array<i64: 1024, 80>}]} {
    %get3A = arith.constant 0 : index
    %get3A_0 = arith.constant 0 : index
    %get3A_1 = vector.load %arg1[%get3A, %get3A_0] : memref<64x1024xf32, #tpu.memory_space<vmem>>, vector<64x1024xf32>
    %iota3A = tpu.iota {dimensions = array<i32: 0>} : vector<64x64xi32>
    %iota3A_2 = tpu.iota {dimensions = array<i32: 1>} : vector<64x64xi32>
    %eq3A = arith.cmpi eq, %iota3A, %iota3A_2 : vector<64x64xi32>
    %convert_element_type3A = arith.extui %eq3A : vector<64x64xi1> to vector<64x64xi32>
    %convert_element_type3A_3 = arith.sitofp %convert_element_type3A : vector<64x64xi32> to vector<64x64xf32>
    %dot_general3A = arith.constant dense<0.000000e+00> : vector<1024x64xf32>
    %dot_general3A_4 = tpu.matmul %get3A_1, %convert_element_type3A_3, %dot_general3A {dimension_numbers = #tpu.dot_dimension_numbers<[0], [0], [1], [1], [0, 1, 1, 1], [], []>, transpose_lhs_hint = false} : vector<64x1024xf32>, vector<64x64xf32>, vector<1024x64xf32> -> vector<1024x64xf32>
    %swap3A = arith.constant 0 : index
    %swap3A_5 = arith.constant 0 : index
    %swap3A_6 = vector.load %arg6[%swap3A, %swap3A_5] : memref<1024x96xf32, #tpu.memory_space<vmem>>, vector<1024x64xf32>
    tpu.vector_store %arg6[%swap3A, %swap3A_5], %dot_general3A_4 {strides = array<i32>} : memref<1024x96xf32, #tpu.memory_space<vmem>>, vector<1024x64xf32>,
    %get3A_7 = arith.constant 0 : index
    %get3A_8 = arith.constant 0 : index
    %get3A_9 = vector.load %arg2[%get3A_7, %get3A_8] : memref<16x1024xf32, #tpu.memory_space<vmem>>, vector<16x1024xf32>
    %iota3A_10 = tpu.iota {dimensions = array<i32: 0>} : vector<16x16xi32>
    %iota3A_11 = tpu.iota {dimensions = array<i32: 1>} : vector<16x16xi32>
    %eq3A_12 = arith.cmpi eq, %iota3A_10, %iota3A_11 : vector<16x16xi32>
    %convert_element_type3A_13 = arith.extui %eq3A_12 : vector<16x16xi1> to vector<16x16xi32>
    %convert_element_type3A_14 = arith.sitofp %convert_element_type3A_13 : vector<16x16xi32> to vector<16x16xf32>
    %dot_general3A_15 = arith.constant dense<0.000000e+00> : vector<1024x16xf32>
    %dot_general3A_16 = tpu.matmul %get3A_9, %convert_element_type3A_14, %dot_general3A_15 {dimension_numbers = #tpu.dot_dimension_numbers<[0], [0], [1], [1], [0, 1, 1, 1], [], []>, transpose_lhs_hint = false} : vector<16x1024xf32>, vector<16x16xf32>, vector<1024x16xf32> -> vector<1024x16xf32>
    %swap3A_17 = arith.constant 0 : index
    %swap3A_18 = arith.constant 64 : index
    %swap3A_19 = vector.load %arg6[%swap3A_17, %swap3A_18] : memref<1024x96xf32, #tpu.memory_space<vmem>>, vector<1024x16xf32>
    tpu.vector_store %arg6[%swap3A_17, %swap3A_18], %dot_general3A_16 {strides = array<i32>} : memref<1024x96xf32, #tpu.memory_space<vmem>>, vector<1024x16xf32>,
    %get3A_20 = arith.constant 0 : index
    %get3A_21 = arith.constant 0 : index
    %get3A_22 = vector.load %arg3[%get3A_20, %get3A_21] : memref<16x1024xf32, #tpu.memory_space<vmem>>, vector<16x1024xf32>
    %iota3A_23 = tpu.iota {dimensions = array<i32: 0>} : vector<16x16xi32>
    %iota3A_24 = tpu.iota {dimensions = array<i32: 1>} : vector<16x16xi32>
    %eq3A_25 = arith.cmpi eq, %iota3A_23, %iota3A_24 : vector<16x16xi32>
    %convert_element_type3A_26 = arith.extui %eq3A_25 : vector<16x16xi1> to vector<16x16xi32>
    %convert_element_type3A_27 = arith.sitofp %convert_element_type3A_26 : vector<16x16xi32> to vector<16x16xf32>
    %dot_general3A_28 = arith.constant dense<0.000000e+00> : vector<1024x16xf32>
    %dot_general3A_29 = tpu.matmul %get3A_22, %convert_element_type3A_27, %dot_general3A_28 {dimension_numbers = #tpu.dot_dimension_numbers<[0], [0], [1], [1], [0, 1, 1, 1], [], []>, transpose_lhs_hint = false} : vector<16x1024xf32>, vector<16x16xf32>, vector<1024x16xf32> -> vector<1024x16xf32>
    %swap3A_30 = arith.constant 0 : index
    %swap3A_31 = arith.constant 80 : index
    %swap3A_32 = vector.load %arg6[%swap3A_30, %swap3A_31] : memref<1024x96xf32, #tpu.memory_space<vmem>>, vector<1024x16xf32>
    tpu.vector_store %arg6[%swap3A_30, %swap3A_31], %dot_general3A_29 {strides = array<i32>} : memref<1024x96xf32, #tpu.memory_space<vmem>>, vector<1024x16xf32>,
    %get3A_33 = arith.constant 0 : index
    %get3A_34 = arith.constant 0 : index
    %get3A_35 = vector.load %arg4[%get3A_33, %get3A_34] : memref<64x1024xf32, #tpu.memory_space<vmem>>, vector<64x1024xf32>
    %iota3A_36 = tpu.iota {dimensions = array<i32: 0>} : vector<64x64xi32>
    %iota3A_37 = tpu.iota {dimensions = array<i32: 1>} : vector<64x64xi32>
    %eq3A_38 = arith.cmpi eq, %iota3A_36, %iota3A_37 : vector<64x64xi32>
    %convert_element_type3A_39 = arith.extui %eq3A_38 : vector<64x64xi1> to vector<64x64xi32>
    %convert_element_type3A_40 = arith.sitofp %convert_element_type3A_39 : vector<64x64xi32> to vector<64x64xf32>
    %dot_general3A_41 = arith.constant dense<0.000000e+00> : vector<1024x64xf32>
    %dot_general3A_42 = tpu.matmul %get3A_35, %convert_element_type3A_40, %dot_general3A_41 {dimension_numbers = #tpu.dot_dimension_numbers<[0], [0], [1], [1], [0, 1, 1, 1], [], []>, transpose_lhs_hint = false} : vector<64x1024xf32>, vector<64x64xf32>, vector<1024x64xf32> -> vector<1024x64xf32>
    %swap3A_43 = arith.constant 0 : index
    %swap3A_44 = arith.constant 0 : index
    %swap3A_45 = vector.load %arg7[%swap3A_43, %swap3A_44] : memref<1024x80xf32, #tpu.memory_space<vmem>>, vector<1024x64xf32>
    tpu.vector_store %arg7[%swap3A_43, %swap3A_44], %dot_general3A_42 {strides = array<i32>} : memref<1024x80xf32, #tpu.memory_space<vmem>>, vector<1024x64xf32>,
    %get3A_46 = arith.constant 0 : index
    %get3A_47 = arith.constant 0 : index
    %get3A_48 = vector.load %arg5[%get3A_46, %get3A_47] : memref<16x1024xf32, #tpu.memory_space<vmem>>, vector<16x1024xf32>
    %iota3A_49 = tpu.iota {dimensions = array<i32: 0>} : vector<16x16xi32>
    %iota3A_50 = tpu.iota {dimensions = array<i32: 1>} : vector<16x16xi32>
    %eq3A_51 = arith.cmpi eq, %iota3A_49, %iota3A_50 : vector<16x16xi32>
    %convert_element_type3A_52 = arith.extui %eq3A_51 : vector<16x16xi1> to vector<16x16xi32>
    %convert_element_type3A_53 = arith.sitofp %convert_element_type3A_52 : vector<16x16xi32> to vector<16x16xf32>
    %dot_general3A_54 = arith.constant dense<0.000000e+00> : vector<1024x16xf32>
    %dot_general3A_55 = tpu.matmul %get3A_48, %convert_element_type3A_53, %dot_general3A_54 {dimension_numbers = #tpu.dot_dimension_numbers<[0], [0], [1], [1], [0, 1, 1, 1], [], []>, transpose_lhs_hint = false} : vector<16x1024xf32>, vector<16x16xf32>, vector<1024x16xf32> -> vector<1024x16xf32>
    %swap3A_56 = arith.constant 0 : index
    %swap3A_57 = arith.constant 64 : index
    %swap3A_58 = vector.load %arg7[%swap3A_56, %swap3A_57] : memref<1024x80xf32, #tpu.memory_space<vmem>>, vector<1024x16xf32>
    tpu.vector_store %arg7[%swap3A_56, %swap3A_57], %dot_general3A_55 {strides = array<i32>} : memref<1024x80xf32, #tpu.memory_space<vmem>>, vector<1024x16xf32>,
    return
  }
  func.func @transform_0(%arg0: i32) -> (i32, i32) {
    %c0_i32 = arith.constant 0 : i32
    %c0_i32_0 = arith.constant 0 : i32
    return %c0_i32, %arg0 : i32, i32
  }
  func.func @transform_1(%arg0: i32) -> (i32, i32) {
    %c0_i32 = arith.constant 0 : i32
    %c0_i32_0 = arith.constant 0 : i32
    return %c0_i32, %arg0 : i32, i32
  }
  func.func @transform_2(%arg0: i32) -> (i32, i32) {
    %c0_i32 = arith.constant 0 : i32
    %c0_i32_0 = arith.constant 0 : i32
    return %c0_i32, %arg0 : i32, i32
  }
  func.func @transform_3(%arg0: i32) -> (i32, i32) {
    %c0_i32 = arith.constant 0 : i32
    %c0_i32_0 = arith.constant 0 : i32
    return %c0_i32, %arg0 : i32, i32
  }
  func.func @transform_4(%arg0: i32) -> (i32, i32) {
    %c0_i32 = arith.constant 0 : i32
    %c0_i32_0 = arith.constant 0 : i32
    return %c0_i32, %arg0 : i32, i32
  }
  func.func @transform_5(%arg0: i32) -> (i32, i32) {
    %c0_i32 = arith.constant 0 : i32
    %c0_i32_0 = arith.constant 0 : i32
    return %arg0, %c0_i32 : i32, i32
  }
  func.func @transform_6(%arg0: i32) -> (i32, i32) {
    %c0_i32 = arith.constant 0 : i32
    %c0_i32_0 = arith.constant 0 : i32
    return %arg0, %c0_i32 : i32, i32
  }
}

</mosaic_0001>

<sc_bundles>
// kernel: kernel.4.cloned.1.call-start
scs
__scs_entry_jumppad:
0x0: {  	(pc) =	sbr.rel $0x88, $3  }
0x1: {  	(tag) =	ssettag $0x0;
	lr =	simm.s32 $0x1  }
0x2: {  	[smem:$0x3F99] =	sst lr;
	_ =	strace $0xD0000000  }
0x3: {  	_ = 	snop  }
0x4: {  	_ = 	snop  }
0x5: {  	_ = 	snop  }
0x6: {  	_ = 	snop  }
0x7: {  	_ = 	snop  }
__scs_overlays_trampoline_lowered:
0x8: {  	[smem:$0x3FA8] =	sst s0  }
0x9: {  	[smem:$0x3FA9] =	sst s1  }
0xa: {  	[smem:$0x3FAA] =	sst s2  }
0xb: {  	[smem:$0x3FAB] =	sst s3  }
0xc: {  	[smem:$0x3FAC] =	sst s4  }
0xd: {  	[smem:$0x3FAD] =	sst s5  }
0xe: {  	[smem:$0x3FAE] =	sst s6  }
0xf: {  	[smem:$0x3FAF] =	sst s7  }
0x10: {  	[smem:$0x3FB0] =	sst s8  }
0x11: {  	[smem:$0x3FB1] =	sst s9;
	s0 =	simm.s32 @!p0 $0x0  }
0x12: {  	s1 =	sld [smem:$0x3F97];
	s0 =	simm.s32 @p0 $0x1  }
0x13: {  	[smem:$0x3FB2] =	sst s0;
	s0 =	simm.s32 @!p1 $0x0  }
0x14: {  	s2 =	sld [smem:$0x3F96];
	s0 =	simm.s32 @p1 $0x1  }
0x15: {  	[smem:$0x3FB3] =	sst s0;
	s0 =	simm.s32 @!p2 $0x0  }
0x16: {  	s3 =	sld [smem:$0x3FDB];
	s0 =	simm.s32 @p2 $0x1  }
0x17: {  	s4 =	simm.s32 $0x1BF5;
	[smem:$0x3FB5] =	sst s0  }
0x18: {  	s0 =	sld [smem:$0x3F98];
	_ =	swait.ge [sflag:s4], $0x0  }
0x19: {  	s7 =	sld [smem:$0x3F99]  }
0x1a: {  	s8 =	sadd.s32 $0xFFFFE003, lr  }
0x1b: {  	s9 =	sadd.s32 $0xFFFFFEF7, lr;
	s5 =	simm.s32 $0xFFFFFFFF;
	p2 =	slt.u32 s8, $0xFFFFF086  }
0x1c: {  	p1 =	slt.u32 s9, $0xF7A;
	s5 =	simm.s32 @!p2 $0x0  }
0x1d: {  	s5 =	simm.s32 @p1 $0x1;
	p0 =	seq.s32 s7, s2  }
0x1e: {  	s7 =	smul.u32 @!p0 $0xF7A, s2;
	p2 =	seq.s32 @!p0 s5, $0x0  }
0x1f: {  	s9 =	smul.u32 $0xF7A, s1;
	s8 =	simm.s32 @!p0 $0x1BF5;
	p2 =	por !p2, p0  }
0x20: {  	[sflag:s8] =	ssyncset.s32 @!p0 $0xFFFFF086;
	s6 =	sadd.s32 @!p0 s3, s7;
	s7 =	simm.s32 @!p0 $0x108  }
0x21: {  	s3 =	sadd.s32 s3, s9;
	s6 =	sadd.s32 @!p0 $0x88, s6;
	s7 =	simm.s32 @p2 $0x1082  }
0x22: {  	[simem:s7], [sflag:s8] =	dma.local @!p0 [hbm:s6], $0xF7A  }
0x23: {  	s9 =	sor.u32 $0xD0000000, s2;
	s6 =	simm.s32 $0x108;
	_ =	swait.ge @!p0 [sflag:s8], $0x0  }
0x24: {  	s3 =	sadd.s32 $0x88, s3;
	s6 =	simm.s32 @!p1 $0x1082;
	[sflag:s4] =	ssyncset.s32 $0xFFFFF086  }
0x25: {  	[simem:s6], [sflag:s4] =	dma.local [hbm:s3], $0xF7A  }
0x26: {  	[smem:$0x3F99] =	sst s1;
	(tag) =	ssettag s2;
	_ =	strace s9  }
0x27: {  	s1 =	sld [smem:$0x3FA9]  }
0x28: {  	s2 =	sld [smem:$0x3FAA]  }
0x29: {  	s4 =	sld [smem:$0x3FAC]  }
0x2a: {  	p0 =	seq.s32 s5, $0x0;
	s5 =	sld [smem:$0x3FAD]  }
0x2b: {  	s6 =	sld [smem:$0x3FAE]  }
0x2c: {  	s7 =	sld [smem:$0x3FAF]  }
0x2d: {  	s3 =	simm.s32 $0x108;
	s8 =	sld [smem:$0x3FB0]  }
0x2e: {  	s3 =	simm.s32 @!p0 $0x1082;
	s9 =	sld [smem:$0x3FB1]  }
0x2f: {  	lr =	sadd.s32 s0, s3;
	s0 =	sld [smem:$0x3FA8]  }
0x30: {  	s3 =	sld [smem:$0x3FAB]  }
0x31: {  	[smem:$0x3FB4] =	sst s10  }
0x32: {  	s10 =	sld [smem:$0x3FB2];
	_ =	sdelay $0x3  }
0x33: {  	p0 =	seq.s32 s10, $0x1;
	s10 =	sld [smem:$0x3FB4];
	_ =	sdelay $0x3  }
0x34: {  	[smem:$0x3FB4] =	sst s10  }
0x35: {  	s10 =	sld [smem:$0x3FB3];
	_ =	sdelay $0x3  }
0x36: {  	p1 =	seq.s32 s10, $0x1;
	s10 =	sld [smem:$0x3FB4];
	_ =	sdelay $0x3  }
0x37: {  	[smem:$0x3FB4] =	sst s10  }
0x38: {  	s10 =	sld [smem:$0x3FB5]  }
0x39: {  	_ = 	snop;
	(pc) =	sbr.ind lr, $3  }
0x3a: {  	_ = 	snop  }
0x3b: {  	_ = 	snop  }
0x3c: {  	p2 =	seq.s32 s10, $0x1;
	s10 =	sld [smem:$0x3FB4]  }
0x3d: {  	_ =	shalt  }
0x3e: {  	_ =	shalt  }
0x3f: {  	_ =	shalt  }
0x40: {  	_ =	shalt  }
0x41: {  	_ =	shalt  }
0x42: {  	_ =	shalt  }
0x43: {  	_ =	shalt  }
0x44: {  	_ =	shalt  }
0x45: {  	_ =	shalt  }
0x46: {  	_ =	shalt  }
0x47: {  	_ =	shalt  }
0x48: {  	_ =	shalt  }
0x49: {  	_ =	shalt  }
0x4a: {  	_ =	shalt  }
0x4b: {  	_ =	shalt  }
0x4c: {  	_ =	shalt  }
0x4d: {  	_ =	shalt  }
0x4e: {  	_ =	shalt  }
0x4f: {  	_ =	shalt  }
0x50: {  	_ =	shalt  }
0x51: {  	_ =	shalt  }
0x52: {  	_ =	shalt  }
0x53: {  	_ =	shalt  }
0x54: {  	_ =	shalt  }
0x55: {  	_ =	shalt  }
0x56: {  	_ =	shalt  }
0x57: {  	_ =	shalt  }
0x58: {  	_ =	shalt  }
0x59: {  	_ =	shalt  }
0x5a: {  	_ =	shalt  }
0x5b: {  	_ =	shalt  }
0x5c: {  	_ =	shalt  }
0x5d: {  	_ =	shalt  }
0x5e: {  	_ =	shalt  }
0x5f: {  	_ =	shalt  }
0x60: {  	_ =	shalt  }
0x61: {  	_ =	shalt  }
0x62: {  	_ =	shalt  }
0x63: {  	_ =	shalt  }
0x64: {  	_ =	shalt  }
0x65: {  	_ =	shalt  }
0x66: {  	_ =	shalt  }
0x67: {  	_ =	shalt  }
0x68: {  	_ =	shalt  }
0x69: {  	_ =	shalt  }
0x6a: {  	_ =	shalt  }
0x6b: {  	_ =	shalt  }
0x6c: {  	_ =	shalt  }
0x6d: {  	_ =	shalt  }
0x6e: {  	_ =	shalt  }
0x6f: {  	_ =	shalt  }
0x70: {  	_ =	shalt  }
0x71: {  	_ =	shalt  }
0x72: {  	_ =	shalt  }
0x73: {  	_ =	shalt  }
0x74: {  	_ =	shalt  }
0x75: {  	_ =	shalt  }
0x76: {  	_ =	shalt  }
0x77: {  	_ =	shalt  }
0x78: {  	_ =	shalt  }
0x79: {  	_ =	shalt  }
0x7a: {  	_ =	shalt  }
0x7b: {  	_ =	shalt  }
0x7c: {  	_ =	shalt  }
0x7d: {  	_ =	shalt  }
0x7e: {  	_ =	shalt  }
0x7f: {  	_ =	shalt  }
0x80: {  	_ =	shalt  }
0x81: {  	_ =	shalt  }
0x82: {  	_ =	shalt  }
0x83: {  	_ =	shalt  }
0x84: {  	_ =	shalt  }
0x85: {  	_ =	shalt  }
0x86: {  	_ =	shalt  }
0x87: {  	_ =	shalt  }
.Lfunc_end0:
.L_simem_size_0:
called_computation_lowered:
.L_overlay_start_0:
0x88: {  	s2 =	sld [smem:$0x3FD9]  }
0x89: {  	s3 =	sld [smem:$0x3FFE];
	_ =	sdelay $0x1  }
0x8a: {  	s1 =	srdreg.scid  }
0x8b: {  	s0 =	sand.u32 $0x1, s1  }
0x8c: {  	s17 =	sshll.u32 s0, $0xA;
	s2 =	sadd.s32 s3, s2  }
0x8d: {  	s2 =	sadd.s32 s2, s17  }
0x8e: {  	[smem:$0x3FC0] =	sst s2  }
0x8f: {  	_ = 	snop  }
0x90: {  	s2 =	sld [smem:$0x3FC9]  }
0x91: {  	s18 =	sld [smem:$0x3FC8]  }
0x92: {  	s4 =	sld [smem:$0x3FC7]  }
0x93: {  	s5 =	sld [smem:$0x3FD0];
	(tm) =	ssettm $0x1  }
0x94: {  	s6 =	sld [smem:$0x3FFB];
	_ =	sdelay $0x3  }
0x95: {  	_ =	strace s6  }
0x96: {  	s6 =	sld [smem:$0x3FFC];
	_ =	sdelay $0x3  }
0x97: {  	_ =	strace s6  }
0x98: {  	s6 =	sld [smem:$0x3FFD];
	_ =	sdelay $0x3  }
0x99: {  	_ =	strace s6  }
0x9a: {  	_ =	strace $0x8FFFFFFF  }
0x9b: {  	s19 =	sld [smem:$0x3FDB];
	_ =	sdelay $0x1  }
0x9c: {  	s7 =	simm.s32 $_scs_section_size  }
0x9d: {  	s8 =	simm.s32 $_size__tile_overlayer_lowered;
	s9 =	simm.s32 $_tile_overlayer_lowered  }
0x9e: {  	s22 =	simm.s32 $0x1BFF;
	s21 =	sshll.u32 s9, $0x1;
	s6 =	sadd.s32 s7, s19  }
0x9f: {  	s10 =	simm.s32 $0x0;
	s20 =	sshll.u32 s8, $0x1;
	s8 =	sadd.s32 s21, s6  }
0xa0: {  	[timem:s10], [sflag:s22] =	dma.local [hbm:s8], s20  }
0xa1: {  	_ =	swait.ge [sflag:s22], s20  }
0xa2: {  	s7 =	ssub.s32 $0x0, s20;
	[sflag:s22] =	ssyncset.done $0x0  }
0xa3: {  	[sflag:s22] =	ssyncadd.s32 s7;
	_ =	sdelay $0x1  }
0xa4: {  	s23 =	simm.s32 $0x1B8B  }
0xa5: {  	_ =	swait.ge [sflag:s23], $0x1  }
0xa6: {  	[sflag:s23] =	ssyncset.done $0x0  }
0xa7: {  	s25 =	simm.s32 $0x1B8E;
	s24 =	sld [smem:$0x3FFE];
	[sflag:s23] =	ssyncadd.s32 $0xFFFFFFFF  }
0xa8: {  	s26 =	simm.s32 $execute0_lowered;
	[smem:$0x3FD2] =	sst s25  }
0xa9: {  	s8 =	sshll.u32 s26, $0x1;
	_ =	strace $0x80000046;
	[dreg:$0x1] =	wrdreg $0xFFFFFFFF  }
0xaa: {  	s28 =	simm.s32 $_size_execute0_lowered;
	s6 =	sadd.s32 s6, s8;
	[dreg:$0x0] =	wrdreg $0x0  }
0xab: {  	s8 =	sshll.u32 s28, $0x1;
	[dreg:$0x2] =	wrdreg s6  }
0xac: {  	[dreg:$0x3] =	wrdreg s8  }
0xad: {  	[dreg:$0x4] =	wrdreg $0xC0  }
0xae: {  	_ =	task [dreg:s10], $0x5FFFF  }
0xaf: {  	[dreg:$0x1] =	wrdreg $0xFFFFFFFF  }
0xb0: {  	[dreg:$0x0] =	wrdreg $0x60  }
0xb1: {  	[dreg:$0x2] =	wrdreg s2  }
0xb2: {  	[dreg:$0x3] =	wrdreg s18  }
0xb3: {  	[dreg:$0x4] =	wrdreg s4  }
0xb4: {  	[dreg:$0x5] =	wrdreg s24  }
0xb5: {  	[dreg:$0x6] =	wrdreg s5  }
0xb6: {  	[dreg:$0x7] =	wrdreg $0x9  }
0xb7: {  	_ =	task.clear_ibuf [dreg:s10], $0x8FFFF;
	_ =	strace $0x90000046  }
0xb8: {  	s29 =	simm.s32 $0x9;
	_ =	strace $0x80000048  }
0xb9: {  	_ =	swait.ge [sflag:s29], $0x1  }
0xba: {  	[sflag:s29] =	ssyncadd.s32 $0xFFFFFFFF  }
0xbb: {  	_ =	strace $0x90000048  }
0xbc: {  	_ =	sfence  }
0xbd: {  	s30 =	sld [smem:$0x0];
	_ =	sdelay $0x2  }
0xbe: {  	s31 =	sshll.u32 s1, $0xD;
	s1 =	sshrl.u32 s1, $0x2  }
0xbf: {  	s3 =	sand.u32 $0x4000, s31;
	s1 =	sadd.s32 s1, s30  }
0xc0: {  	s0 =	sor.u32 s3, s0;
	s1 =	sshll.u32 s1, $0x11  }
0xc1: {  	s0 =	sor.u32 s1, s0  }
0xc2: {  	s0 =	sadd.s32 $0x8F2B, s0  }
0xc3: {  	[sflag:s0] =	ssyncadd.remote.s32 $0x1  }
0xc4: {  	_ =	sfence.sel $0xFFFF  }
0xc5: {  	[dreg:$0x0] =	wrdreg $0xFFFFFFFF;
	(pc) =	sbr.abs _section_cstart, $3  }
0xc6: {  	[dreg:$0x1] =	wrdreg $0xFFFFFFFF  }
0xc7: {  	_ =	task.clear_ibuf [dreg:s10], $0x2FFFF;
	_ =	strace $0x9FFFFFFF  }
0xc8: {  	(tm) =	ssettm $0x7FFFFFFF  }
0xc9: {  	_ =	shalt  }
tec
execute0_lowered:
.L_overlay_start_1:
0x0: {  	(tag) =	ssettag $0x1  }
0x1: {  	s0 =	rddreg [dreg:$0x0]  }
0x2: {  	s1 =	rddreg [dreg:$0x1]  }
0x3: {  	s7 =	rddreg [dreg:$0x2]  }
0x4: {  	s4 =	rddreg [dreg:$0x3]  }
0x5: {  	s8 =	rddreg [dreg:$0x4];
	s2 =	simm.s32 $0x0  }
0x6: {  	s3 =	srdreg.scid;
	s6 =	stileid.u32;
	s11 =	simm.s32 $0x200  }
0x7: {  	s12 =	simm.s32 $0x400;
	s13 =	simm.s32 $0x80;
	s16 =	simm.s32 $0x3600  }
0x8: {  	s17 =	simm.s32 $0x280;
	s18 =	simm.s32 $0xEE00;
	s19 =	simm.s32 $0x100  }
0x9: {  	s20 =	simm.s32 $0x6600;
	s21 =	simm.s32 $0x300;
	s22 =	simm.s32 $0x11600  }
0xa: {  	s23 =	simm.s32 $0x180;
	s24 =	simm.s32 $0x9600;
	s25 =	simm.s32 $0x380  }
0xb: {  	s26 =	simm.s32 $0x13E00;
	s28 =	simm.s32 $0x1;
	s29 =	simm.s32 $0x16600  }
0xc: {  	s30 =	simm.s32 $0x0;
	[smem:$0x7FF] =	sst s2;
	s3 =	sand.u32 $0x1, s3  }
0xd: {  	s6 =	sshll.u32 s6, $0x7;
	_ =	strace $0x80000047;
	s5 =	ssub.s32 $0x2, s3  }
0xe: {  	s9 =	sshll.u32 s3, $0x6;
	s3 =	sadd.s32 $0x30E000, s4;
	s10 =	sshrl.u32 s5, $0x1  }
0xf: {  	v0 =	vimm.s32 $0x0;
	vm0 =	vcmask $0x300;
	s4 =	sadd.s32 $0xC00, s4;
	s9 =	sor.u32 s9, s6;
	s10 =	ssub.s32 s5, s10  }
0x10: {  	v59 =	vsel vm0, $0x3, v0;
	s5 =	sadd.s32 s0, s9;
	s6 =	sadd.s32 s1, s9;
	s7 =	sadd.s32 s7, s9  }
0x11: {  	[tilespmem:$0x1FFF0] =	vst v59;
	s8 =	sadd.s32 s8, s9;
	s9 =	smax.u32 s10, $0x1;
	s10 =	simm.s32 $0x2  }
.LBB2_1:
0x12: {  	[tilespmem:s2], [sflag:$0x2] =	stream.linear.gather [hbm4b:s5+s2], $0x200, $0x38;
	[tilespmem:$0x16800] =	vst v63  }
0x13: {  	_ =	swait.ge [sflag:s10], $0x200  }
0x14: {  	[sflag:s10] =	ssyncset.done $0x0  }
0x15: {  	[sflag:s10] =	ssyncadd.s32 $0xFFFFFE00  }
0x16: {  	[tilespmem:s11], [sflag:$0x2] =	stream.linear.gather [hbm4b:s6+s2], $0x200, $0x38;
	[tilespmem:$0x16800] =	vst v63  }
0x17: {  	_ =	swait.ge [sflag:s10], $0x200  }
0x18: {  	[sflag:s10] =	ssyncset.done $0x0  }
0x19: {  	[sflag:s10] =	ssyncadd.s32 $0xFFFFFE00  }
0x1a: {  	[tilespmem:s12], [sflag:$0x2] =	stream.linear.gather [hbm4b:s7+s2], $0x200, $0x38;
	[tilespmem:$0x16800] =	vst v63  }
0x1b: {  	_ =	swait.ge [sflag:s10], $0x200  }
0x1c: {  	[sflag:s10] =	ssyncset.done $0x0  }
0x1d: {  	s0 =	simm.s32 $0x600;
	[sflag:s10] =	ssyncadd.s32 $0xFFFFFE00  }
0x1e: {  	[tilespmem:s0], [sflag:$0x1] =	stream.indirect.gather [hbm4b:s3+s13], $0x60, s2, s13, $0xb8;
	[tilespmem:$0x16800] =	vst v63  }
0x1f: {  	s15 =	simm.s32 $0xC600  }
0x20: {  	[tilespmem:s15], [sflag:$0x1] =	stream.indirect.gather [hbm4b:s4+s13], $0x50, s11, s13, $0xb8;
	[tilespmem:$0x16800] =	vst v63  }
0x21: {  	_ = 	snop  }
0x22: {  	[tilespmem:s16], [sflag:$0x1] =	stream.indirect.gather [hbm4b:s3+s13], $0x60, s13, s13, $0xb8;
	[tilespmem:$0x16800] =	vst v63  }
0x23: {  	_ = 	snop  }
0x24: {  	[tilespmem:s18], [sflag:$0x1] =	stream.indirect.gather [hbm4b:s4+s13], $0x50, s17, s13, $0xb8;
	[tilespmem:$0x16800] =	vst v63  }
0x25: {  	_ = 	snop  }
0x26: {  	[tilespmem:s20], [sflag:$0x1] =	stream.indirect.gather [hbm4b:s3+s13], $0x60, s19, s13, $0xb8;
	[tilespmem:$0x16800] =	vst v63  }
0x27: {  	_ = 	snop  }
0x28: {  	[tilespmem:s22], [sflag:$0x1] =	stream.indirect.gather [hbm4b:s4+s13], $0x50, s21, s13, $0xb8;
	[tilespmem:$0x16800] =	vst v63  }
0x29: {  	_ = 	snop  }
0x2a: {  	[tilespmem:s24], [sflag:$0x1] =	stream.indirect.gather [hbm4b:s3+s13], $0x60, s23, s13, $0xb8;
	[tilespmem:$0x16800] =	vst v63  }
0x2b: {  	_ = 	snop  }
0x2c: {  	[tilespmem:s26], [sflag:$0x1] =	stream.indirect.gather [hbm4b:s4+s13], $0x50, s25, s13, $0xb8;
	[tilespmem:$0x16800] =	vst v63  }
0x2d: {  	_ =	swait.ge [sflag:s28], $0x3000  }
0x2e: {  	[sflag:s28] =	ssyncset.done $0x0  }
0x2f: {  	[sflag:s28] =	ssyncadd.s32 $0xFFFFD000  }
0x30: {  	_ =	swait.ge [sflag:s28], $0x2800  }
0x31: {  	[sflag:s28] =	ssyncset.done $0x0  }
0x32: {  	[sflag:s28] =	ssyncadd.s32 $0xFFFFD800  }
0x33: {  	_ =	swait.ge [sflag:s28], $0x3000  }
0x34: {  	[sflag:s28] =	ssyncset.done $0x0  }
0x35: {  	[sflag:s28] =	ssyncadd.s32 $0xFFFFD000  }
0x36: {  	_ =	swait.ge [sflag:s28], $0x2800  }
0x37: {  	[sflag:s28] =	ssyncset.done $0x0  }
0x38: {  	[sflag:s28] =	ssyncadd.s32 $0xFFFFD800  }
0x39: {  	_ =	swait.ge [sflag:s28], $0x3000  }
0x3a: {  	[sflag:s28] =	ssyncset.done $0x0  }
0x3b: {  	v0 =	vmov s2;
	s1 =	simm.s32 $0x7;
	[sflag:s28] =	ssyncadd.s32 $0xFFFFD000  }
0x3c: {  	v0 =	vshrl.u32 v0, $0x3;
	v1 =	vmov s1;
	_ =	swait.ge [sflag:s28], $0x2800  }
0x3d: {  	v0 =	vshll.u32 v0, v59;
	v1 =	vshrl.u32 v1, $0x3;
	[sflag:s28] =	ssyncset.done $0x0  }
0x3e: {  	s31 =	simm.s32 $0x4;
	s1 =	simm.s32 $0x3;
	v5 =	vbroadcast v0, $0x0;
	v0 =	vshll.u32 v1, v59;
	[sflag:s28] =	ssyncadd.s32 $0xFFFFD800  }
0x3f: {  	s14 =	simm.s32 $0x1;
	v3 =	vmov s31;
	v2 =	vmov s1;
	v0 =	vadd.s32 $0x7, v0;
	_ =	swait.ge [sflag:s28], $0x3000  }
0x40: {  	s1 =	simm.s32 $0x5;
	v3 =	vshrl.u32 v3, $0x3;
	v7 =	vbroadcast v0, $0x0;
	v0 =	vmov s14;
	s15 =	simm.s32 $0x2;
	[sflag:s28] =	ssyncset.done $0x0  }
0x41: {  	v4 =	vmov s1;
	v0 =	vshrl.u32 v0, $0x3;
	v1 =	vmov s15;
	[sflag:s28] =	ssyncadd.s32 $0xFFFFD000  }
0x42: {  	v2 =	vshrl.u32 v2, $0x3;
	v0 =	vshll.u32 v0, v59;
	v1 =	vshrl.u32 v1, $0x3;
	_ =	swait.ge [sflag:s28], $0x2800  }
0x43: {  	v3 =	vshll.u32 v3, v59;
	v0 =	vadd.s32 $0x1, v0;
	v1 =	vshll.u32 v1, v59;
	[tilespmem:$0x1F960] =	vst v7;
	[sflag:s28] =	ssyncset.done $0x0  }
0x44: {  	v2 =	vshll.u32 v2, v59;
	v9 =	vbroadcast v0, $0x0;
	v1 =	vadd.s32 $0x2, v1;
	[tilespmem:$0x1F950] =	vst v5;
	[sflag:s28] =	ssyncadd.s32 $0xFFFFD800  }
0x45: {  	v4 =	vshrl.u32 v4, $0x3;
	s14 =	simm.s32 $0x780;
	v2 =	vadd.s32 $0x3, v2;
	v10 =	vbroadcast v1, $0x0;
	v6 =	vld.idx.msk [tilespmem:v5+s12+$0x0], $0xffff  }
0x46: {  	v3 =	vadd.s32 $0x4, v3;
	v4 =	vshll.u32 v4, v59;
	v13 =	vbroadcast v2, $0x0;
	v5 =	vld [tilespmem:s14+$0x170];
	[tilespmem:$0x1FF90] =	vst v9  }
0x47: {  	v14 =	vbroadcast v3, $0x0;
	v4 =	vadd.s32 $0x5, v4;
	s15 =	simm.s32 $0xC740;
	v0 =	vld.idx.msk [tilespmem:v7+s12+$0x0], $0xffff;
	[tilespmem:$0x1FFA0] =	vst v10  }
0x48: {  	s31 =	simm.s32 $0x6;
	v12 =	vbroadcast v4, $0x0;
	v1 =	vld [tilespmem:s15+$0x130];
	[tilespmem:$0x1FFB0] =	vst v13  }
0x49: {  	v4 =	vmov s31;
	v2 =	vld [tilespmem:s15+$0xF0];
	[tilespmem:$0x1FFC0] =	vst v14  }
0x4a: {  	v4 =	vshrl.u32 v4, $0x3;
	v3 =	vld [tilespmem:s15+$0x100];
	[tilespmem:$0x1FFD0] =	vst v12  }
0x4b: {  	v4 =	vshll.u32 v4, v59;
	v7 =	vld [tilespmem:s15+$0x110]  }
0x4c: {  	v4 =	vadd.s32 $0x6, v4;
	v8 =	vld [tilespmem:s15+$0x120]  }
0x4d: {  	v18 =	vbroadcast v4, $0x0;
	v9 =	vld.idx.msk [tilespmem:v9+s12+$0x0], $0xffff  }
0x4e: {  	v10 =	vld.idx.msk [tilespmem:v10+s12+$0x0], $0xffff  }
0x4f: {  	v11 =	vld.idx.msk [tilespmem:v13+s12+$0x0], $0xffff;
	[tilespmem:$0x1FFE0] =	vst v18  }
0x50: {  	v13 =	vld.idx.msk [tilespmem:v14+s12+$0x0], $0xffff  }
0x51: {  	v14 =	vld.idx.msk [tilespmem:v12+s12+$0x0], $0xffff  }
0x52: {  	v12 =	vld [tilespmem:s14+$0x160]  }
0x53: {  	v15 =	vld [tilespmem:s14+$0x130]  }
0x54: {  	v16 =	vld [tilespmem:s14+$0x140]  }
0x55: {  	v0 =	vcvt.s32.f32 v0;
	v17 =	vld [tilespmem:s14+$0x150];
	v1 =	vsub.f32 v1, v5  }
0x56: {  	v19 =	vld [tilespmem:s15+$0xFFFFFF00]  }
0x57: {  	v32 =	vld [tilespmem:s14+$0xFFFFFF30];
	v1 =	vmul.f32 v0, v1  }
0x58: {  	v20 =	vld [tilespmem:s15+$0xFFFFFF50]  }
0x59: {  	v34 =	vld [tilespmem:s14+$0xFFFFFF90];
	v4 =	vmax.f32 v2, v3;
	v1 =	vadd.f32 v1, v5;
	v5 =	vmax.f32 v7, v8  }
0x5a: {  	v4 =	vmax.f32 v4, v5;
	v5 =	vld [tilespmem:s14+$0x120]  }
0x5b: {  	v40 =	vld [tilespmem:s15+$0xFFFFFFA0];
	v4 =	vmax.f32 v4, v1  }
0x5c: {  	v41 =	vld [tilespmem:s14+$0x50];
	(xrf0) =	vmax.scan.msk.f32 $0xffff, v4  }
0x5d: {  	v42 =	vld [tilespmem:s14+$0xB0]  }
0x5e: {  	v43 =	vld [tilespmem:s15+$0x90]  }
0x5f: {  	v29 =	vld [tilespmem:s14+$0x110];
	v5 =	vsub.f32 $0.0e+00, v5  }
0x60: {  	v35 =	vld [tilespmem:s15+$0xE0];
	v15 =	vsub.f32 $0.0e+00, v15;
	v0 =	vmul.f32 v0, v12;
	v12 =	vsub.f32 $0.0e+00, v16  }
0x61: {  	v38 =	vld [tilespmem:s15+$0xFFFFFEC0];
	v5 =	vmul.f32 $1.442695020e+00, v5  }
0x62: {  	v17 =	vsub.f32 $0.0e+00, v17;
	v15 =	vmul.f32 $1.442695020e+00, v15;
	v12 =	vmul.f32 $1.442695020e+00, v12;
	v4 =	vld.idx.msk [tilespmem:v18+s12+$0x0], $0xffff;
	v16, _, _ =	vpop (xrf0)  }
0x63: {  	v18 =	vld [tilespmem:s14+$0xFFFFFED0];
	v16 =	vbroadcast v16, $0xF;
	(erf) = vpow2.f32 v5  }
0x64: {  	v5 =	vmul.f32 $1.442695020e+00, v17;
	v17 =	vld [tilespmem:s14+$0xFFFFFFF0];
	(erf) = vpow2.f32 v15  }
0x65: {  	v15 =	vld [tilespmem:s15+$0xFFFFFFF0];
	(erf) = vpow2.f32 v12  }
0x66: {  	(erf) = vpow2.f32 v5;
	v5 =	vsub.f32 v8, v16;
	v8 =	vld [tilespmem:s15+$0x40];
	[tilespmem:$0x1F970] =	vst v38  }
0x67: {  	v0 =	vsub.f32 $0.0e+00, v0;
	v37 =	vld [tilespmem:s15+$0xFFFFFED0]  }
0x68: {  	v2 =	vsub.f32 v2, v16;
	v3 =	vsub.f32 v3, v16  }
0x69: {  	v0 =	vmul.f32 $1.442695020e+00, v0;
	v7 =	vsub.f32 v7, v16  }
0x6a: {  	v2 =	vmul.f32 $1.442695020e+00, v2;
	v3 =	vmul.f32 $1.442695020e+00, v3  }
0x6b: {  	(erf) = vpow2.f32 v0;
	v0 =	vmul.f32 $1.442695020e+00, v7  }
0x6c: {  	(erf) = vpow2.f32 v2;
	v2 =	vmul.f32 $1.442695020e+00, v5;
	[tilespmem:$0x1F980] =	vst v37  }
0x6d: {  	(erf) = vpow2.f32 v3;
	v36 =	vld [tilespmem:s15+$0xFFFFFEE0]  }
0x6e: {  	(erf) = vpow2.f32 v0  }
0x6f: {  	v0 =	vsub.f32 v1, v16;
	(erf) = vpow2.f32 v2  }
0x70: {  	v2 =	vpop (erf)  }
0x71: {  	v0 =	vmul.f32 $1.442695020e+00, v0;
	v45 =	vpop (erf)  }
0x72: {  	v46 =	vpop (erf);
	[tilespmem:$0x1F990] =	vst v36  }
0x73: {  	(erf) = vpow2.f32 v0;
	v47 =	vpop (erf);
	v27 =	vld [tilespmem:s15+$0xFFFFFEF0]  }
0x74: {  	v48 =	vpop (erf);
	v30 =	vld [tilespmem:s15+$0xFFFFFF10]  }
0x75: {  	v49 =	vpop (erf);
	v28 =	vld [tilespmem:s15+$0xFFFFFF20]  }
0x76: {  	v16 =	vpop (erf);
	v62 =	vld [tilespmem:s15+$0xFFFFFF30]  }
0x77: {  	v26 =	vld [tilespmem:s15+$0xFFFFFF40];
	v31 =	vpop (erf)  }
0x78: {  	v25 =	vld [tilespmem:s15+$0xFFFFFF60];
	v5 =	vpop (erf)  }
0x79: {  	v24 =	vld [tilespmem:s15+$0xFFFFFF70];
	v0 =	vadd.f32 v16, v49;
	v1 =	vadd.f32 v5, v31  }
0x7a: {  	v33 =	vcvt.s32.f32 v6;
	v6 =	vcvt.s32.f32 v9;
	v9 =	vsub.f32 v20, v32;
	v21 =	vld [tilespmem:s15+$0xFFFFFF80]  }
0x7b: {  	v22 =	vld [tilespmem:s15+$0xFFFFFF90];
	v0 =	vadd.f32 v1, v0  }
0x7c: {  	v9 =	vmul.f32 v6, v9;
	v2 =	vadd.f32 $1.000000000e+00, v2;
	v44 =	vld [tilespmem:s15+$0xFFFFFFB0];
	v23 =	vpop (erf)  }
0x7d: {  	v12 =	vcvt.s32.f32 v10;
	v52 =	vadd.f32 $1.000000000e+00, v45;
	v20 =	vld [tilespmem:s15+$0xFFFFFFD0];
	v3 =	vadd.f32 v0, v23  }
0x7e: {  	v10 =	vsub.f32 v40, v34;
	v60 =	vadd.f32 $1.000000000e+00, v46;
	(erf) = vrcp.f32 v2;
	v53 =	vld [tilespmem:s14+$0xFFFFFE80]  }
0x7f: {  	v61 =	vadd.f32 $1.000000000e+00, v47;
	(erf) = vrcp.f32 v52;
	v63 =	vld [tilespmem:s14+$0xFFFFFEA0];
	v1 =	vsub.f32 v19, v18;
	(xrf2) =	vadd.scan.msk.f32 $0xffff, v3  }
0x80: {  	v8 =	vsub.f32 v8, v41;
	v56 =	vadd.f32 $1.000000000e+00, v48;
	v55 =	vld [tilespmem:s14+$0xFFFFFEB0];
	(erf) = vrcp.f32 v60  }
0x81: {  	v58 =	vmax.f32 v38, v37;
	v57 =	vld [tilespmem:s14+$0xFFFFFEE0];
	(erf) = vrcp.f32 v61;
	v7 =	vmul.f32 v33, v1  }
0x82: {  	v2 =	vsub.f32 v43, v42;
	v50 =	vld [tilespmem:s14+$0xFFFFFEF0];
	(erf) = vrcp.f32 v56;
	v0 =	vcvt.s32.f32 v13  }
0x83: {  	v37 =	vld [tilespmem:s14+$0xFFFFFF40];
	v1 =	vcvt.s32.f32 v11;
	v11 =	vsub.f32 v15, v17;
	v7 =	vadd.f32 v7, v18  }
0x84: {  	v56 =	vld [tilespmem:s14+$0xFFFFFF60];
	v3 =	vcvt.s32.f32 v14;
	v18 =	vadd.f32 v9, v32;
	v9 =	vmul.f32 v0, v8  }
0x85: {  	v52 =	vld [tilespmem:s14+$0xFFFFFF50];
	v54 =	vmax.f32 v36, v27;
	v40 =	vsub.f32 $0.0e+00, v53;
	v45 =	vsub.f32 $0.0e+00, v55  }
0x86: {  	v11 =	vmul.f32 v1, v11;
	v51 =	vmul.f32 v3, v2;
	v39 =	vadd.f32 v9, v41;
	v9 =	vld [tilespmem:s14+$0xFFFFFE90]  }
0x87: {  	v55 =	vsub.f32 $0.0e+00, v50;
	v46 =	vmax.f32 v58, v54;
	v32 =	vsub.f32 $0.0e+00, v63;
	v63 =	vld [tilespmem:s14+$0xFFFFFF10]  }
0x88: {  	v15 =	vmul.f32 v12, v10;
	v11 =	vadd.f32 v11, v17;
	v17 =	vadd.f32 v51, v42;
	v51 =	vld [tilespmem:s14+$0xFFFFFF00]  }
0x89: {  	v19 =	vld [tilespmem:s15+$0xFFFFFFC0];
	v61 =	vmul.f32 $1.442695020e+00, v40;
	v38 =	vmul.f32 $1.442695020e+00, v45;
	v50 =	vsub.f32 $0.0e+00, v56;
	v58, _, _ =	vpop (xrf2)  }
0x8a: {  	v43 =	vmax.f32 v62, v26;
	v53 =	vld [tilespmem:s14+$0xFFFFFFA0];
	v45 =	vmul.f32 $1.442695020e+00, v55;
	v60 =	vpop (erf);
	v48 =	vbroadcast v58, $0xF  }
0x8b: {  	v13 =	vld [tilespmem:s15+$0xFFFFFFE0];
	v49 =	vmul.f32 v49, v60;
	v50 =	vmul.f32 $1.442695020e+00, v50;
	v9 =	vsub.f32 $0.0e+00, v9  }
0x8c: {  	v10 =	vld [tilespmem:s15+$0x0];
	v41 =	vsub.f32 $0.0e+00, v57;
	v40 =	vsub.f32 $0.0e+00, v63;
	(erf) = vrcp.f32 v48  }
0x8d: {  	v55 =	vld [tilespmem:s14+$0xFFFFFFD0];
	v9 =	vmul.f32 $1.442695020e+00, v9;
	v57 =	vsub.f32 $0.0e+00, v51;
	(erf) = vpow2.f32 v61  }
0x8e: {  	v47 =	vmax.f32 v25, v24;
	v14 =	vld [tilespmem:s15+$0x10];
	v32 =	vmul.f32 $1.442695020e+00, v32;
	v40 =	vmul.f32 $1.442695020e+00, v40  }
0x8f: {  	v63 =	vsub.f32 $0.0e+00, v52;
	v58 =	vld [tilespmem:s14+$0xFFFFFF70];
	v60 =	vmul.f32 $1.442695020e+00, v57;
	(erf) = vpow2.f32 v9  }
0x90: {  	v8 =	vadd.f32 v15, v34;
	v15 =	vld [tilespmem:s15+$0x20];
	v9 =	vmul.f32 $1.442695020e+00, v41;
	(erf) = vpow2.f32 v32  }
0x91: {  	v34 =	vld [tilespmem:s15+$0x50];
	v48 =	vmul.f32 $1.442695020e+00, v63;
	v61 =	vsub.f32 $0.0e+00, v37;
	v37 =	vpop (erf);
	(erf) = vpow2.f32 v38  }
0x92: {  	v53 =	vsub.f32 $0.0e+00, v53;
	v54 =	vpop (erf);
	v16 =	vmul.f32 v16, v37;
	(erf) = vpow2.f32 v9;
	v9 =	vld [tilespmem:s14+$0xFFFFFFB0]  }
0x93: {  	v42 =	vmax.f32 v30, v28;
	v41 =	vmul.f32 $1.442695020e+00, v61;
	v56 =	vpop (erf);
	v38 =	vld [tilespmem:s14+$0xFFFFFFC0];
	(erf) = vpow2.f32 v45  }
0x94: {  	v32 =	vld [tilespmem:s15+$0x30];
	v51 =	vsub.f32 $0.0e+00, v58;
	v61 =	vmul.f32 $1.442695020e+00, v53;
	v58 =	vpop (erf);
	(erf) = vpow2.f32 v60  }
0x95: {  	v57 =	vmax.f32 v42, v43;
	v31 =	vmul.f32 v31, v54;
	(erf) = vpow2.f32 v40;
	v40 =	vld [tilespmem:s14+$0x0];
	v43 =	vpop (erf)  }
0x96: {  	v5 =	vmul.f32 v5, v56;
	v16 =	vadd.f32 v16, v49;
	v45 =	vld [tilespmem:s14+$0x20];
	(erf) = vpow2.f32 v41;
	v2 =	vpop (erf)  }
0x97: {  	v60 =	vmul.f32 $1.442695020e+00, v51;
	(erf) = vpow2.f32 v48;
	v48 =	vld [tilespmem:s14+$0x10];
	v9 =	vsub.f32 $0.0e+00, v9;
	[tilespmem:$0x1F9A0] =	vst v2  }
0x98: {  	v5 =	vadd.f32 v5, v31;
	v63 =	vsub.f32 $0.0e+00, v38;
	(erf) = vpow2.f32 v50;
	v2 =	vpop (erf);
	v37 =	vld [tilespmem:s14+$0x30]  }
0x99: {  	v38 =	vsub.f32 $0.0e+00, v55;
	(erf) = vpow2.f32 v60;
	v9 =	vmul.f32 $1.442695020e+00, v9;
	v42 =	vld [tilespmem:s15+$0x60];
	[tilespmem:$0x1F9B0] =	vst v2;
	v2 =	vpop (erf)  }
0x9a: {  	v50 =	vmul.f32 $1.442695020e+00, v63;
	(erf) = vpow2.f32 v61;
	v60 =	vsub.f32 $0.0e+00, v40;
	v40 =	vld [tilespmem:s15+$0x70];
	[tilespmem:$0x1F9C0] =	vst v2;
	v2 =	vpop (erf)  }
0x9b: {  	v57 =	vmax.f32 v57, v18;
	(erf) = vpow2.f32 v9;
	v9 =	vmul.f32 $1.442695020e+00, v38;
	v52 =	vld [tilespmem:s14+$0x60];
	[tilespmem:$0x1F9D0] =	vst v2;
	v2 =	vpop (erf)  }
0x9c: {  	v23 =	vmul.f32 v23, v58;
	v5 =	vadd.f32 v5, v16;
	(erf) = vpow2.f32 v50;
	[tilespmem:$0x1F9E0] =	vst v2  }
0x9d: {  	v48 =	vsub.f32 $0.0e+00, v48;
	(erf) = vpow2.f32 v9;
	v9 =	vsub.f32 $0.0e+00, v45;
	v45 =	vld [tilespmem:s14+$0xFFFFFF20]  }
0x9e: {  	v31 =	vmax.f32 v46, v7;
	v41 =	vmax.f32 v20, v13;
	v63 =	vmul.f32 $1.442695020e+00, v60;
	v2 =	vpop (erf);
	v60 =	vld [tilespmem:s14+$0x70]  }
0x9f: {  	v5 =	vadd.f32 v5, v23;
	v51 =	vld [tilespmem:s14+$0xFFFFFF80];
	[tilespmem:$0x1F9F0] =	vst v2;
	v2 =	vpop (erf);
	v48 =	vmul.f32 $1.442695020e+00, v48;
	v37 =	vsub.f32 $0.0e+00, v37  }
0xa0: {  	v61 =	vmax.f32 v21, v22;
	(erf) = vpow2.f32 v63;
	v63 =	vld [tilespmem:s14+$0x80];
	[tilespmem:$0x1FA00] =	vst v2;
	v9 =	vmul.f32 $1.442695020e+00, v9  }
0xa1: {  	v47 =	vmax.f32 v47, v61;
	v49 =	vld [tilespmem:s14+$0xFFFFFFE0];
	(erf) = vpow2.f32 v48;
	v61 =	vmul.f32 $1.442695020e+00, v37  }
0xa2: {  	v38 =	vmax.f32 v44, v19;
	v55 =	vld [tilespmem:s14+$0xC0];
	v37 =	vsub.f32 $0.0e+00, v52;
	(erf) = vpow2.f32 v9  }
0xa3: {  	v53 =	vmax.f32 v38, v41;
	v50 =	vpop (erf);
	v9 =	vld [tilespmem:s14+$0x90];
	(erf) = vpow2.f32 v61;
	v38 =	vsub.f32 $0.0e+00, v60  }
0xa4: {  	v6 =	vmul.f32 v6, v45;
	v45 =	vld [tilespmem:s14+$0x40];
	v60 =	vmul.f32 $1.442695020e+00, v37;
	v61 =	vmax.f32 v10, v14  }
0xa5: {  	(xrf0) =	vmax.scan.msk.f32 $0xffff, v31;
	v37 =	vld [tilespmem:s14+$0xA0];
	v31 =	vsub.f32 $0.0e+00, v63;
	v63 =	vmax.f32 v15, v32;
	v46 =	vmul.f32 $1.442695020e+00, v38  }
0xa6: {  	v12 =	vmul.f32 v12, v51;
	v48 =	vpop (erf);
	v58 =	vmax.f32 v61, v63;
	(erf) = vpow2.f32 v60;
	v38 =	vld [tilespmem:s14+$0xD0]  }
0xa7: {  	v2 =	vpop (erf);
	v1 =	vmul.f32 v1, v49;
	v63 =	vsub.f32 v35, v29;
	v16 =	vmul.f32 $1.442695020e+00, v31  }
0xa8: {  	v6 =	vsub.f32 $0.0e+00, v6;
	v12 =	vsub.f32 $0.0e+00, v12;
	v31 =	vld [tilespmem:s15+$0x80];
	[tilespmem:$0x1FA10] =	vst v2;
	(erf) = vpow2.f32 v46  }
0xa9: {  	v60 =	vld [tilespmem:s14+$0xE0];
	v9 =	vsub.f32 $0.0e+00, v9;
	v46 =	vpop (erf);
	(erf) = vpow2.f32 v16;
	v16 =	vmax.f32 v47, v8  }
0xaa: {  	(xrf0) =	vmax.scan.msk.f32 $0xffff, v57;
	v61 =	vld [tilespmem:s14+$0xF0];
	v47 =	vmul.f32 v3, v37;
	v3 =	vcvt.s32.f32 v4;
	v4 =	vsub.f32 $0.0e+00, v55  }
0xab: {  	v0 =	vmul.f32 v0, v45;
	v9 =	vmul.f32 $1.442695020e+00, v9;
	(xrf0) =	vmax.scan.msk.f32 $0xffff, v16;
	v16 =	vld [tilespmem:s14+$0x100];
	v51 =	vsub.f32 $0.0e+00, v38;
	v2 =	vpop (erf)  }
0xac: {  	v12 =	vmul.f32 $1.442695020e+00, v12;
	v37 =	vmax.f32 v34, v42;
	v4 =	vmul.f32 $1.442695020e+00, v4;
	[tilespmem:$0x1FA20] =	vst v2;
	v2 =	vpop (erf)  }
0xad: {  	v0 =	vsub.f32 $0.0e+00, v0;
	(erf) = vpow2.f32 v9;
	v9 =	vmul.f32 $1.442695020e+00, v51;
	[tilespmem:$0x1FA30] =	vst v2;
	v2 =	vpop (erf)  }
0xae: {  	v41 =	vmovc v7;
	v38 =	vmax.f32 v40, v31;
	v49 =	vsub.f32 $0.0e+00, v60;
	(erf) = vpow2.f32 v4;
	[tilespmem:$0x1FA40] =	vst v2  }
0xaf: {  	v35, _, _ =	vpop (xrf0);
	v57 =	vmax.f32 v37, v38;
	(erf) = vpow2.f32 v9;
	v9 =	vsub.f32 $0.0e+00, v61;
	v7 =	vld [tilespmem:s15+$0xA0]  }
0xb0: {  	v45, _, _ =	vpop (xrf0);
	v49 =	vmul.f32 $1.442695020e+00, v49;
	v61 =	vld [tilespmem:s14+$0xFFFFFEC0];
	v56 =	vmul.f32 v3, v16;
	v16 =	vmax.f32 v53, v11  }
0xb1: {  	v37 =	vmul.f32 $1.442695020e+00, v6;
	v55 =	vpop (erf);
	v6 =	vld [tilespmem:s15+$0xB0];
	(xrf0) =	vmax.scan.msk.f32 $0xffff, v16;
	v16 =	vmax.f32 v58, v39;
	v9 =	vmul.f32 $1.442695020e+00, v9  }
0xb2: {  	v4 =	vmul.f32 v3, v63;
	v54 =	vpop (erf);
	v3 =	vld [tilespmem:s15+$0xC0];
	(erf) = vpow2.f32 v49;
	(xrf0) =	vmax.scan.msk.f32 $0xffff, v16;
	v16 =	vsub.f32 $0.0e+00, v1  }
0xb3: {  	v47 =	vsub.f32 $0.0e+00, v47;
	v0 =	vmul.f32 $1.442695020e+00, v0;
	v60, _, _ =	vpop (xrf0);
	(erf) = vpow2.f32 v9;
	v9 =	vld [tilespmem:s15+$0xD0]  }
0xb4: {  	v38 =	vmax.f32 v57, v17;
	v2 =	vbroadcast v45, $0xF;
	v49 =	vpop (erf);
	v63 =	vmul.f32 $1.442695020e+00, v16  }
0xb5: {  	(erf) = vpow2.f32 v37;
	v52 =	vpop (erf);
	v23 =	vmul.f32 v33, v61;
	v33 =	vadd.f32 v4, v29  }
0xb6: {  	(xrf2) =	vadd.scan.msk.f32 $0xffff, v5;
	v4 =	vsub.f32 $0.0e+00, v56;
	v29 =	vmax.f32 v7, v6;
	(erf) = vpow2.f32 v12;
	v51 =	vpop (erf)  }
0xb7: {  	(xrf0) =	vmax.scan.msk.f32 $0xffff, v38;
	(erf) = vpow2.f32 v63;
	v5 =	vsub.f32 $0.0e+00, v23;
	v23 =	vmul.f32 $1.442695020e+00, v47;
	v61, _, _ =	vpop (xrf0)  }
0xb8: {  	v4 =	vmul.f32 $1.442695020e+00, v4;
	v63 =	vpop (erf);
	(erf) = vpow2.f32 v0;
	v38 =	vmax.f32 v3, v9  }
0xb9: {  	v5 =	vmul.f32 $1.442695020e+00, v5;
	v53 =	vpop (erf);
	v47 =	vmax.f32 v29, v38;
	(erf) = vpow2.f32 v23  }
0xba: {  	v23 =	vsub.f32 v30, v2;
	v29 =	vpop (erf);
	(erf) = vpow2.f32 v4;
	v4 =	vsub.f32 v28, v2  }
0xbb: {  	v36 =	vmov v27;
	v27 =	vbroadcast v60, $0xF;
	v37, _, _ =	vpop (xrf0);
	v30 =	vsub.f32 v62, v2  }
0xbc: {  	v23 =	vmul.f32 $1.442695020e+00, v23;
	v56 =	vpop (erf);
	(erf) = vpow2.f32 v5;
	v5 =	vsub.f32 v26, v2  }
0xbd: {  	v24 =	vsub.f32 v24, v27;
	v28, _, _ =	vpop (xrf0);
	v26 =	vmul.f32 $1.442695020e+00, v4  }
0xbe: {  	v4 =	vpop (erf);
	(erf) = vpow2.f32 v23;
	v23 =	vsub.f32 v25, v27;
	v25 =	vmul.f32 $1.442695020e+00, v30  }
0xbf: {  	v21 =	vsub.f32 v21, v27;
	v30 =	vmul.f32 $1.442695020e+00, v5;
	v57 =	vpop (erf);
	(erf) = vpow2.f32 v26  }
0xc0: {  	v26 =	vmax.f32 v47, v33;
	v5 =	vpop (erf);
	(erf) = vpow2.f32 v25;
	v25 =	vmul.f32 $1.442695020e+00, v23  }
0xc1: {  	v24 =	vmul.f32 $1.442695020e+00, v24;
	(xrf0) =	vmax.scan.msk.f32 $0xffff, v26;
	v58 =	vpop (erf)  }
0xc2: {  	v21 =	vmul.f32 $1.442695020e+00, v21;
	(erf) = vpow2.f32 v30;
	v0 =	vpop (erf)  }
0xc3: {  	v22 =	vsub.f32 v22, v27;
	v1 =	vbroadcast v61, $0xF;
	(erf) = vpow2.f32 v25;
	v61 =	vpop (erf)  }
0xc4: {  	(erf) = vpow2.f32 v24;
	v25, _, _ =	vpop (xrf2)  }
0xc5: {  	[tilespmem:$0x1FA50] =	vst v0;
	v24 =	vmul.f32 $1.442695020e+00, v22;
	v0 =	vpop (erf);
	(erf) = vpow2.f32 v21;
	v21 =	vsub.f32 v44, v1  }
0xc6: {  	v28 =	vbroadcast v28, $0xF;
	v62 =	vpop (erf)  }
0xc7: {  	(erf) = vpow2.f32 v24;
	v24 =	vsub.f32 v19, v1;
	v26, _, _ =	vpop (xrf0);
	v21 =	vmul.f32 $1.442695020e+00, v21  }
0xc8: {  	v30 =	vsub.f32 v20, v1;
	[tilespmem:$0x1FA60] =	vst v0;
	v0 =	vbroadcast v37, $0xF;
	v25 =	vbroadcast v25, $0xF;
	v60 =	vpop (erf)  }
0xc9: {  	v13 =	vsub.f32 v13, v1;
	v24 =	vmul.f32 $1.442695020e+00, v24;
	v12 =	vpop (erf);
	(erf) = vpow2.f32 v21  }
0xca: {  	[tilespmem:$0x1FA70] =	vst v12;
	v21 =	vmul.f32 $1.442695020e+00, v30;
	v12 =	vpop (erf);
	v30 =	vmul.f32 v43, v25;
	v25 =	vsub.f32 v10, v0  }
0xcb: {  	v13 =	vmul.f32 $1.442695020e+00, v13;
	v14 =	vsub.f32 v14, v0;
	(erf) = vpow2.f32 v24;
	v10 =	vpop (erf)  }
0xcc: {  	v15 =	vsub.f32 v15, v0;
	(erf) = vpow2.f32 v21;
	v19 =	vpop (erf);
	v21 =	vmul.f32 $1.442695020e+00, v25  }
0xcd: {  	v14 =	vmul.f32 $1.442695020e+00, v14;
	v22 =	vpop (erf);
	(erf) = vpow2.f32 v13;
	v13 =	vsub.f32 v32, v0  }
0xce: {  	v15 =	vmul.f32 $1.442695020e+00, v15;
	v32 =	vpop (erf);
	(erf) = vpow2.f32 v21;
	v21 =	vsub.f32 v34, v28  }
0xcf: {  	[tilespmem:$0x1FA90] =	vst v10;
	v10 =	vld [tilespmem:$0x1F960];
	v20 =	vpop (erf);
	(erf) = vpow2.f32 v14;
	v14 =	vsub.f32 v42, v28;
	v13 =	vmul.f32 $1.442695020e+00, v13  }
0xd0: {  	[tilespmem:$0x1FA80] =	vst v12;
	v43 =	vpop (erf);
	(erf) = vpow2.f32 v15;
	v15 =	vmul.f32 $1.442695020e+00, v21  }
0xd1: {  	[tilespmem:$0x1FAF0] =	vst v19;
	v47 =	vpop (erf);
	(erf) = vpow2.f32 v13;
	v13 =	vsub.f32 v40, v28;
	v14 =	vmul.f32 $1.442695020e+00, v14  }
0xd2: {  	[tilespmem:$0x1FB00] =	vst v22;
	v25 =	vpop (erf);
	(erf) = vpow2.f32 v15;
	v15 =	vbroadcast v26, $0xF  }
0xd3: {  	[tilespmem:$0x1FB20] =	vst v32;
	v23 =	vpop (erf);
	(erf) = vpow2.f32 v14;
	v14 =	vsub.f32 v31, v28;
	v13 =	vmul.f32 $1.442695020e+00, v13  }
0xd4: {  	[tilespmem:$0x1FB40] =	vst v20;
	v7 =	vsub.f32 v7, v15  }
0xd5: {  	[tilespmem:$0x1FB70] =	vst v25;
	v38 =	vpop (erf);
	v6 =	vsub.f32 v6, v15;
	(erf) = vpow2.f32 v13;
	v13 =	vmul.f32 $1.442695020e+00, v14  }
0xd6: {  	[tilespmem:$0x1FB90] =	vst v23;
	v3 =	vsub.f32 v3, v15;
	v7 =	vmul.f32 $1.442695020e+00, v7  }
0xd7: {  	[tilespmem:v10+s29+$0x0] =	vst.idx.msk $0x1, v30;
	v37 =	vpop (erf);
	v6 =	vmul.f32 $1.442695020e+00, v6;
	(erf) = vpow2.f32 v13  }
0xd8: {  	v3 =	vmul.f32 $1.442695020e+00, v3;
	(erf) = vpow2.f32 v7;
	v7 =	vld [tilespmem:$0x1F970]  }
0xd9: {  	v24 =	vpop (erf);
	(erf) = vpow2.f32 v6;
	v6 =	vld [tilespmem:$0x1F980]  }
0xda: {  	v10 =	vpop (erf);
	(erf) = vpow2.f32 v3;
	v3 =	vld [tilespmem:$0x1F990]  }
0xdb: {  	v14 =	vbroadcast v35, $0xF  }
0xdc: {  	v9 =	vsub.f32 v9, v15  }
0xdd: {  	v2 =	vsub.f32 v18, v2;
	v7 =	vsub.f32 v7, v14  }
0xde: {  	v9 =	vmul.f32 $1.442695020e+00, v9;
	v6 =	vsub.f32 v6, v14  }
0xdf: {  	v2 =	vmul.f32 $1.442695020e+00, v2;
	v3 =	vsub.f32 v3, v14;
	v7 =	vmul.f32 $1.442695020e+00, v7  }
0xe0: {  	v45 =	vpop (erf);
	(erf) = vpow2.f32 v9;
	v9 =	vsub.f32 v36, v14;
	v6 =	vmul.f32 $1.442695020e+00, v6  }
0xe1: {  	v36 =	vpop (erf);
	(erf) = vpow2.f32 v7;
	v3 =	vmul.f32 $1.442695020e+00, v3  }
0xe2: {  	v40 =	vpop (erf);
	v7 =	vsub.f32 v8, v27;
	(erf) = vpow2.f32 v6;
	v6 =	vmul.f32 $1.442695020e+00, v9  }
0xe3: {  	v1 =	vsub.f32 v11, v1;
	v0 =	vsub.f32 v39, v0;
	v30 =	vpop (erf);
	(erf) = vpow2.f32 v3  }
0xe4: {  	v31 =	vpop (erf);
	v3 =	vmul.f32 $1.442695020e+00, v7;
	(erf) = vpow2.f32 v6;
	v6 =	vsub.f32 v17, v28  }
0xe5: {  	v1 =	vmul.f32 $1.442695020e+00, v1;
	v39 =	vpop (erf);
	(erf) = vpow2.f32 v2;
	v2 =	vsub.f32 v33, v15  }
0xe6: {  	v0 =	vmul.f32 $1.442695020e+00, v0;
	v35 =	vpop (erf);
	(erf) = vpow2.f32 v3  }
0xe7: {  	v44 =	vpop (erf);
	(erf) = vpow2.f32 v1;
	v1 =	vmul.f32 $1.442695020e+00, v6  }
0xe8: {  	v6 =	vpop (erf);
	(erf) = vpow2.f32 v0;
	v0 =	vmul.f32 $1.442695020e+00, v2  }
0xe9: {  	v2 =	vpop (erf);
	(erf) = vpow2.f32 v1  }
0xea: {  	[tilespmem:$0x1FAB0] =	vst v2;
	v2 =	vpop (erf);
	(erf) = vpow2.f32 v0;
	v0 =	vld [tilespmem:$0x1F9A0];
	_ =	sdelay $0x1  }
0xeb: {  	v3 =	vsub.f32 v41, v14;
	_ =	sdelay $0x1  }
0xec: {  	v1 =	vmul.f32 $1.442695020e+00, v3  }
0xed: {  	v0 =	vadd.f32 $1.000000000e+00, v0  }
0xee: {  	[tilespmem:$0x1FAC0] =	vst v2;
	v2 =	vpop (erf);
	(erf) = vpow2.f32 v1;
	v1 =	vld [tilespmem:$0x1F9B0]  }
0xef: {  	v16 =	vpop (erf);
	(erf) = vrcp.f32 v0;
	v0 =	vld [tilespmem:$0x1F9C0];
	_ =	sdelay $0x3  }
0xf0: {  	v1 =	vadd.f32 $1.000000000e+00, v1  }
0xf1: {  	v0 =	vadd.f32 $1.000000000e+00, v0  }
0xf2: {  	v11 =	vpop (erf);
	(erf) = vrcp.f32 v1;
	v1 =	vld [tilespmem:$0x1F9D0]  }
0xf3: {  	v17 =	vpop (erf);
	(erf) = vrcp.f32 v0;
	v0 =	vld [tilespmem:$0x1F9E0];
	_ =	sdelay $0x3  }
0xf4: {  	v1 =	vadd.f32 $1.000000000e+00, v1  }
0xf5: {  	v0 =	vadd.f32 $1.000000000e+00, v0  }
0xf6: {  	v12 =	vpop (erf);
	(erf) = vrcp.f32 v1;
	v1 =	vld [tilespmem:$0x1F9F0]  }
0xf7: {  	v33 =	vpop (erf);
	(erf) = vrcp.f32 v0;
	v0 =	vld [tilespmem:$0x1FA00];
	_ =	sdelay $0x3  }
0xf8: {  	v1 =	vadd.f32 $1.000000000e+00, v1  }
0xf9: {  	v0 =	vadd.f32 $1.000000000e+00, v0  }
0xfa: {  	v34 =	vpop (erf);
	(erf) = vrcp.f32 v1;
	v1 =	vadd.f32 $1.000000000e+00, v50  }
0xfb: {  	[tilespmem:$0x1FAA0] =	vst v6;
	v6 =	vpop (erf);
	(erf) = vrcp.f32 v0  }
0xfc: {  	[tilespmem:$0x1FAD0] =	vst v2;
	v2 =	vpop (erf);
	(erf) = vrcp.f32 v1;
	v1 =	vld [tilespmem:$0x1FA10];
	_ =	sdelay $0x3  }
0xfd: {  	v0 =	vadd.f32 $1.000000000e+00, v48  }
0xfe: {  	v1 =	vadd.f32 $1.000000000e+00, v1  }
0xff: {  	v3 =	vpop (erf);
	(erf) = vrcp.f32 v0  }
0x100: {  	v28 =	vpop (erf);
	(erf) = vrcp.f32 v1;
	v1 =	vld [tilespmem:$0x1FA20];
	_ =	sdelay $0x2  }
0x101: {  	[tilespmem:$0x1FBA0] =	vst v2;
	v2 =	vadd.f32 $1.000000000e+00, v46  }
0x102: {  	[tilespmem:$0x1FBC0] =	vst v3;
	v3 =	vadd.f32 v20, v32;
	v0 =	vadd.f32 v22, v19  }
0x103: {  	v1 =	vadd.f32 $1.000000000e+00, v1  }
0x104: {  	v32 =	vpop (erf);
	v13 =	vadd.f32 v3, v0;
	v0 =	vld [tilespmem:$0x1FA30];
	(erf) = vrcp.f32 v2  }
0x105: {  	v22 =	vpop (erf);
	(erf) = vrcp.f32 v1;
	v1 =	vld [tilespmem:$0x1FA40];
	_ =	sdelay $0x3  }
0x106: {  	s14 =	simm.s32 $0xF;
	v0 =	vadd.f32 $1.000000000e+00, v0  }
0x107: {  	v14 =	vmov s14;
	v2 =	vadd.f32 $1.000000000e+00, v1  }
0x108: {  	v15 =	vadd.f32 $1.000000000e+00, v55;
	v14 =	vshrl.u32 v14, $0x3;
	v20 =	vpop (erf);
	(erf) = vrcp.f32 v0  }
0x109: {  	v18 =	vadd.f32 $1.000000000e+00, v54;
	v14 =	vshll.u32 v14, v59;
	v19 =	vpop (erf);
	(erf) = vrcp.f32 v2  }
0x10a: {  	v49 =	vadd.f32 $1.000000000e+00, v49;
	v14 =	vadd.s32 $0x7, v14;
	v21 =	vpop (erf);
	(erf) = vrcp.f32 v15  }
0x10b: {  	[tilespmem:$0x1FBD0] =	vst v24;
	v50 =	vpop (erf);
	v0 =	vbroadcast v14, $0x0;
	(erf) = vrcp.f32 v18;
	v18 =	vadd.f32 $1.000000000e+00, v52  }
0x10c: {  	v29 =	vadd.f32 $1.000000000e+00, v29;
	[tilespmem:$0x1FBE0] =	vst v10;
	v27 =	vpop (erf);
	v14 =	vadd.f32 $1.000000000e+00, v51;
	(erf) = vrcp.f32 v49  }
0x10d: {  	v26 =	vmov v43;
	[tilespmem:$0x1FC60] =	vst v6;
	v46 =	vadd.f32 $1.000000000e+00, v63;
	v42 =	vpop (erf);
	(erf) = vrcp.f32 v18  }
0x10e: {  	v41 =	vadd.f32 v37, v38;
	[tilespmem:$0x1FCD0] =	vst v28;
	v48 =	vpop (erf);
	v18 =	vadd.f32 $1.000000000e+00, v53;
	(erf) = vrcp.f32 v14  }
0x10f: {  	[tilespmem:$0x1FD20] =	vst v32;
	v54 =	vpop (erf);
	v14 =	vadd.f32 v47, v43;
	v43 =	vadd.f32 v10, v24;
	(erf) = vrcp.f32 v46  }
0x110: {  	v63 =	vadd.f32 v23, v25;
	v55 =	vpop (erf);
	[tilespmem:$0x1FF80] =	vst v0;
	(erf) = vrcp.f32 v18  }
0x111: {  	v53 =	vpop (erf);
	v18 =	vadd.f32 $1.000000000e+00, v56;
	v49 =	vadd.f32 v43, v41;
	(erf) = vrcp.f32 v29;
	v29 =	vld.idx.msk [tilespmem:v0+s12+$0x0], $0xffff  }
0x112: {  	v4 =	vadd.f32 $1.000000000e+00, v4;
	v56 =	vpop (erf);
	v0 =	vld [tilespmem:$0x1FA50]  }
0x113: {  	v13 =	vadd.f32 v13, v33;
	v14 =	vadd.f32 v63, v14;
	v52 =	vpop (erf);
	(erf) = vrcp.f32 v18  }
0x114: {  	s0 =	simm.s32 $0xC9C0;
	v18 =	vadd.f32 $1.000000000e+00, v57;
	v51 =	vpop (erf);
	(erf) = vrcp.f32 v4;
	v4 =	vadd.f32 $1.000000000e+00, v5  }
0x115: {  	s31 =	simm.s32 $0xA80;
	v8 =	vld [tilespmem:s0+$0x100];
	v5 =	vadd.f32 v14, v34;
	v14 =	vadd.f32 v49, v6;
	v49 =	vpop (erf)  }
0x116: {  	(xrf2) =	vadd.scan.msk.f32 $0xffff, v13;
	v13 =	vadd.f32 $1.000000000e+00, v58;
	v46 =	vld [tilespmem:s31+$0x170];
	(erf) = vrcp.f32 v18;
	v58 =	vpop (erf)  }
0x117: {  	v41 =	vld [tilespmem:s0+$0x130];
	(erf) = vrcp.f32 v4;
	v4 =	vadd.f32 $1.000000000e+00, v0;
	v0 =	vpop (erf)  }
0x118: {  	v6 =	vld [tilespmem:s0+$0xF0];
	[tilespmem:$0x1FBF0] =	vst v0  }
0x119: {  	v0 =	vpop (erf);
	v7 =	vld [tilespmem:s0+$0x110]  }
0x11a: {  	[tilespmem:$0x1FC00] =	vst v0;
	v0 =	vld [tilespmem:$0x1FA60];
	_ =	sdelay $0x3  }
0x11b: {  	(erf) = vrcp.f32 v13  }
0x11c: {  	(erf) = vrcp.f32 v4;
	v4 =	vadd.f32 $1.000000000e+00, v0;
	v0 =	vpop (erf)  }
0x11d: {  	v9 =	vld [tilespmem:s0+$0x120];
	[tilespmem:$0x1FC10] =	vst v0;
	v0 =	vpop (erf)  }
0x11e: {  	[tilespmem:$0x1FC20] =	vst v0;
	v0 =	vpop (erf)  }
0x11f: {  	[tilespmem:$0x1FC30] =	vst v0;
	v0 =	vpop (erf)  }
0x120: {  	v3 =	vcvt.s32.f32 v29;
	v13 =	vsub.f32 v41, v46;
	[tilespmem:$0x1FC40] =	vst v0;
	v0 =	vld [tilespmem:$0x1FA70]  }
0x121: {  	(xrf2) =	vadd.scan.msk.f32 $0xffff, v5;
	v5 =	vadd.f32 $1.000000000e+00, v61  }
0x122: {  	v13 =	vmul.f32 v3, v13  }
0x123: {  	(erf) = vrcp.f32 v5;
	v5 =	vadd.f32 $1.000000000e+00, v62  }
0x124: {  	v10 =	vadd.f32 v13, v46;
	(erf) = vrcp.f32 v4  }
0x125: {  	(erf) = vrcp.f32 v5;
	v5 =	vadd.f32 $1.000000000e+00, v60;
	v13 =	vld [tilespmem:s31+$0x120];
	v60 =	vadd.f32 $1.000000000e+00, v0;
	v0 =	vpop (erf)  }
0x126: {  	[tilespmem:$0x1FC50] =	vst v0;
	v0 =	vld [tilespmem:$0x1FA80];
	_ =	sdelay $0x1  }
0x127: {  	(xrf2) =	vadd.scan.msk.f32 $0xffff, v14;
	_ =	sdelay $0x1  }
0x128: {  	v63 =	vld [tilespmem:s31+$0x160]  }
0x129: {  	v41 =	vadd.f32 $1.000000000e+00, v0;
	v0 =	vld [tilespmem:$0x1FA90]  }
0x12a: {  	v14 =	vmax.f32 v6, v8;
	v43 =	vmax.f32 v7, v9  }
0x12b: {  	(erf) = vrcp.f32 v5;
	v5 =	vmax.f32 v14, v43  }
0x12c: {  	v5 =	vmax.f32 v5, v10;
	v46 =	vld [tilespmem:s31+$0x130];
	_ =	sdelay $0x1  }
0x12d: {  	(erf) = vrcp.f32 v60;
	v1 =	vld [tilespmem:s31+$0x140];
	v3 =	vmul.f32 v3, v63;
	v43 =	vadd.f32 $1.000000000e+00, v0;
	v0, _, _ =	vpop (xrf2)  }
0x12e: {  	(xrf0) =	vmax.scan.msk.f32 $0xffff, v5;
	v60 =	vsub.f32 $0.0e+00, v13;
	(erf) = vrcp.f32 v41;
	v0 =	vbroadcast v0, $0xF;
	v5, _, _ =	vpop (xrf2)  }
0x12f: {  	(erf) = vrcp.f32 v43;
	v5 =	vbroadcast v5, $0xF;
	v13, _, _ =	vpop (xrf2)  }
0x130: {  	v57 =	vpop (erf);
	v2 =	vld [tilespmem:s31+$0x150];
	v46 =	vsub.f32 $0.0e+00, v46;
	(erf) = vrcp.f32 v0;
	v0 =	vbroadcast v13, $0xF  }
0x131: {  	v3 =	vsub.f32 $0.0e+00, v3;
	v43 =	vpop (erf);
	(erf) = vrcp.f32 v5;
	v5 =	vmul.f32 $1.442695020e+00, v60  }
0x132: {  	v60 =	vpop (erf);
	(erf) = vrcp.f32 v0;
	v0 =	vsub.f32 $0.0e+00, v1;
	v1 =	vmul.f32 $1.442695020e+00, v46;
	_ =	sdelay $0x1  }
0x133: {  	v3 =	vmul.f32 $1.442695020e+00, v3;
	v61 =	vpop (erf)  }
0x134: {  	v2 =	vsub.f32 $0.0e+00, v2;
	v13 =	vmul.f32 v17, v19;
	(erf) = vpow2.f32 v5;
	v62 =	vpop (erf)  }
0x135: {  	(erf) = vpow2.f32 v1;
	v0 =	vmul.f32 $1.442695020e+00, v0;
	v1, _, _ =	vpop (xrf0)  }
0x136: {  	s15 =	simm.s32 $0x8;
	v17 =	vadd.f32 v12, v17;
	v63 =	vbroadcast v1, $0xF;
	v1 =	vmul.f32 $1.442695020e+00, v2;
	v23 =	vpop (erf)  }
0x137: {  	v14 =	vmovc v36;
	v19 =	vmov s15;
	v12 =	vmul.f32 v12, v21;
	(erf) = vpow2.f32 v0  }
0x138: {  	v25 =	vpop (erf);
	v0 =	vadd.f32 v30, v40;
	(erf) = vpow2.f32 v1;
	v1 =	vsub.f32 v6, v63  }
0x139: {  	v5 =	vmul.f32 v16, v22;
	v2 =	vadd.f32 v39, v31;
	v6 =	vadd.f32 v36, v45;
	v29 =	vpop (erf)  }
0x13a: {  	v7 =	vsub.f32 v7, v63;
	v46 =	vpop (erf);
	v4 =	vmul.f32 $1.442695020e+00, v1;
	v1 =	vadd.f32 v44, v35  }
0x13b: {  	s15 =	simm.s32 $0xB;
	(erf) = vpow2.f32 v3;
	v3 =	vmul.f32 v11, v20;
	v36 =	vadd.f32 v0, v6;
	v41 =	vpop (erf)  }
0x13c: {  	v20 =	vmov s15;
	s15 =	simm.s32 $0xE;
	v0 =	vpop (erf);
	v18 =	vadd.f32 v1, v2;
	v1 =	vsub.f32 v8, v63  }
0x13d: {  	v9 =	vsub.f32 v9, v63;
	v7 =	vmul.f32 $1.442695020e+00, v7;
	[tilespmem:$0x1FCC0] =	vst v0;
	v0 =	vmov s15  }
0x13e: {  	v8 =	vadd.f32 v11, v16;
	v0 =	vshrl.u32 v0, $0x3;
	v11 =	vmul.f32 $1.442695020e+00, v1  }
0x13f: {  	s14 =	simm.s32 $0xA;
	v20 =	vshrl.u32 v20, $0x3;
	(erf) = vpow2.f32 v4;
	v2 =	vshll.u32 v0, v59  }
0x140: {  	s1 =	simm.s32 $0x9;
	(erf) = vpow2.f32 v11;
	v11 =	vshrl.u32 v19, $0x3;
	v19 =	vmov s14  }
0x141: {  	s14 =	simm.s32 $0xD;
	(erf) = vpow2.f32 v7;
	v7 =	vshll.u32 v11, v59;
	v11 =	vmov s1  }
0x142: {  	s1 =	simm.s32 $0xC;
	v19 =	vshrl.u32 v19, $0x3;
	v22 =	vmov s14;
	v11 =	vshrl.u32 v11, $0x3  }
0x143: {  	v21 =	vmov s1;
	v22 =	vshrl.u32 v22, $0x3;
	v1 =	vbroadcast v7, $0x0  }
0x144: {  	v21 =	vshrl.u32 v21, $0x3;
	v7 =	vshll.u32 v11, v59;
	v11 =	vshll.u32 v19, v59  }
0x145: {  	v19 =	vshll.u32 v20, v59;
	v20 =	vshll.u32 v21, v59;
	v11 =	vadd.s32 $0x2, v11  }
0x146: {  	v4 =	vpop (erf);
	v7 =	vadd.s32 $0x1, v7;
	v0 =	vbroadcast v11, $0x0;
	v11 =	vadd.s32 $0x4, v20  }
0x147: {  	[tilespmem:$0x1FD10] =	vst v4;
	v21 =	vshll.u32 v22, v59;
	v22 =	vbroadcast v7, $0x0;
	v7 =	vadd.s32 $0x3, v19  }
0x148: {  	[tilespmem:$0x1FAE0] =	vst v1;
	v20 =	vbroadcast v7, $0x0;
	v7 =	vmul.f32 $1.442695020e+00, v9;
	v9 =	vpop (erf)  }
0x149: {  	v4 =	vbroadcast v11, $0x0;
	[tilespmem:$0x1FD80] =	vst v9;
	v11 =	vpop (erf)  }
0x14a: {  	[tilespmem:$0x1FDA0] =	vst v11  }
0x14b: {  	v11 =	vld.idx.msk [tilespmem:v1+s12+$0x0], $0xffff;
	v1 =	vpop (erf);
	[tilespmem:$0x1FB10] =	vst v22  }
0x14c: {  	[tilespmem:$0x1FDB0] =	vst v1  }
0x14d: {  	v10 =	vsub.f32 v10, v63;
	v63 =	vld.idx.msk [tilespmem:v22+s12+$0x0], $0xffff;
	[tilespmem:$0x1FB30] =	vst v0  }
0x14e: {  	v0 =	vld.idx.msk [tilespmem:v0+s12+$0x0], $0xffff;
	_ =	sdelay $0x3  }
0x14f: {  	v15 =	vld [tilespmem:$0x1FAB0]  }
0x150: {  	v24 =	vld [tilespmem:$0x1FAD0];
	[tilespmem:$0x1FC70] =	vst v0;
	v0 =	vadd.f32 v3, v5  }
0x151: {  	v6 =	vld [tilespmem:$0x1FAA0];
	[tilespmem:$0x1FB50] =	vst v20  }
0x152: {  	v16 =	vld [tilespmem:$0x1FAC0];
	[tilespmem:$0x1FD40] =	vst v0  }
0x153: {  	v5 =	vld.idx.msk [tilespmem:v20+s12+$0x0], $0xffff;
	_ =	sdelay $0x2  }
0x154: {  	v19 =	vadd.s32 $0x5, v21;
	v0 =	vld [tilespmem:$0x1FB40]  }
0x155: {  	v21 =	vbroadcast v19, $0x0;
	v19 =	vadd.f32 v24, v16  }
0x156: {  	v9 =	vadd.f32 v15, v6;
	[tilespmem:$0x1FC80] =	vst v5;
	v5 =	vadd.f32 v12, v13  }
0x157: {  	(erf) = vpow2.f32 v7;
	v7 =	vld [tilespmem:$0x1FAF0];
	[tilespmem:$0x1FB60] =	vst v4  }
0x158: {  	v1 =	vadd.f32 v19, v9;
	v9 =	vld [tilespmem:$0x1FB00];
	[tilespmem:$0x1FD50] =	vst v5  }
0x159: {  	v3 =	vmul.f32 v0, v48;
	v0 =	vmul.f32 v26, v54;
	v54 =	vld.idx.msk [tilespmem:v4+s12+$0x0], $0xffff  }
0x15a: {  	v4 =	vld [tilespmem:$0x1FB70];
	_ =	sdelay $0x1  }
0x15b: {  	v7 =	vmul.f32 v7, v50  }
0x15c: {  	v2 =	vadd.s32 $0x6, v2;
	v9 =	vmul.f32 v9, v27;
	v12 =	vmul.f32 v47, v55  }
0x15d: {  	v2 =	vbroadcast v2, $0x0  }
0x15e: {  	v7 =	vadd.f32 v9, v7;
	v9 =	vmul.f32 v4, v53;
	v4 =	vadd.f32 v12, v0;
	v0 =	vld [tilespmem:$0x1FB90];
	_ =	sdelay $0x2  }
0x15f: {  	v8 =	vadd.f32 v17, v8;
	v17 =	vld [tilespmem:$0x1FB20];
	[tilespmem:$0x1FB80] =	vst v21  }
0x160: {  	v53 =	vld.idx.msk [tilespmem:v21+s12+$0x0], $0xffff;
	[tilespmem:$0x1FBB0] =	vst v2  }
0x161: {  	v12 =	vmul.f32 v0, v56;
	v0 =	vld.idx.msk [tilespmem:v2+s12+$0x0], $0xffff;
	_ =	sdelay $0x3  }
0x162: {  	v17 =	vmul.f32 v17, v42  }
0x163: {  	[tilespmem:$0x1FC90] =	vst v0;
	v0 =	vadd.f32 v1, v28;
	v1 =	vld [tilespmem:$0x1FBD0]  }
0x164: {  	v3 =	vadd.f32 v3, v17;
	_ =	sdelay $0x1  }
0x165: {  	v13 =	vmul.f32 v33, v23;
	v3 =	vadd.f32 v3, v7  }
0x166: {  	v48 =	vld [tilespmem:$0x1FBA0]  }
0x167: {  	v3 =	vadd.f32 v3, v13;
	v13 =	vmul.f32 v1, v49;
	v1 =	vld [tilespmem:$0x1FBE0]  }
0x168: {  	v47 =	vld [tilespmem:$0x1FBC0];
	_ =	sdelay $0x3  }
0x169: {  	v5 =	vadd.f32 v36, v48;
	v33 =	vmul.f32 v1, v58;
	v1 =	vld [tilespmem:$0x1FBF0]  }
0x16a: {  	v2 =	vadd.f32 v18, v47  }
0x16b: {  	(xrf2) =	vadd.scan.msk.f32 $0xffff, v5  }
0x16c: {  	v8 =	vadd.f32 v8, v32;
	(xrf2) =	vadd.scan.msk.f32 $0xffff, v2  }
0x16d: {  	(xrf2) =	vadd.scan.msk.f32 $0xffff, v0  }
0x16e: {  	(xrf2) =	vadd.scan.msk.f32 $0xffff, v8;
	v8 =	vmul.f32 v45, v1;
	v1 =	vld [tilespmem:$0x1FC00];
	_ =	sdelay $0x4  }
0x16f: {  	v14 =	vmul.f32 v14, v1;
	v1 =	vld [tilespmem:$0x1FC10];
	_ =	sdelay $0x3  }
0x170: {  	v10 =	vmul.f32 $1.442695020e+00, v10;
	v19 =	vpop (erf)  }
0x171: {  	(xrf2) =	vadd.scan.msk.f32 $0xffff, v3;
	v3 =	vadd.f32 $1.000000000e+00, v19;
	v19 =	vmul.f32 v40, v1;
	v1 =	vld [tilespmem:$0x1FC20]  }
0x172: {  	v22 =	vpop (erf)  }
0x173: {  	v26 =	vpop (erf)  }
0x174: {  	(erf) = vpow2.f32 v10;
	v10 =	vpop (erf)  }
0x175: {  	v27 =	vpop (erf);
	v9 =	vadd.f32 v12, v9  }
0x176: {  	v36 =	vpop (erf);
	(erf) = vrcp.f32 v3;
	v3 =	vmul.f32 v30, v1;
	v1 =	vld [tilespmem:$0x1FC30]  }
0x177: {  	v4 =	vadd.f32 v9, v4;
	v9 =	vmul.f32 v34, v25;
	_ =	sdelay $0x1  }
0x178: {  	v4 =	vadd.f32 v4, v9  }
0x179: {  	v23 =	vpop (erf)  }
0x17a: {  	v17 =	vmul.f32 v38, v52;
	v52 =	vpop (erf);
	(xrf2) =	vadd.scan.msk.f32 $0xffff, v4;
	v4 =	vmul.f32 v31, v1;
	v1 =	vld [tilespmem:$0x1FC40]  }
0x17b: {  	v5 =	vmul.f32 v37, v51;
	v51 =	vpop (erf);
	v20 =	vld [tilespmem:s31+$0xFFFFFED0]  }
0x17c: {  	v32 =	vadd.f32 v51, v52;
	v7 =	vld [tilespmem:s0+$0xFFFFFF00];
	v0 =	vadd.f32 v23, v36  }
0x17d: {  	v2 =	vld [tilespmem:s31+$0xFFFFFF30];
	v9 =	vadd.f32 $1.000000000e+00, v22  }
0x17e: {  	v12 =	vld [tilespmem:s0+$0xFFFFFF50];
	v0 =	vadd.f32 v32, v0  }
0x17f: {  	(erf) = vrcp.f32 v9;
	v9 =	vadd.f32 v33, v13;
	v13 =	vmul.f32 v39, v1;
	v1 =	vld [tilespmem:$0x1FC50]  }
0x180: {  	v56 =	vpop (erf);
	v21 =	vld [tilespmem:s31+$0xFFFFFF90]  }
0x181: {  	v42 =	vld [tilespmem:s0+$0xFFFFFFA0];
	v0 =	vadd.f32 v0, v56  }
0x182: {  	v5 =	vadd.f32 v5, v17;
	v17 =	vld [tilespmem:s31+$0x50]  }
0x183: {  	v49 =	vld [tilespmem:s0+$0xFFFFFFF0];
	(xrf2) =	vadd.scan.msk.f32 $0xffff, v0;
	v0 =	vadd.f32 v14, v8  }
0x184: {  	v45 =	vld [tilespmem:s31+$0xFFFFFFF0];
	v14 =	vadd.f32 v3, v19;
	v19 =	vmul.f32 v35, v1;
	v1 =	vadd.f32 v13, v4  }
0x185: {  	v8 =	vld [tilespmem:s31+$0xB0]  }
0x186: {  	v31 =	vld [tilespmem:s0+$0x40];
	[tilespmem:$0x1FCE0] =	vst v1;
	v1 =	vmul.f32 v16, v61  }
0x187: {  	v38 =	vld [tilespmem:s0+$0x90]  }
0x188: {  	v3 =	vld [tilespmem:s31+$0x110];
	[tilespmem:$0x1FCB0] =	vst v1;
	v1 =	vmul.f32 v24, v62;
	_ =	sdelay $0x1  }
0x189: {  	[tilespmem:$0x1FCA0] =	vst v1;
	v1 =	vld [tilespmem:$0x1FC60];
	_ =	sdelay $0x1  }
0x18a: {  	v13, _, _ =	vpop (xrf2)  }
0x18b: {  	v28, _, _ =	vpop (xrf2)  }
0x18c: {  	v22 =	vmul.f32 v15, v60;
	v61, _, _ =	vpop (xrf2)  }
0x18d: {  	v4 =	vmul.f32 v44, v57;
	v15 =	vmul.f32 v1, v29;
	v1, _, _ =	vpop (xrf2)  }
0x18e: {  	v18 =	vmul.f32 v6, v43;
	v43 =	vld [tilespmem:s0+$0xFFFFFEC0];
	[tilespmem:$0x1FF60] =	vst v1;
	v1, _, _ =	vpop (xrf2)  }
0x18f: {  	v62 =	vld [tilespmem:s31+$0xFFFFFE80];
	[tilespmem:$0x1FD60] =	vst v1;
	v1 =	vadd.f32 v4, v19  }
0x190: {  	v26 =	vadd.f32 $1.000000000e+00, v26;
	v5 =	vadd.f32 v9, v5;
	v9 =	vbroadcast v13, $0xF;
	v13 =	vld [tilespmem:s31+$0xFFFFFE90]  }
0x191: {  	v44 =	vld [tilespmem:s31+$0xFFFFFEA0];
	[tilespmem:$0x1FCF0] =	vst v1;
	v1 =	vadd.f32 v22, v18  }
0x192: {  	(erf) = vrcp.f32 v26;
	v26 =	vadd.f32 $1.000000000e+00, v27  }
0x193: {  	v10 =	vadd.f32 $1.000000000e+00, v10;
	v6 =	vld [tilespmem:s31+$0xFFFFFEB0];
	[tilespmem:$0x1FD00] =	vst v1;
	v1 =	vmul.f32 v47, v41;
	_ =	sdelay $0x1  }
0x194: {  	(erf) = vrcp.f32 v10  }
0x195: {  	(erf) = vrcp.f32 v26;
	v26 =	vpop (erf)  }
0x196: {  	v50 =	vmul.f32 v36, v26;
	v0 =	vadd.f32 v14, v0;
	v14 =	vbroadcast v28, $0xF;
	[tilespmem:$0x1FD30] =	vst v1;
	v1, _, _ =	vpop (xrf2)  }
0x197: {  	v39 =	vmul.f32 v48, v46;
	(erf) = vrcp.f32 v9;
	v4 =	vpop (erf);
	[tilespmem:$0x1FD90] =	vst v1  }
0x198: {  	(erf) = vrcp.f32 v14;
	v14 =	vbroadcast v61, $0xF;
	v18 =	vsub.f32 $0.0e+00, v62;
	v26, _, _ =	vpop (xrf2);
	v46 =	vld [tilespmem:s31+$0xFFFFFEF0]  }
0x199: {  	v37 =	vmul.f32 v23, v4;
	v13 =	vsub.f32 $0.0e+00, v13;
	v1 =	vld [tilespmem:s31+$0xFFFFFEE0];
	v4 =	vbroadcast v26, $0xF  }
0x19a: {  	(erf) = vrcp.f32 v14;
	v14 =	vmul.f32 $1.442695020e+00, v18;
	v18 =	vsub.f32 $0.0e+00, v44  }
0x19b: {  	v6 =	vsub.f32 $0.0e+00, v6;
	v23 =	vld [tilespmem:s31+$0xFFFFFF00];
	(erf) = vrcp.f32 v4;
	v4 =	vmul.f32 $1.442695020e+00, v13  }
0x19c: {  	v26 =	vld [tilespmem:s31+$0xFFFFFF10];
	(erf) = vpow2.f32 v14;
	v14 =	vmul.f32 $1.442695020e+00, v18  }
0x19d: {  	v13 =	vld [tilespmem:s31+$0xFFFFFF40];
	(erf) = vpow2.f32 v4;
	v4 =	vmul.f32 $1.442695020e+00, v6;
	v6 =	vsub.f32 $0.0e+00, v46  }
0x19e: {  	v47 =	vld [tilespmem:s31+$0xFFFFFF50];
	v1 =	vsub.f32 $0.0e+00, v1;
	(erf) = vpow2.f32 v14  }
0x19f: {  	v48 =	vld [tilespmem:s31+$0xFFFFFF60];
	(erf) = vpow2.f32 v4;
	v4 =	vmul.f32 $1.442695020e+00, v6  }
0x1a0: {  	v18 =	vpop (erf);
	v14 =	vsub.f32 $0.0e+00, v23;
	v23 =	vld [tilespmem:s31+$0xFFFFFF70];
	v1 =	vmul.f32 $1.442695020e+00, v1  }
0x1a1: {  	v27 =	vpop (erf);
	v6 =	vsub.f32 $0.0e+00, v26;
	v26 =	vld [tilespmem:s31+$0xFFFFFFA0]  }
0x1a2: {  	v57 =	vld [tilespmem:s31+$0xFFFFFFC0];
	v28 =	vpop (erf);
	v13 =	vsub.f32 $0.0e+00, v13;
	(erf) = vpow2.f32 v1;
	v1 =	vmul.f32 $1.442695020e+00, v14  }
0x1a3: {  	v33 =	vsub.f32 $0.0e+00, v47;
	v14 =	vld [tilespmem:s31+$0xFFFFFFB0];
	v55 =	vmul.f32 $1.442695020e+00, v6;
	(erf) = vpow2.f32 v4;
	v4 =	vpop (erf)  }
0x1a4: {  	v58 =	vld [tilespmem:s31+$0xFFFFFFD0];
	(erf) = vpow2.f32 v1;
	v1 =	vmul.f32 $1.442695020e+00, v13;
	v13 =	vsub.f32 $0.0e+00, v48;
	[tilespmem:$0x1FDC0] =	vst v4;
	v4 =	vpop (erf)  }
0x1a5: {  	v33 =	vmul.f32 $1.442695020e+00, v33;
	v60 =	vsub.f32 $0.0e+00, v23;
	(erf) = vpow2.f32 v55;
	v61 =	vld [tilespmem:s31+$0x0];
	[tilespmem:$0x1FDD0] =	vst v4;
	v4 =	vpop (erf)  }
0x1a6: {  	(erf) = vpow2.f32 v1;
	v1 =	vmul.f32 $1.442695020e+00, v13;
	v13 =	vsub.f32 $0.0e+00, v26;
	v26 =	vld [tilespmem:s31+$0x10];
	[tilespmem:$0x1FE00] =	vst v4;
	v4 =	vpop (erf)  }
0x1a7: {  	v40 =	vld [tilespmem:s31+$0x20];
	[tilespmem:$0x1FD70] =	vst v4  }
0x1a8: {  	v62 =	vmul.f32 $1.442695020e+00, v60;
	(erf) = vpow2.f32 v33;
	v14 =	vsub.f32 $0.0e+00, v14;
	v4 =	vpop (erf);
	v41 =	vld [tilespmem:s31+$0x30]  }
0x1a9: {  	(erf) = vpow2.f32 v1;
	v1 =	vmul.f32 $1.442695020e+00, v13;
	v13 =	vsub.f32 $0.0e+00, v57;
	v22 =	vld [tilespmem:s0+$0xFFFFFED0];
	[tilespmem:$0x1FDE0] =	vst v4;
	v4 =	vpop (erf)  }
0x1aa: {  	v32 =	vsub.f32 $0.0e+00, v58;
	(erf) = vpow2.f32 v62;
	v44 =	vmul.f32 $1.442695020e+00, v14;
	v60 =	vld [tilespmem:s0+$0xFFFFFEE0];
	[tilespmem:$0x1FDF0] =	vst v4;
	v4 =	vpop (erf)  }
0x1ab: {  	(erf) = vpow2.f32 v1;
	v1 =	vmul.f32 $1.442695020e+00, v13;
	v13 =	vsub.f32 $0.0e+00, v61;
	v61 =	vld [tilespmem:s0+$0xFFFFFEF0];
	[tilespmem:$0x1FE10] =	vst v4;
	v4 =	vpop (erf)  }
0x1ac: {  	v46 =	vld [tilespmem:s31+$0x60];
	[tilespmem:$0x1FE20] =	vst v4;
	v4 =	vpop (erf)  }
0x1ad: {  	v32 =	vmul.f32 $1.442695020e+00, v32;
	(erf) = vpow2.f32 v44;
	[tilespmem:$0x1FE30] =	vst v4  }
0x1ae: {  	v26 =	vsub.f32 $0.0e+00, v26;
	(erf) = vpow2.f32 v1;
	v1 =	vmul.f32 $1.442695020e+00, v13;
	v48 =	vld [tilespmem:s31+$0xFFFFFEC0]  }
0x1af: {  	v35 =	vadd.f32 v5, v15;
	v13 =	vsub.f32 $0.0e+00, v40;
	(erf) = vpow2.f32 v32;
	v15 =	vld [tilespmem:s31+$0xFFFFFF20]  }
0x1b0: {  	v26 =	vmul.f32 $1.442695020e+00, v26;
	v47 =	vsub.f32 $0.0e+00, v41;
	(erf) = vpow2.f32 v1;
	v1 =	vld [tilespmem:$0x1FC70]  }
0x1b1: {  	v62 =	vld [tilespmem:s0+$0xFFFFFF20];
	v5 =	vmul.f32 $1.442695020e+00, v13  }
0x1b2: {  	v23 =	vadd.f32 v0, v39;
	v36 =	vpop (erf);
	v13 =	vld [tilespmem:s31+$0x70];
	(erf) = vpow2.f32 v26;
	v0 =	vmul.f32 $1.442695020e+00, v47  }
0x1b3: {  	v34 =	vpop (erf);
	v26 =	vld [tilespmem:s31+$0xFFFFFF80];
	(erf) = vpow2.f32 v5;
	v5 =	vcvt.s32.f32 v11;
	v11 =	vsub.f32 v7, v20  }
0x1b4: {  	v25 =	vsub.f32 v12, v2;
	v32 =	vpop (erf);
	(erf) = vpow2.f32 v0;
	v0 =	vcvt.s32.f32 v63;
	v63 =	vld [tilespmem:s31+$0x80]  }
0x1b5: {  	v33 =	vsub.f32 $0.0e+00, v46;
	v11 =	vmul.f32 v5, v11;
	v55 =	vcvt.s32.f32 v1;
	v1 =	vld [tilespmem:$0x1FC80]  }
0x1b6: {  	v42 =	vsub.f32 v42, v21;
	v7 =	vld [tilespmem:s0+$0xFFFFFF10];
	v57 =	vmul.f32 v5, v48;
	v25 =	vmul.f32 v0, v25  }
0x1b7: {  	v30 =	vsub.f32 v49, v45;
	v48 =	vld [tilespmem:s31+$0xFFFFFFE0];
	v0 =	vmul.f32 v0, v15;
	v15 =	vmul.f32 $1.442695020e+00, v33  }
0x1b8: {  	v58 =	vadd.f32 v11, v20;
	v20 =	vmul.f32 v55, v42;
	v26 =	vmul.f32 v55, v26;
	v55 =	vld [tilespmem:s31+$0x40]  }
0x1b9: {  	v11 =	vld [tilespmem:s0+$0xFFFFFF30];
	v49 =	vadd.f32 v25, v2;
	v2 =	vcvt.s32.f32 v54;
	v25 =	vsub.f32 v31, v17  }
0x1ba: {  	v33 =	vpop (erf);
	(erf) = vpow2.f32 v15;
	v46 =	vsub.f32 $0.0e+00, v63;
	v63 =	vld [tilespmem:s31+$0x90];
	v15 =	vcvt.s32.f32 v1  }
0x1bb: {  	v16 =	vcvt.s32.f32 v53;
	v20 =	vadd.f32 v20, v21;
	v21 =	vld [tilespmem:s31+$0xC0];
	v24 =	vmul.f32 v2, v25  }
0x1bc: {  	v31 =	vpop (erf);
	v1 =	vld [tilespmem:s0+$0xFFFFFF40];
	v25 =	vmul.f32 $1.442695020e+00, v46;
	v30 =	vmul.f32 v15, v30  }
0x1bd: {  	v13 =	vsub.f32 $0.0e+00, v13;
	v4 =	vpop (erf);
	v46 =	vld [tilespmem:s0+$0xE0];
	v15 =	vmul.f32 v15, v48;
	v41 =	vmul.f32 v2, v55  }
0x1be: {  	v2 =	vmax.f32 v43, v22;
	v48 =	vld [tilespmem:s31+$0xD0];
	[tilespmem:$0x1FE40] =	vst v4;
	v19 =	vadd.f32 v30, v45;
	v30 =	vmax.f32 v60, v61  }
0x1bf: {  	v13 =	vmul.f32 $1.442695020e+00, v13;
	v53 =	vld [tilespmem:s31+$0xA0];
	v2 =	vmax.f32 v2, v30;
	v30 =	vsub.f32 $0.0e+00, v63  }
0x1c0: {  	v54 =	vld [tilespmem:s31+$0xF0]  }
0x1c1: {  	(erf) = vpow2.f32 v13;
	v40 =	vld [tilespmem:s0+$0xFFFFFF60]  }
0x1c2: {  	(erf) = vpow2.f32 v25;
	v25 =	vsub.f32 v38, v8;
	v63 =	vld [tilespmem:s31+$0xE0];
	v2 =	vmax.f32 v2, v58  }
0x1c3: {  	v39 =	vld [tilespmem:s0+$0xFFFFFF70];
	(xrf0) =	vmax.scan.msk.f32 $0xffff, v2;
	v2 =	vsub.f32 $0.0e+00, v21;
	v45 =	vmul.f32 $1.442695020e+00, v30;
	v30 =	vpop (erf)  }
0x1c4: {  	v47 =	vmul.f32 v16, v25;
	v25 =	vadd.f32 v24, v17;
	v17 =	vld [tilespmem:s31+$0x100];
	v4 =	vpop (erf)  }
0x1c5: {  	v29 =	vmov v43;
	v43 =	vmax.f32 v11, v1;
	v2 =	vmul.f32 $1.442695020e+00, v2;
	[tilespmem:$0x1FE50] =	vst v4;
	v4 =	vld [tilespmem:$0x1FC90]  }
0x1c6: {  	v21 =	vmax.f32 v7, v62;
	v48 =	vsub.f32 $0.0e+00, v48;
	(erf) = vpow2.f32 v45  }
0x1c7: {  	v21 =	vmax.f32 v21, v43;
	(erf) = vpow2.f32 v2;
	v2 =	vsub.f32 $0.0e+00, v63  }
0x1c8: {  	v21 =	vmax.f32 v21, v49;
	v38 =	vld [tilespmem:s0+$0xFFFFFF80]  }
0x1c9: {  	v0 =	vsub.f32 $0.0e+00, v0;
	v24 =	vadd.f32 v47, v8;
	(xrf0) =	vmax.scan.msk.f32 $0xffff, v21;
	v21 =	vmul.f32 $1.442695020e+00, v48;
	v55 =	vld [tilespmem:s0+$0xFFFFFF90]  }
0x1ca: {  	v45 =	vsub.f32 $0.0e+00, v54;
	v8 =	vmul.f32 $1.442695020e+00, v2;
	v63 =	vcvt.s32.f32 v4;
	v4 =	vpop (erf)  }
0x1cb: {  	v0 =	vmul.f32 $1.442695020e+00, v0;
	v15 =	vsub.f32 $0.0e+00, v15;
	(erf) = vpow2.f32 v21;
	[tilespmem:$0x1FE60] =	vst v4;
	v2 =	vpop (erf)  }
0x1cc: {  	v54 =	vmul.f32 $1.442695020e+00, v45;
	(erf) = vpow2.f32 v8;
	v8 =	vsub.f32 $0.0e+00, v26;
	v42 =	vld [tilespmem:s0+$0xFFFFFFB0];
	[tilespmem:$0x1FE70] =	vst v2;
	v2 =	vpop (erf)  }
0x1cd: {  	v46 =	vsub.f32 v46, v3;
	v16 =	vmul.f32 v16, v53;
	v43 =	vmax.f32 v40, v39;
	v26 =	vld [tilespmem:s0+$0xFFFFFFC0];
	[tilespmem:$0x1FE80] =	vst v2  }
0x1ce: {  	v45 =	vmax.f32 v38, v55;
	(erf) = vpow2.f32 v54;
	v8 =	vmul.f32 $1.442695020e+00, v8;
	v12 =	vld [tilespmem:s0+$0xFFFFFFD0]  }
0x1cf: {  	v2 =	vpop (erf);
	(erf) = vpow2.f32 v0;
	v0 =	vmul.f32 $1.442695020e+00, v15;
	v15 =	vsub.f32 $0.0e+00, v41;
	v10 =	vld [tilespmem:s0+$0xFFFFFFE0]  }
0x1d0: {  	v17 =	vmul.f32 v63, v17;
	v47 =	vmax.f32 v43, v45;
	[tilespmem:$0x1FE90] =	vst v2;
	v2 =	vpop (erf);
	(erf) = vpow2.f32 v8  }
0x1d1: {  	[tilespmem:$0x1FEA0] =	vst v2;
	v2 =	vpop (erf);
	v15 =	vmul.f32 $1.442695020e+00, v15;
	(erf) = vpow2.f32 v0;
	v0 =	vsub.f32 $0.0e+00, v16  }
0x1d2: {  	v14, _, _ =	vpop (xrf0);
	v21 =	vmul.f32 v63, v46;
	v17 =	vsub.f32 $0.0e+00, v17;
	v8 =	vmax.f32 v47, v20  }
0x1d3: {  	[tilespmem:$0x1FEB0] =	vst v2;
	(xrf0) =	vmax.scan.msk.f32 $0xffff, v8;
	v2 =	vpop (erf);
	(erf) = vpow2.f32 v15;
	v0 =	vmul.f32 $1.442695020e+00, v0  }
0x1d4: {  	v63, _, _ =	vpop (xrf0);
	v15 =	vmul.f32 $1.442695020e+00, v17;
	v53 =	vmax.f32 v42, v26;
	v54 =	vmax.f32 v12, v10  }
0x1d5: {  	v8 =	vbroadcast v63, $0xF;
	v9 =	vld [tilespmem:s0+$0x0];
	[tilespmem:$0x1FEC0] =	vst v2;
	v2 =	vpop (erf);
	v41 =	vmax.f32 v53, v54;
	(erf) = vpow2.f32 v0  }
0x1d6: {  	v16 =	vsub.f32 $0.0e+00, v57;
	v5 =	vld [tilespmem:s0+$0x10];
	[tilespmem:$0x1FED0] =	vst v2;
	v48 =	vpop (erf);
	(erf) = vpow2.f32 v15;
	v15 =	vmax.f32 v41, v19  }
0x1d7: {  	v7 =	vsub.f32 v7, v8;
	v4 =	vld [tilespmem:s0+$0x20]  }
0x1d8: {  	v16 =	vmul.f32 $1.442695020e+00, v16;
	v6 =	vld [tilespmem:s0+$0x30]  }
0x1d9: {  	v7 =	vmul.f32 $1.442695020e+00, v7;
	(xrf0) =	vmax.scan.msk.f32 $0xffff, v15;
	v15, _, _ =	vpop (xrf0)  }
0x1da: {  	v57 =	vsub.f32 v62, v8;
	v0 =	vpop (erf);
	(erf) = vpow2.f32 v16;
	v17 =	vbroadcast v15, $0xF  }
0x1db: {  	v11 =	vsub.f32 v11, v8;
	v16 =	vmul.f32 v52, v18;
	[tilespmem:$0x1FEE0] =	vst v0;
	v0 =	vpop (erf);
	(erf) = vpow2.f32 v7  }
0x1dc: {  	v7 =	vsub.f32 v1, v8;
	[tilespmem:$0x1FEF0] =	vst v0;
	v0 =	vpop (erf);
	v15 =	vmul.f32 $1.442695020e+00, v57;
	v18 =	vsub.f32 v40, v17  }
0x1dd: {  	v13 =	vadd.f32 v21, v3;
	v11 =	vmul.f32 $1.442695020e+00, v11;
	v62 =	vmax.f32 v4, v6;
	v21 =	vld [tilespmem:s0+$0x50];
	[tilespmem:$0x1FF00] =	vst v0  }
0x1de: {  	v7 =	vmul.f32 $1.442695020e+00, v7;
	v0 =	vpop (erf);
	v52 =	vld [tilespmem:s0+$0x60];
	(erf) = vpow2.f32 v15;
	v15 =	vmax.f32 v9, v5  }
0x1df: {  	v2 =	vld [tilespmem:s0+$0x70];
	[tilespmem:$0x1FF10] =	vst v0;
	v0 =	vpop (erf);
	v40 =	vmax.f32 v15, v62;
	(erf) = vpow2.f32 v11;
	v11 =	vsub.f32 v39, v17  }
0x1e0: {  	(erf) = vpow2.f32 v7;
	v7 =	vmax.f32 v40, v25;
	v63 =	vmul.f32 $1.442695020e+00, v18;
	v18, _, _ =	vpop (xrf0)  }
0x1e1: {  	(xrf0) =	vmax.scan.msk.f32 $0xffff, v7;
	v7 =	vsub.f32 v38, v17;
	v11 =	vmul.f32 $1.442695020e+00, v11;
	v18 =	vbroadcast v18, $0xF  }
0x1e2: {  	v3 =	vld [tilespmem:s0+$0x80];
	[tilespmem:$0x1FF20] =	vst v0;
	v0 =	vpop (erf);
	(erf) = vpow2.f32 v63  }
0x1e3: {  	v1 =	vld [tilespmem:s0+$0xA0];
	[tilespmem:$0x1FF30] =	vst v0;
	v0 =	vpop (erf);
	(erf) = vpow2.f32 v11;
	v7 =	vmul.f32 $1.442695020e+00, v7;
	v11 =	vsub.f32 v42, v18  }
0x1e4: {  	v39 =	vsub.f32 v55, v17  }
0x1e5: {  	v15 =	vpop (erf);
	(erf) = vpow2.f32 v7;
	v7 =	vmul.f32 $1.442695020e+00, v11  }
0x1e6: {  	v55 =	vld [tilespmem:s0+$0xB0];
	[tilespmem:$0x1FF40] =	vst v0;
	v45 =	vmul.f32 $1.442695020e+00, v39  }
0x1e7: {  	v43 =	vld [tilespmem:s0+$0xC0];
	v46 =	vmax.f32 v21, v52;
	v47 =	vmax.f32 v2, v3;
	v63 =	vpop (erf)  }
0x1e8: {  	v27 =	vmul.f32 v51, v27;
	v0 =	vld [tilespmem:s0+$0xD0];
	v39 =	vmax.f32 v46, v47;
	v62 =	vpop (erf);
	(erf) = vpow2.f32 v45  }
0x1e9: {  	v26 =	vsub.f32 v26, v18;
	v11 =	vmax.f32 v39, v24;
	(erf) = vpow2.f32 v7;
	v7, _, _ =	vpop (xrf0)  }
0x1ea: {  	v16 =	vadd.f32 v27, v16;
	(xrf0) =	vmax.scan.msk.f32 $0xffff, v11;
	v27 =	vbroadcast v7, $0xF;
	v7 =	vsub.f32 v12, v18  }
0x1eb: {  	v10 =	vsub.f32 v10, v18;
	v11 =	vmul.f32 $1.442695020e+00, v26  }
0x1ec: {  	v37 =	vadd.f32 v37, v50;
	v57 =	vpop (erf);
	v7 =	vmul.f32 $1.442695020e+00, v7;
	v9 =	vsub.f32 v9, v27  }
0x1ed: {  	v10 =	vmul.f32 $1.442695020e+00, v10;
	v42 =	vpop (erf);
	v26 =	vmax.f32 v43, v0;
	(erf) = vpow2.f32 v11  }
0x1ee: {  	(xrf2) =	vadd.scan.msk.f32 $0xffff, v35;
	v53 =	vpop (erf);
	v12 =	vmax.f32 v1, v55;
	(erf) = vpow2.f32 v7;
	v7 =	vmul.f32 $1.442695020e+00, v9  }
0x1ef: {  	[tilespmem:$0x1FF50] =	vst v15;
	v15 =	vpop (erf);
	v12 =	vmax.f32 v12, v26;
	v5 =	vsub.f32 v5, v27;
	(erf) = vpow2.f32 v10  }
0x1f0: {  	(xrf2) =	vadd.scan.msk.f32 $0xffff, v23;
	v11 =	vmax.f32 v12, v13;
	v4 =	vsub.f32 v4, v27;
	v9, _, _ =	vpop (xrf0);
	(erf) = vpow2.f32 v7;
	v7 =	vld [tilespmem:$0x1FCB0]  }
0x1f1: {  	(xrf0) =	vmax.scan.msk.f32 $0xffff, v11;
	v5 =	vmul.f32 $1.442695020e+00, v5;
	v23 =	vbroadcast v9, $0xF;
	v9 =	vsub.f32 v6, v27;
	v6 =	vld [tilespmem:$0x1FCA0]  }
0x1f2: {  	v12 =	vmul.f32 v56, v28;
	v4 =	vmul.f32 $1.442695020e+00, v4;
	v10 =	vadd.f32 v16, v37  }
0x1f3: {  	v45 =	vpop (erf);
	(erf) = vpow2.f32 v5;
	v5 =	vsub.f32 v21, v23;
	v11 =	vmul.f32 $1.442695020e+00, v9  }
0x1f4: {  	v40 =	vpop (erf)  }
0x1f5: {  	v39 =	vpop (erf);
	v10 =	vadd.f32 v10, v12;
	(erf) = vpow2.f32 v4;
	v5 =	vmul.f32 $1.442695020e+00, v5  }
0x1f6: {  	v4 =	vsub.f32 v52, v23;
	v52 =	vpop (erf);
	(erf) = vpow2.f32 v11;
	v12 =	vadd.f32 v6, v7;
	v6 =	vld [tilespmem:$0x1FCD0]  }
0x1f7: {  	v2 =	vsub.f32 v2, v23;
	v11, _, _ =	vpop (xrf0);
	(erf) = vpow2.f32 v5;
	v5 =	vsub.f32 v3, v23;
	v3 =	vld [tilespmem:$0x1FCC0]  }
0x1f8: {  	v4 =	vmul.f32 $1.442695020e+00, v4;
	v16 =	vbroadcast v11, $0xF  }
0x1f9: {  	v2 =	vmul.f32 $1.442695020e+00, v2  }
0x1fa: {  	v37 =	vbroadcast v14, $0xF;
	v44 =	vpop (erf);
	(erf) = vpow2.f32 v4;
	v1 =	vsub.f32 v1, v16  }
0x1fb: {  	v35 =	vpop (erf);
	(erf) = vpow2.f32 v2;
	v4 =	vmul.f32 $1.442695020e+00, v5;
	v2 =	vsub.f32 v55, v16  }
0x1fc: {  	v26, _, _ =	vpop (xrf2);
	(xrf2) =	vadd.scan.msk.f32 $0xffff, v10;
	v21 =	vmul.f32 v6, v3;
	v10 =	vmul.f32 $1.442695020e+00, v1  }
0x1fd: {  	v0 =	vsub.f32 v0, v16;
	v6 =	vpop (erf);
	(erf) = vpow2.f32 v4;
	v11 =	vmul.f32 $1.442695020e+00, v2  }
0x1fe: {  	v1 =	vld [tilespmem:$0x1FCF0];
	v7 =	vpop (erf);
	(erf) = vpow2.f32 v10  }
0x1ff: {  	v9 =	vpop (erf);
	(erf) = vpow2.f32 v11;
	v11 =	vsub.f32 v22, v37;
	v22 =	vmul.f32 $1.442695020e+00, v0;
	v0 =	vld [tilespmem:$0x1FCE0];
	_ =	sdelay $0x4  }
0x200: {  	v10 =	vsub.f32 v29, v37;
	v29 =	vadd.f32 v1, v0;
	v0 =	vld [tilespmem:$0x1FD00];
	_ =	sdelay $0x3  }
0x201: {  	v1 =	vld [tilespmem:$0x1FD20]  }
0x202: {  	v5 =	vsub.f32 v43, v16;
	v12 =	vadd.f32 v12, v0;
	v0 =	vld [tilespmem:$0x1FD10];
	_ =	sdelay $0x1  }
0x203: {  	v14 =	vmul.f32 $1.442695020e+00, v5;
	_ =	sdelay $0x1  }
0x204: {  	v5 =	vpop (erf);
	(erf) = vpow2.f32 v14  }
0x205: {  	v38 =	vpop (erf);
	(erf) = vpow2.f32 v22;
	v22 =	vmul.f32 v1, v0;
	v0 =	vld [tilespmem:$0x1FD30];
	_ =	sdelay $0x3  }
0x206: {  	v1 =	vld [tilespmem:$0x1FD50]  }
0x207: {  	v29 =	vadd.f32 v29, v0;
	v0 =	vld [tilespmem:$0x1FD40]  }
0x208: {  	v10 =	vmul.f32 $1.442695020e+00, v10;
	_ =	sdelay $0x1  }
0x209: {  	v14 =	vmul.f32 $1.442695020e+00, v11  }
0x20a: {  	v11 =	vpop (erf);
	(erf) = vpow2.f32 v10  }
0x20b: {  	v10 =	vpop (erf);
	(erf) = vpow2.f32 v14;
	v14 =	vsub.f32 v61, v37;
	v61 =	vadd.f32 v1, v0;
	v0 =	vld [tilespmem:$0x1FD60];
	_ =	sdelay $0x4  }
0x20c: {  	v12 =	vadd.f32 v12, v21;
	v21 =	vbroadcast v0, $0xF;
	v0 =	vld [tilespmem:$0x1FD70]  }
0x20d: {  	v28, _, _ =	vpop (xrf2)  }
0x20e: {  	v51, _, _ =	vpop (xrf2)  }
0x20f: {  	v55 =	vbroadcast v51, $0xF;
	_ =	sdelay $0x1  }
0x210: {  	v51 =	vmul.f32 v0, v55;
	v0 =	vld [tilespmem:$0x1FD80];
	_ =	sdelay $0x4  }
0x211: {  	v46 =	vmul.f32 v0, v21;
	v0 =	vld [tilespmem:$0x1FD90];
	_ =	sdelay $0x4  }
0x212: {  	v17 =	vsub.f32 v20, v17;
	v20 =	vbroadcast v0, $0xF;
	v0 =	vld [tilespmem:$0x1FDA0]  }
0x213: {  	v50 =	vsub.f32 v60, v37;
	_ =	sdelay $0x1  }
0x214: {  	v43 =	vmul.f32 $1.442695020e+00, v50;
	_ =	sdelay $0x1  }
0x215: {  	v8 =	vsub.f32 v49, v8;
	v60 =	vpop (erf);
	(erf) = vpow2.f32 v43;
	v43 =	vmul.f32 v0, v20;
	v0 =	vld [tilespmem:$0x1FDB0];
	_ =	sdelay $0x1  }
0x216: {  	v8 =	vmul.f32 $1.442695020e+00, v8;
	v17 =	vmul.f32 $1.442695020e+00, v17;
	v25 =	vsub.f32 v25, v27;
	(xrf2) =	vadd.scan.msk.f32 $0xffff, v29  }
0x217: {  	v29 =	vmul.f32 $1.442695020e+00, v14;
	(xrf2) =	vadd.scan.msk.f32 $0xffff, v12;
	v12 =	vsub.f32 v19, v18;
	v18 =	vbroadcast v26, $0xF  }
0x218: {  	v13 =	vsub.f32 v13, v16;
	v16 =	vbroadcast v28, $0xF;
	v37 =	vsub.f32 v58, v37;
	v41 =	vpop (erf)  }
0x219: {  	v19 =	vpop (erf);
	v26 =	vadd.f32 v39, v40;
	(erf) = vpow2.f32 v29;
	v47 =	vmul.f32 v0, v18;
	v0 =	vld [tilespmem:$0x1FDC0]  }
0x21a: {  	v56 =	vpop (erf);
	(erf) = vpow2.f32 v8;
	v8 =	vsub.f32 v24, v23;
	v12 =	vmul.f32 $1.442695020e+00, v12  }
0x21b: {  	v54 =	vpop (erf);
	(erf) = vpow2.f32 v17;
	v17 =	vmul.f32 $1.442695020e+00, v25;
	v25 =	vadd.f32 v45, v15  }
0x21c: {  	v49 =	vadd.f32 v61, v22;
	(erf) = vpow2.f32 v12;
	v8 =	vmul.f32 $1.442695020e+00, v8;
	v55 =	vpop (erf)  }
0x21d: {  	v61 =	vadd.f32 v26, v25;
	v26 =	vadd.f32 v9, v7;
	v23 =	vpop (erf);
	(erf) = vpow2.f32 v17  }
0x21e: {  	v17 =	vadd.f32 v6, v35;
	v18 =	vmul.f32 v0, v16;
	v0 =	vadd.f32 v38, v5  }
0x21f: {  	v25 =	vmul.f32 $1.442695020e+00, v13;
	v27 =	vpop (erf);
	(erf) = vpow2.f32 v8  }
0x220: {  	v28 =	vpop (erf);
	v16 =	vadd.f32 v44, v52;
	v20 =	vadd.f32 v0, v26;
	v0 =	vmul.f32 $1.442695020e+00, v37  }
0x221: {  	v29 =	vpop (erf);
	(erf) = vpow2.f32 v25  }
0x222: {  	v13 =	vadd.f32 v17, v16;
	v17 =	vpop (erf);
	(erf) = vpow2.f32 v0;
	v0 =	vld [tilespmem:$0x1FE00]  }
0x223: {  	v12, _, _ =	vpop (xrf2)  }
0x224: {  	v1 =	vld [tilespmem:$0x1FDD0];
	v8, _, _ =	vpop (xrf2)  }
0x225: {  	v8 =	vbroadcast v8, $0xF;
	_ =	sdelay $0x1  }
0x226: {  	v12 =	vbroadcast v12, $0xF;
	v21 =	vmul.f32 v0, v8;
	v0 =	vld [tilespmem:$0x1FE10];
	_ =	sdelay $0x1  }
0x227: {  	v22 =	vmul.f32 v1, v12;
	v1 =	vld [tilespmem:$0x1FDE0];
	_ =	sdelay $0x2  }
0x228: {  	v8 =	vadd.f32 $1.000000000e+00, v0;
	v0 =	vld [tilespmem:$0x1FE20];
	_ =	sdelay $0x1  }
0x229: {  	v12 =	vadd.f32 $1.000000000e+00, v1;
	v1 =	vld [tilespmem:$0x1FDF0];
	_ =	sdelay $0x2  }
0x22a: {  	(erf) = vrcp.f32 v12;
	v12 =	vadd.f32 $1.000000000e+00, v0;
	v0 =	vld [tilespmem:$0x1FE30];
	_ =	sdelay $0x1  }
0x22b: {  	v26 =	vadd.f32 $1.000000000e+00, v1  }
0x22c: {  	v4 =	vpop (erf)  }
0x22d: {  	v14 =	vpop (erf);
	(erf) = vrcp.f32 v26  }
0x22e: {  	v3 =	vpop (erf);
	(erf) = vrcp.f32 v8;
	v8 =	vadd.f32 $1.000000000e+00, v0  }
0x22f: {  	v26 =	vadd.f32 $1.000000000e+00, v36;
	v37 =	vpop (erf);
	(erf) = vrcp.f32 v12  }
0x230: {  	v2 =	vadd.f32 $1.000000000e+00, v32;
	v36 =	vpop (erf);
	v12 =	vadd.f32 $1.000000000e+00, v34;
	(erf) = vrcp.f32 v8  }
0x231: {  	v32 =	vpop (erf);
	v0 =	vadd.f32 v55, v54;
	v8 =	vadd.f32 v56, v19;
	(erf) = vrcp.f32 v26  }
0x232: {  	v34 =	vpop (erf);
	(erf) = vrcp.f32 v12  }
0x233: {  	v0 =	vadd.f32 v0, v8;
	v8 =	vadd.f32 $1.000000000e+00, v33;
	v33 =	vpop (erf);
	(erf) = vrcp.f32 v2;
	v2 =	vld [tilespmem:$0x1FE40];
	_ =	sdelay $0x1  }
0x234: {  	v1 =	vadd.f32 v29, v28;
	v26 =	vadd.f32 v27, v23;
	_ =	sdelay $0x1  }
0x235: {  	v12 =	vadd.f32 v1, v26;
	v1 =	vadd.f32 $1.000000000e+00, v31  }
0x236: {  	v31 =	vpop (erf);
	(erf) = vrcp.f32 v8;
	v2 =	vadd.f32 $1.000000000e+00, v2  }
0x237: {  	v26 =	vadd.f32 $1.000000000e+00, v30;
	v30 =	vpop (erf);
	(erf) = vrcp.f32 v1  }
0x238: {  	(erf) = vrcp.f32 v2;
	v2 =	vld [tilespmem:$0x1FE50]  }
0x239: {  	v8 =	vadd.f32 v3, v14;
	v1 =	vadd.f32 v4, v17;
	v50 =	vpop (erf)  }
0x23a: {  	v17 =	vmul.f32 v17, v50;
	v50 =	vpop (erf)  }
0x23b: {  	v8 =	vadd.f32 v8, v1;
	v1 =	vmul.f32 v4, v50;
	v4 =	vpop (erf)  }
0x23c: {  	v4 =	vmul.f32 v14, v4;
	v14 =	vld [tilespmem:$0x1FE70]  }
0x23d: {  	v2 =	vadd.f32 $1.000000000e+00, v2  }
0x23e: {  	(erf) = vrcp.f32 v26  }
0x23f: {  	(erf) = vrcp.f32 v2;
	v2 =	vld [tilespmem:$0x1FE60];
	_ =	sdelay $0x1  }
0x240: {  	v1 =	vadd.f32 v1, v17;
	v17 =	vadd.f32 $1.000000000e+00, v14;
	v14 =	vld [tilespmem:$0x1FE80];
	_ =	sdelay $0x2  }
0x241: {  	v26 =	vpop (erf);
	v2 =	vadd.f32 $1.000000000e+00, v2  }
0x242: {  	v3 =	vmul.f32 v3, v26;
	v26 =	vpop (erf)  }
0x243: {  	(erf) = vrcp.f32 v2;
	v2 =	vmul.f32 v15, v26;
	v15 =	vadd.f32 $1.000000000e+00, v14;
	v14 =	vld [tilespmem:$0x1FE90]  }
0x244: {  	v3 =	vadd.f32 v3, v4;
	v4 =	vld [tilespmem:$0x1FEA0];
	_ =	sdelay $0x1  }
0x245: {  	v26 =	vpop (erf)  }
0x246: {  	(erf) = vrcp.f32 v17;
	v17 =	vmul.f32 v45, v26  }
0x247: {  	v26 =	vadd.f32 $1.000000000e+00, v14  }
0x248: {  	v4 =	vadd.f32 $1.000000000e+00, v4;
	(erf) = vrcp.f32 v15  }
0x249: {  	v58 =	vadd.f32 v41, v60;
	v25 =	vadd.f32 v10, v11;
	v15 =	vpop (erf);
	(erf) = vrcp.f32 v26  }
0x24a: {  	v2 =	vadd.f32 v17, v2;
	v17 =	vpop (erf);
	(erf) = vrcp.f32 v4;
	v4 =	vld [tilespmem:$0x1FEB0]  }
0x24b: {  	v16 =	vadd.f32 v58, v25;
	v58 =	vadd.f32 v3, v1;
	v3 =	vld [tilespmem:$0x1FEC0]  }
0x24c: {  	v14 =	vld [tilespmem:$0x1FED0];
	_ =	sdelay $0x2  }
0x24d: {  	v26 =	vpop (erf);
	v4 =	vadd.f32 $1.000000000e+00, v4  }
0x24e: {  	v3 =	vadd.f32 $1.000000000e+00, v3;
	v17 =	vmul.f32 v39, v17;
	v1 =	vmul.f32 v52, v26;
	v26 =	vpop (erf)  }
0x24f: {  	(erf) = vrcp.f32 v4;
	v4 =	vmul.f32 v44, v26;
	v26 =	vadd.f32 $1.000000000e+00, v14  }
0x250: {  	v15 =	vmul.f32 v40, v15;
	(erf) = vrcp.f32 v3;
	v3 =	vadd.f32 $1.000000000e+00, v48  }
0x251: {  	(erf) = vrcp.f32 v26  }
0x252: {  	v15 =	vadd.f32 v17, v15;
	v17 =	vpop (erf);
	(erf) = vrcp.f32 v3;
	v3 =	vld [tilespmem:$0x1FEE0];
	_ =	sdelay $0x3  }
0x253: {  	v1 =	vadd.f32 v4, v1;
	v4 =	vpop (erf)  }
0x254: {  	v17 =	vmul.f32 v35, v17;
	v4 =	vmul.f32 v6, v4;
	v3 =	vadd.f32 $1.000000000e+00, v3;
	_ =	sdelay $0x1  }
0x255: {  	(erf) = vrcp.f32 v3;
	v3 =	vadd.f32 v4, v17;
	v4 =	vld [tilespmem:$0x1FF00];
	_ =	sdelay $0x2  }
0x256: {  	v6 =	vpop (erf)  }
0x257: {  	v48 =	vadd.f32 v15, v2;
	v2 =	vmul.f32 v7, v6;
	v6 =	vld [tilespmem:$0x1FEF0]  }
0x258: {  	v7 =	vadd.f32 $1.000000000e+00, v4;
	v4 =	vpop (erf)  }
0x259: {  	v9 =	vmul.f32 v9, v4;
	v4 =	vld [tilespmem:$0x1FF10];
	_ =	sdelay $0x2  }
0x25a: {  	v6 =	vadd.f32 $1.000000000e+00, v6;
	_ =	sdelay $0x1  }
0x25b: {  	(erf) = vrcp.f32 v6;
	v6 =	vadd.f32 $1.000000000e+00, v4;
	v4 =	vpop (erf)  }
0x25c: {  	v4 =	vmul.f32 v5, v4;
	v5 =	vld [tilespmem:$0x1FF20];
	_ =	sdelay $0x2  }
0x25d: {  	(xrf2) =	vadd.scan.msk.f32 $0xffff, v49;
	_ =	sdelay $0x1  }
0x25e: {  	(erf) = vrcp.f32 v7;
	v7 =	vadd.f32 $1.000000000e+00, v5;
	v5 =	vpop (erf)  }
0x25f: {  	v15 =	vadd.f32 v9, v2;
	v2 =	vpop (erf)  }
0x260: {  	v49 =	vadd.f32 v3, v1;
	v1 =	vpop (erf)  }
0x261: {  	v9 =	vmul.f32 v10, v1;
	v10 =	vld [tilespmem:$0x1FF60]  }
0x262: {  	v24 =	vld [tilespmem:$0x1FF80];
	_ =	sdelay $0x3  }
0x263: {  	v50 =	vbroadcast v10, $0xF;
	v10, _, _ =	vpop (xrf2)  }
0x264: {  	v10 =	vbroadcast v10, $0xF  }
0x265: {  	v3 =	vld [tilespmem:$0x1FF40]  }
0x266: {  	(erf) = vrcp.f32 v6;
	v6 =	vmul.f32 v11, v2;
	v2 =	vld [tilespmem:$0x1FF30];
	[tilespmem:$0x1FF70] =	vst v10  }
0x267: {  	(erf) = vrcp.f32 v7;
	v7 =	vld [tilespmem:$0x1FF50];
	[tilespmem:v24+s29+$0x0] =	vst.idx.msk $0x1, v51  }
0x268: {  	v14 =	vadd.f32 $1.000000000e+00, v63;
	v63 =	vld [tilespmem:$0x1FF90];
	_ =	sdelay $0x2  }
0x269: {  	s14 =	simm.s32 $0x10  }
0x26a: {  	s1 =	simm.s32 $0x11;
	v25 =	vadd.f32 $1.000000000e+00, v53;
	v1 =	vmov s14;
	s14 =	simm.s32 $0x12  }
0x26b: {  	v1 =	vshrl.u32 v1, $0x3;
	v11 =	vmov s14;
	s14 =	simm.s32 $0x15;
	v10 =	vmov s1  }
0x26c: {  	v1 =	vshll.u32 v1, v59;
	v53 =	vmov s14;
	v10 =	vshrl.u32 v10, $0x3  }
0x26d: {  	v44 =	vshrl.u32 v53, $0x3;
	v53 =	vbroadcast v1, $0x0;
	v1 =	vshll.u32 v10, v59  }
0x26e: {  	v1 =	vadd.s32 $0x1, v1;
	[tilespmem:v63+s29+$0x0] =	vst.idx.msk $0x1, v46  }
0x26f: {  	v35 =	vbroadcast v1, $0x0;
	v1 =	vld [tilespmem:$0x1FFA0];
	_ =	sdelay $0x7  }
0x270: {  	[tilespmem:v1+s29+$0x0] =	vst.idx.msk $0x1, v43  }
0x271: {  	v1 =	vld [tilespmem:$0x1FFB0];
	_ =	sdelay $0x4  }
0x272: {  	s15 =	simm.s32 $0x13  }
0x273: {  	v17 =	vmov s15;
	s15 =	simm.s32 $0x16  }
0x274: {  	v40 =	vadd.f32 $1.000000000e+00, v57;
	v57 =	vmov s15  }
0x275: {  	v45 =	vshrl.u32 v57, $0x3;
	[tilespmem:v1+s29+$0x0] =	vst.idx.msk $0x1, v47  }
0x276: {  	v52 =	vadd.f32 $1.000000000e+00, v62;
	v62 =	vshll.u32 v45, v59;
	v45 =	vadd.f32 v0, v33;
	v0 =	vld [tilespmem:$0x1FFC0];
	_ =	sdelay $0x1  }
0x277: {  	s1 =	simm.s32 $0x14  }
0x278: {  	v11 =	vshrl.u32 v11, $0x3;
	v26 =	vmov s1  }
0x279: {  	v17 =	vshrl.u32 v17, $0x3;
	v26 =	vshrl.u32 v26, $0x3;
	v10 =	vshll.u32 v11, v59  }
0x27a: {  	v11 =	vshll.u32 v17, v59;
	v17 =	vshll.u32 v26, v59;
	v26 =	vshll.u32 v44, v59  }
0x27b: {  	v17 =	vadd.s32 $0x4, v17;
	v26 =	vadd.s32 $0x5, v26  }
0x27c: {  	v1 =	vbroadcast v17, $0x0  }
0x27d: {  	[tilespmem:v0+s29+$0x0] =	vst.idx.msk $0x1, v18  }
0x27e: {  	v47 =	vadd.f32 v16, v34;
	v16 =	vbroadcast v26, $0x0;
	v26 =	vmov v1;
	v1 =	vld [tilespmem:$0x1FFD0];
	_ =	sdelay $0x6  }
0x27f: {  	v2 =	vadd.f32 $1.000000000e+00, v2  }
0x280: {  	[tilespmem:v1+s29+$0x0] =	vst.idx.msk $0x1, v22  }
0x281: {  	(erf) = vrcp.f32 v2;
	v2 =	vld [tilespmem:$0x1FFE0];
	_ =	sdelay $0x1  }
0x282: {  	v13 =	vadd.f32 v13, v36  }
0x283: {  	v39 =	vadd.f32 $1.000000000e+00, v42;
	v3 =	vadd.f32 $1.000000000e+00, v3;
	v5 =	vmul.f32 v38, v5  }
0x284: {  	v7 =	vadd.f32 $1.000000000e+00, v7;
	v24 =	vadd.s32 $0x6, v62;
	v51 =	vadd.f32 v61, v37  }
0x285: {  	v10 =	vadd.s32 $0x2, v10;
	v11 =	vadd.s32 $0x3, v11;
	v44 =	vadd.f32 v12, v31  }
0x286: {  	s15 =	simm.s32 $0x17;
	v38 =	vbroadcast v10, $0x0;
	v46 =	vadd.f32 v20, v32;
	v20 =	vbroadcast v11, $0x0;
	v0 =	vpop (erf)  }
0x287: {  	v43 =	vadd.f32 v8, v30;
	v1 =	vmul.f32 v60, v0;
	v0 =	vmov s15  }
0x288: {  	(erf) = vrcp.f32 v3;
	v22 =	vbroadcast v24, $0x0;
	v0 =	vshrl.u32 v0, $0x3;
	[tilespmem:v2+s29+$0x0] =	vst.idx.msk $0x1, v21;
	v2 =	vpop (erf)  }
0x289: {  	s1 =	simm.s32 $0x18;
	v0 =	vshll.u32 v0, v59;
	(erf) = vrcp.f32 v7;
	v2 =	vmul.f32 v41, v2;
	v41 =	vld.idx.msk [tilespmem:v53+s12+$0x0], $0xffff;
	v3 =	vpop (erf)  }
.LBB2_2:
0x28a: {  	v0 =	vadd.s32 $0x7, v0;
	v10 =	vpop (erf)  }
0x28b: {  	v42 =	vbroadcast v0, $0x0;
	v0 =	vadd.f32 v5, v4;
	v4 =	vpop (erf)  }
0x28c: {  	v9 =	vadd.f32 v9, v6;
	v6 =	vmul.f32 v56, v10;
	v10 =	vpop (erf)  }
0x28d: {  	(erf) = vrcp.f32 v14;
	v1 =	vadd.f32 v2, v1;
	v2 =	vmul.f32 v54, v4;
	v4 =	vpop (erf)  }
0x28e: {  	v8 =	vmul.f32 v19, v3;
	(erf) = vrcp.f32 v52;
	v14 =	vpop (erf)  }
0x28f: {  	v0 =	vadd.f32 v0, v15;
	v4 =	vmul.f32 v23, v4;
	v14 =	vmul.f32 v27, v14;
	v15 =	vpop (erf)  }
0x290: {  	(erf) = vrcp.f32 v40;
	v18 =	vmul.f32 v55, v10;
	v10 =	vpop (erf)  }
0x291: {  	v3 =	vld.idx.msk [tilespmem:v20+s12+$0x0], $0xffff;
	s31 =	sadd.s32 $0x300, s31;
	v19 =	vmul.f32 v28, v15;
	v14 =	vadd.f32 v14, v4;
	v4 =	vmul.f32 v29, v10  }
0x292: {  	v17 =	vld [tilespmem:s31+$0x170]  }
0x293: {  	(xrf2) =	vadd.scan.msk.f32 $0xffff, v51;
	s0 =	sadd.s32 $0x280, s0;
	(erf) = vrcp.f32 v39;
	v24 =	vadd.f32 v4, v19;
	v4 =	vld [tilespmem:$0x1FB80]  }
0x294: {  	(xrf2) =	vadd.scan.msk.f32 $0xffff, v13;
	v13 =	vld [tilespmem:s0+$0x130]  }
0x295: {  	v8 =	vadd.f32 v6, v8;
	v6 =	vld.idx.msk [tilespmem:v22+s12+$0x0], $0xffff;
	(erf) = vrcp.f32 v25  }
0x296: {  	v9 =	vadd.f32 v1, v9;
	v21 =	vadd.f32 v18, v2;
	v15 =	vld.idx.msk [tilespmem:v42+s12+$0x0], $0xffff;
	v10 =	vpop (erf)  }
0x297: {  	[tilespmem:$0x1F860] =	vst v20;
	v23 =	vld [tilespmem:s0+$0x110];
	v27 =	vmov v22;
	v18 =	vmov v26;
	v10 =	vmul.f32 v37, v10;
	v1 =	vpop (erf)  }
0x298: {  	v8 =	vadd.f32 v21, v8;
	v21 =	vld [tilespmem:s0+$0x100];
	[tilespmem:$0x1F8F0] =	vst v18;
	v1 =	vmul.f32 v36, v1;
	v2 =	vpop (erf);
	v20 =	vmov v4  }
0x299: {  	v18 =	vld [tilespmem:s0+$0xF0];
	v22 =	vpop (erf);
	v4 =	vadd.f32 v48, v10;
	v10 =	vmul.f32 v32, v2;
	[tilespmem:$0x1F720] =	vst v20;
	v20 =	vmov s1  }
0x29a: {  	v13 =	vsub.f32 v13, v17;
	v19 =	vpop (erf);
	v2 =	vadd.f32 v49, v1;
	v1 =	vshrl.u32 v20, $0x3;
	v20 =	vld [tilespmem:s0+$0x120]  }
0x29b: {  	v7 =	vld.idx.msk [tilespmem:v35+s12+$0x0], $0xffff;
	v15 =	vcvt.s32.f32 v15;
	[tilespmem:$0x1F6A0] =	vst v1;
	v1 =	vadd.f32 v0, v10;
	v10 =	vmul.f32 v33, v19  }
0x29c: {  	v11 =	vld.idx.msk [tilespmem:v38+s12+$0x0], $0xffff;
	v22 =	vmul.f32 v34, v22;
	v0 =	vpop (erf)  }
0x29d: {  	[tilespmem:$0x1F800] =	vst v35;
	v12 =	vld.idx.msk [tilespmem:v26+s12+$0x0], $0xffff;
	(erf) = vrcp.f32 v50;
	v35 =	vadd.f32 v8, v10;
	v8, _, _ =	vpop (xrf2);
	v10 =	vmul.f32 v15, v13  }
0x29e: {  	v5 =	vld.idx.msk [tilespmem:v16+s12+$0x0], $0xffff;
	v14 =	vadd.f32 v24, v14;
	v24 =	vmul.f32 v31, v0;
	v0 =	vpop (erf);
	v13 =	vbroadcast v8, $0xF  }
0x29f: {  	v8 =	vmovc v16;
	v16 =	vmax.f32 v18, v21;
	v10 =	vadd.f32 v10, v17;
	v17 =	vmax.f32 v23, v20  }
0x2a0: {  	v25 =	vld [tilespmem:s0+$0xFFFFFF00];
	v26 =	vmul.f32 v30, v0;
	v0 =	vadd.f32 v9, v22;
	v22, _, _ =	vpop (xrf2);
	v16 =	vmax.f32 v16, v17  }
0x2a1: {  	(xrf2) =	vadd.scan.msk.f32 $0xffff, v46;
	v17 =	vbroadcast v22, $0xF;
	v22 =	vld [tilespmem:$0x1FF70];
	v16 =	vmax.f32 v16, v10  }
0x2a2: {  	(xrf0) =	vmax.scan.msk.f32 $0xffff, v16;
	v16 =	vld [tilespmem:$0x1F950]  }
0x2a3: {  	v19 =	vld [tilespmem:s31+$0xFFFFFED0];
	_ =	sdelay $0x1  }
0x2a4: {  	v34 =	vcvt.s32.f32 v7;
	v7 =	vld [tilespmem:s0+$0xFFFFFF50]  }
0x2a5: {  	(xrf2) =	vadd.scan.msk.f32 $0xffff, v47;
	v9 =	vld [tilespmem:s31+$0xFFFFFF30];
	v51 =	vadd.f32 v14, v24;
	v14 =	vpop (erf)  }
0x2a6: {  	[tilespmem:$0x1FB80] =	vst v8;
	v8 =	vld [tilespmem:$0x1FBB0];
	v14 =	vmul.f32 v14, v22;
	v22 =	vmov v27  }
0x2a7: {  	v29 =	vcvt.s32.f32 v11;
	v11 =	vld [tilespmem:s31+$0x130];
	v30 =	vcvt.s32.f32 v41;
	[tilespmem:$0x1FBB0] =	vst v22;
	v22 =	vsub.f32 v25, v19  }
0x2a8: {  	v40 =	vcvt.s32.f32 v12;
	v24 =	vld [tilespmem:s31+$0x160]  }
0x2a9: {  	v32 =	vcvt.s32.f32 v5;
	[tilespmem:v16+s29+$0x0] =	vst.idx.msk $0x1, v14;
	v14 =	vmul.f32 v30, v22;
	v22 =	vld [tilespmem:$0x1FAE0]  }
0x2aa: {  	v31 =	vcvt.s32.f32 v3;
	(erf) = vrcp.f32 v13;
	v13, _, _ =	vpop (xrf2);
	v7 =	vsub.f32 v7, v9;
	v25 =	vld [tilespmem:s31+$0x120]  }
0x2ab: {  	[tilespmem:$0x1F820] =	vst v38;
	(erf) = vrcp.f32 v17;
	v13 =	vbroadcast v13, $0xF;
	v8 =	vmov v8;
	v16 =	vld [tilespmem:s31+$0x140]  }
0x2ac: {  	v12 =	vld [tilespmem:s31+$0x150];
	v41 =	vcvt.s32.f32 v6;
	v17 =	vmovc v53;
	v7 =	vmul.f32 v34, v7;
	[tilespmem:$0x1F740] =	vst v8;
	v49 =	vadd.f32 v14, v19  }
0x2ad: {  	v6 =	vsub.f32 $0.0e+00, v11;
	(xrf2) =	vadd.scan.msk.f32 $0xffff, v45;
	v8 =	vld [tilespmem:s31+$0xFFFFFF90];
	(erf) = vrcp.f32 v13;
	[tilespmem:$0x1FAE0] =	vst v17  }
0x2ae: {  	s14 =	sadd.s32 $0x1, s1;
	v47 =	vadd.f32 v58, v26;
	(xrf2) =	vadd.scan.msk.f32 $0xffff, v44;
	v50 =	vadd.f32 v7, v9;
	v7 =	vld [tilespmem:s0+$0xFFFFFFF0];
	[tilespmem:$0x1F580] =	vst v49;
	v26 =	vmovc v22  }
0x2af: {  	v3, _, _ =	vpop (xrf2);
	(xrf2) =	vadd.scan.msk.f32 $0xffff, v43;
	v17 =	vld [tilespmem:s31+$0xFFFFFFF0];
	v5 =	vsub.f32 $0.0e+00, v25;
	v22 =	vmov s14;
	[tilespmem:$0x1F950] =	vst v26  }
0x2b0: {  	v9 =	vmul.f32 v15, v24;
	v14 =	vld [tilespmem:s0+$0xFFFFFFA0];
	v11 =	vsub.f32 $0.0e+00, v16;
	[tilespmem:$0x1F6C0] =	vst v22  }
0x2b1: {  	v12 =	vsub.f32 $0.0e+00, v12;
	v25 =	vmul.f32 $1.442695020e+00, v5;
	v26 =	vmul.f32 $1.442695020e+00, v6;
	v19 =	vld [tilespmem:s31+$0x50];
	v13, _, _ =	vpop (xrf0)  }
0x2b2: {  	v9 =	vsub.f32 $0.0e+00, v9;
	v15 =	vld [tilespmem:s0+$0x40];
	v11 =	vmul.f32 $1.442695020e+00, v11;
	v13 =	vbroadcast v13, $0xF  }
0x2b3: {  	v24 =	vld [tilespmem:s31+$0xB0];
	(erf) = vpow2.f32 v25;
	v5 =	vpop (erf);
	v25 =	vmul.f32 $1.442695020e+00, v12  }
0x2b4: {  	v16 =	vld [tilespmem:s0+$0x90];
	[tilespmem:$0x1F680] =	vst v5;
	(erf) = vpow2.f32 v26;
	v6 =	vpop (erf);
	v26 =	vmul.f32 $1.442695020e+00, v9;
	v5 =	vsub.f32 v18, v13  }
0x2b5: {  	v56 =	vld [tilespmem:s0+$0xFFFFFEE0];
	[tilespmem:$0x1F6B0] =	vst v6;
	(erf) = vpow2.f32 v11;
	v6 =	vsub.f32 v21, v13;
	v27 =	vsub.f32 v23, v13  }
0x2b6: {  	v11 =	vld [tilespmem:s0+$0xE0];
	v9 =	vpop (erf);
	(erf) = vpow2.f32 v25;
	v20 =	vsub.f32 v20, v13;
	v21 =	vmul.f32 $1.442695020e+00, v5  }
0x2b7: {  	v22, _, _ =	vpop (xrf2);
	v18 =	vld [tilespmem:s31+$0x110];
	[tilespmem:$0x1F6D0] =	vst v9;
	v9 =	vsub.f32 v14, v8;
	(erf) = vpow2.f32 v26;
	v6 =	vmul.f32 $1.442695020e+00, v6  }
0x2b8: {  	s15 =	sadd.s32 $0x2, s1;
	v12, _, _ =	vpop (xrf2);
	v25 =	vld [tilespmem:s0+$0xFFFFFED0];
	v10 =	vsub.f32 v10, v13;
	v14 =	vmul.f32 $1.442695020e+00, v27;
	(erf) = vpow2.f32 v21  }
0x2b9: {  	v23, _, _ =	vpop (xrf2);
	(xrf2) =	vadd.scan.msk.f32 $0xffff, v4;
	v4 =	vmov s15;
	v5 =	vld [tilespmem:s0+$0xFFFFFEC0];
	v26 =	vmul.f32 $1.442695020e+00, v20;
	(erf) = vpow2.f32 v6  }
0x2ba: {  	v57 =	vld [tilespmem:s0+$0xFFFFFEF0];
	[tilespmem:$0x1F6F0] =	vst v4;
	v16 =	vsub.f32 v16, v24;
	v4 =	vmul.f32 v29, v9  }
0x2bb: {  	v61 =	vld [tilespmem:s0+$0xFFFFFFD0];
	v10 =	vmul.f32 $1.442695020e+00, v10;
	v21 =	vsub.f32 v7, v17;
	(erf) = vpow2.f32 v14  }
0x2bc: {  	v13 =	vld [tilespmem:s0+$0xFFFFFF40];
	v15 =	vsub.f32 v15, v19;
	v27 =	vmul.f32 v32, v16;
	v20 =	vpop (erf);
	(erf) = vpow2.f32 v26  }
0x2bd: {  	v7 =	vld [tilespmem:s0+$0xFFFFFF10];
	v58 =	vadd.f32 v4, v8;
	v14 =	vsub.f32 v11, v18;
	v9 =	vmul.f32 v31, v21;
	v26 =	vpop (erf)  }
0x2be: {  	[tilespmem:$0x1F480] =	vst v25;
	v6 =	vld [tilespmem:s0+$0xFFFFFF30];
	v21 =	vmax.f32 v5, v25;
	v25 =	vmul.f32 v40, v15;
	v16 =	vadd.f32 $1.000000000e+00, v20;
	v20 =	vpop (erf)  }
0x2bf: {  	v11 =	vld [tilespmem:s0+$0xFFFFFF20];
	v28 =	vmul.f32 v41, v14;
	v4 =	vadd.f32 $1.000000000e+00, v26;
	(erf) = vpow2.f32 v10;
	v8 =	vpop (erf)  }
0x2c0: {  	v15 =	vld [tilespmem:s0+$0xFFFFFF60];
	v36 =	vadd.f32 v9, v17;
	v10 =	vadd.f32 $1.000000000e+00, v20;
	(erf) = vrcp.f32 v16;
	v17 =	vpop (erf)  }
0x2c1: {  	v14 =	vld [tilespmem:s0+$0xFFFFFF70];
	v45 =	vadd.f32 v25, v19;
	v20 =	vpop (erf);
	(erf) = vrcp.f32 v4  }
0x2c2: {  	v9 =	vld [tilespmem:s0+$0xFFFFFF80];
	v19 =	vadd.f32 $1.000000000e+00, v8;
	v44 =	vadd.f32 v28, v18;
	v18 =	vpop (erf);
	(erf) = vrcp.f32 v10  }
0x2c3: {  	v3 =	vbroadcast v3, $0xF;
	v12 =	vbroadcast v12, $0xF;
	v16 =	vld [tilespmem:s0+$0xFFFFFF90];
	v4 =	vmax.f32 v56, v57  }
0x2c4: {  	(xrf2) =	vadd.scan.msk.f32 $0xffff, v2;
	v46 =	vadd.f32 v27, v24;
	v8 =	vld [tilespmem:s0+$0xFFFFFFB0];
	v24 =	vpop (erf);
	(erf) = vrcp.f32 v19;
	v19 =	vmax.f32 v21, v4  }
0x2c5: {  	v10 =	vmax.f32 v7, v11;
	v21 =	vmax.f32 v6, v13;
	v4 =	vld [tilespmem:s0+$0xFFFFFFC0];
	v25 =	vpop (erf);
	v59 =	vmax.f32 v19, v49  }
0x2c6: {  	v62 =	vld [tilespmem:s0+$0xFFFFFFE0];
	v26 =	vadd.f32 v18, v20;
	v10 =	vmax.f32 v10, v21;
	v27 =	vadd.f32 v25, v24;
	(xrf0) =	vmax.scan.msk.f32 $0xffff, v59  }
0x2c7: {  	v52 =	vld [tilespmem:s0+$0x0];
	v17 =	vadd.f32 $1.000000000e+00, v17;
	v28, _, _ =	vpop (xrf2);
	v2 =	vmax.f32 v15, v14;
	v21 =	vbroadcast v22, $0xF  }
0x2c8: {  	v55 =	vld [tilespmem:s0+$0x20];
	s15 =	sadd.s32 $0x3, s1;
	[tilespmem:$0x1F490] =	vst v56;
	v22 =	vmax.f32 v9, v16;
	v19 =	vpop (erf);
	v63 =	vadd.f32 v27, v26;
	v27 =	vmax.f32 v10, v50  }
0x2c9: {  	v56 =	vld [tilespmem:s0+$0x30];
	(erf) = vrcp.f32 v17;
	v2 =	vmax.f32 v2, v22;
	v10 =	vpop (erf);
	(xrf0) =	vmax.scan.msk.f32 $0xffff, v27;
	v27 =	vmov s15  }
0x2ca: {  	v54 =	vld [tilespmem:s0+$0x10];
	v2 =	vmax.f32 v2, v58;
	v17 =	vmax.f32 v8, v4;
	v22 =	vadd.f32 v63, v19;
	[tilespmem:$0x1F710] =	vst v27;
	v26 =	vpop (erf)  }
0x2cb: {  	v27 =	vbroadcast v23, $0xF;
	(xrf0) =	vmax.scan.msk.f32 $0xffff, v2;
	(erf) = vrcp.f32 v3;
	v3 =	vmax.f32 v61, v62;
	v23 =	vpop (erf)  }
0x2cc: {  	v33 =	vmov v50;
	v3 =	vmax.f32 v17, v3;
	v17 =	vmul.f32 v18, v26;
	v18, _, _ =	vpop (xrf0)  }
0x2cd: {  	[tilespmem:$0x1F4A0] =	vst v57;
	v57 =	vld [tilespmem:s0+$0x50];
	v10 =	vmul.f32 v20, v10;
	(xrf2) =	vadd.scan.msk.f32 $0xffff, v22;
	(erf) = vrcp.f32 v21;
	v2 =	vpop (erf)  }
0x2ce: {  	v59 =	vld [tilespmem:s0+$0x60];
	v22 =	vbroadcast v28, $0xF;
	v50 =	vbroadcast v18, $0xF;
	v18, _, _ =	vpop (xrf2);
	(xrf2) =	vadd.scan.msk.f32 $0xffff, v1;
	v1 =	vmax.f32 v55, v56  }
0x2cf: {  	v60 =	vld [tilespmem:s0+$0x70];
	[tilespmem:$0x1F4E0] =	vst v58;
	v20 =	vmax.f32 v52, v54;
	v21 =	vmul.f32 v24, v23;
	(erf) = vrcp.f32 v12;
	v12, _, _ =	vpop (xrf0)  }
0x2d0: {  	v63 =	vld [tilespmem:s0+$0x80];
	[tilespmem:$0x1F690] =	vst v22;
	v2 =	vmul.f32 v25, v2;
	v22 =	vmax.f32 v3, v36;
	v58 =	vbroadcast v12, $0xF  }
0x2d1: {  	[tilespmem:$0x1F8B0] =	vst v27;
	v10 =	vadd.f32 v17, v10;
	v5 =	vsub.f32 v5, v50;
	v12 =	vmax.f32 v20, v1;
	v1, _, _ =	vpop (xrf0)  }
0x2d2: {  	v37 =	vld [tilespmem:s0+$0xA0];
	(xrf0) =	vmax.scan.msk.f32 $0xffff, v22;
	v2 =	vadd.f32 v2, v21;
	v24 =	vbroadcast v1, $0xF;
	v11 =	vsub.f32 v11, v58  }
0x2d3: {  	v39 =	vld [tilespmem:s0+$0xB0];
	(xrf2) =	vadd.scan.msk.f32 $0xffff, v0;
	v3 =	vpop (erf);
	[tilespmem:$0x1F5C0] =	vst v5;
	v5 =	vmax.f32 v57, v59  }
0x2d4: {  	v38 =	vld [tilespmem:s0+$0xC0];
	v2 =	vadd.f32 v2, v10;
	v10 =	vmul.f32 v19, v3;
	v14 =	vsub.f32 v14, v24;
	[tilespmem:$0x1F4B0] =	vst v11;
	v0 =	vpop (erf)  }
0x2d5: {  	v27 =	vld [tilespmem:s0+$0xD0];
	v1 =	vmax.f32 v60, v63;
	v25 =	vsub.f32 v7, v58;
	v11 =	vmax.f32 v12, v45;
	[tilespmem:$0x1F6E0] =	vst v0  }
0x2d6: {  	v7 =	vld [tilespmem:s31+$0xFFFFFE80];
	v10 =	vadd.f32 v2, v10;
	(xrf0) =	vmax.scan.msk.f32 $0xffff, v11;
	v11 =	vsub.f32 v6, v58;
	v3 =	vpop (erf);
	[tilespmem:$0x1F500] =	vst v14  }
0x2d7: {  	v1 =	vmax.f32 v5, v1;
	v5 =	vld [tilespmem:s31+$0xFFFFFEA0];
	v6 =	vsub.f32 v13, v58;
	[tilespmem:$0x1F700] =	vst v3  }
0x2d8: {  	v1 =	vmax.f32 v1, v46;
	v0 =	vld [tilespmem:s31+$0xFFFFFE90];
	v13 =	vsub.f32 v9, v24;
	v9, _, _ =	vpop (xrf0);
	(xrf2) =	vadd.scan.msk.f32 $0xffff, v10;
	[tilespmem:$0x1F4C0] =	vst v11  }
0x2d9: {  	v15 =	vsub.f32 v15, v24;
	v14 =	vld [tilespmem:s31+$0xFFFFFF60];
	v2, _, _ =	vpop (xrf2);
	(xrf0) =	vmax.scan.msk.f32 $0xffff, v1;
	v22 =	vbroadcast v9, $0xF;
	[tilespmem:$0x1F4D0] =	vst v6  }
0x2da: {  	v10 =	vld [tilespmem:s31+$0xFFFFFEB0];
	v9 =	vmax.f32 v38, v27;
	v3 =	vpop (erf);
	v6 =	vmax.f32 v37, v39;
	[tilespmem:$0x1F520] =	vst v13;
	v12 =	vbroadcast v2, $0xF  }
0x2db: {  	v1 =	vld [tilespmem:s31+$0xFFFFFEE0];
	v11 =	vsub.f32 v16, v24;
	[tilespmem:$0x1F730] =	vst v3;
	v7 =	vsub.f32 $0.0e+00, v7;
	v2, _, _ =	vpop (xrf2);
	(xrf2) =	vadd.scan.msk.f32 $0xffff, v35  }
0x2dc: {  	v13 =	vld [tilespmem:s31+$0xFFFFFEF0];
	v5 =	vsub.f32 $0.0e+00, v5;
	[tilespmem:$0x1F630] =	vst v2;
	(erf) = vrcp.f32 v12;
	v12 =	vsub.f32 v8, v22  }
0x2dd: {  	v6 =	vmax.f32 v6, v9;
	v2 =	vld [tilespmem:s31+$0xFFFFFF00];
	v4 =	vsub.f32 v4, v22;
	[tilespmem:$0x1F530] =	vst v11;
	v11 =	vmul.f32 $1.442695020e+00, v7  }
0x2de: {  	v9 =	vld [tilespmem:s31+$0xFFFFFF10];
	v6 =	vmax.f32 v6, v44;
	v0 =	vsub.f32 $0.0e+00, v0;
	v14 =	vsub.f32 $0.0e+00, v14;
	[tilespmem:$0x1F540] =	vst v12  }
0x2df: {  	v8, _, _ =	vpop (xrf0);
	(xrf0) =	vmax.scan.msk.f32 $0xffff, v6;
	v6 =	vsub.f32 $0.0e+00, v10;
	v12 =	vmul.f32 $1.442695020e+00, v5;
	v5 =	vld [tilespmem:s31+$0xFFFFFF50];
	(erf) = vpow2.f32 v11  }
0x2e0: {  	v3, _, _ =	vpop (xrf2);
	(xrf2) =	vadd.scan.msk.f32 $0xffff, v51;
	v1 =	vsub.f32 $0.0e+00, v1;
	v21 =	vbroadcast v8, $0xF;
	v0 =	vmul.f32 $1.442695020e+00, v0  }
0x2e1: {  	[tilespmem:$0x1F620] =	vst v18;
	v8 =	vld [tilespmem:s31+$0xFFFFFF40];
	v7, _, _ =	vpop (xrf0);
	v10 =	vsub.f32 $0.0e+00, v13;
	v18 =	vmul.f32 $1.442695020e+00, v14;
	v6 =	vmul.f32 $1.442695020e+00, v6  }
0x2e2: {  	[tilespmem:$0x1F4F0] =	vst v15;
	v20 =	vbroadcast v7, $0xF;
	v2 =	vsub.f32 $0.0e+00, v2;
	v7 =	vld [tilespmem:s31+$0xFFFFFF70];
	(erf) = vpow2.f32 v0  }
0x2e3: {  	[tilespmem:$0x1F640] =	vst v3;
	v9 =	vsub.f32 $0.0e+00, v9;
	v3 =	vmul.f32 $1.442695020e+00, v10;
	v10 =	vld [tilespmem:s31+$0xFFFFFFA0];
	(erf) = vpow2.f32 v12  }
0x2e4: {  	v15 =	vld [tilespmem:s31+$0xFFFFFFB0];
	[tilespmem:$0x1F550] =	vst v4;
	v23 =	vmul.f32 $1.442695020e+00, v1;
	v1 =	vmul.f32 $1.442695020e+00, v2;
	v4, _, _ =	vpop (xrf2);
	v5 =	vsub.f32 $0.0e+00, v5  }
0x2e5: {  	v0 =	vld [tilespmem:s31+$0xFFFFFFD0];
	v9 =	vmul.f32 $1.442695020e+00, v9;
	(xrf2) =	vadd.scan.msk.f32 $0xffff, v47;
	v4 =	vbroadcast v4, $0xF;
	v19, _, _ =	vpop (xrf0)  }
0x2e6: {  	v47 =	vld [tilespmem:s31+$0xFFFFFFC0];
	v8 =	vsub.f32 $0.0e+00, v8;
	v35 =	vbroadcast v19, $0xF;
	v19 =	vpop (erf);
	v5 =	vmul.f32 $1.442695020e+00, v5  }
0x2e7: {  	v2, _, _ =	vpop (xrf2);
	v7 =	vsub.f32 $0.0e+00, v7;
	(erf) = vpow2.f32 v6;
	v4 =	vmul.f32 v19, v4;
	v19 =	vld [tilespmem:s31+$0x0]  }
0x2e8: {  	v14 =	vld [tilespmem:s31+$0x10];
	[tilespmem:$0x1F650] =	vst v2;
	v12 =	vmul.f32 $1.442695020e+00, v8;
	v10 =	vsub.f32 $0.0e+00, v10;
	(erf) = vpow2.f32 v23  }
0x2e9: {  	v6 =	vmul.f32 $1.442695020e+00, v7;
	v7 =	vld [tilespmem:s31+$0x20];
	v2 =	vpop (erf);
	(erf) = vpow2.f32 v3;
	[tilespmem:v42+s29+$0x0] =	vst.idx.msk $0x1, v4;
	v4 =	vsub.f32 $0.0e+00, v15  }
0x2ea: {  	v3 =	vsub.f32 $0.0e+00, v0;
	[tilespmem:$0x1F590] =	vst v2;
	v13 =	vmul.f32 $1.442695020e+00, v10;
	v2 =	vld [tilespmem:s31+$0x30];
	(erf) = vpow2.f32 v1;
	v1, _, _ =	vpop (xrf2)  }
0x2eb: {  	v10 =	vsub.f32 $0.0e+00, v47;
	v8 =	vmul.f32 $1.442695020e+00, v4;
	v4 =	vld [tilespmem:s31+$0x60];
	v53 =	vpop (erf);
	(erf) = vpow2.f32 v9  }
0x2ec: {  	[tilespmem:$0x1F660] =	vst v1;
	v1 =	vld [tilespmem:s31+$0x70];
	v11 =	vmul.f32 $1.442695020e+00, v3;
	v9 =	vsub.f32 $0.0e+00, v19;
	v51 =	vpop (erf);
	(erf) = vpow2.f32 v12  }
0x2ed: {  	v10 =	vmul.f32 $1.442695020e+00, v10;
	v12 =	vsub.f32 $0.0e+00, v14;
	(erf) = vpow2.f32 v5  }
0x2ee: {  	v14 =	vld [tilespmem:s31+$0x80];
	v7 =	vsub.f32 $0.0e+00, v7;
	v15 =	vmul.f32 $1.442695020e+00, v9;
	(erf) = vpow2.f32 v18  }
0x2ef: {  	v3 =	vld [tilespmem:s31+$0xC0];
	v0, _, _ =	vpop (xrf2);
	v12 =	vmul.f32 $1.442695020e+00, v12;
	v2 =	vsub.f32 $0.0e+00, v2;
	(erf) = vpow2.f32 v6  }
0x2f0: {  	[tilespmem:$0x1F670] =	vst v0;
	v16 =	vmul.f32 $1.442695020e+00, v7;
	v0 =	vpop (erf);
	v4 =	vsub.f32 $0.0e+00, v4;
	(erf) = vpow2.f32 v13  }
0x2f1: {  	v7 =	vsub.f32 $0.0e+00, v1;
	[tilespmem:$0x1F5A0] =	vst v0;
	v13 =	vmul.f32 $1.442695020e+00, v2;
	v2 =	vld [tilespmem:s31+$0xE0];
	v0 =	vpop (erf);
	(erf) = vpow2.f32 v8  }
0x2f2: {  	[tilespmem:$0x1F5B0] =	vst v0;
	v0 =	vpop (erf);
	v17 =	vmul.f32 $1.442695020e+00, v4;
	(erf) = vpow2.f32 v10  }
0x2f3: {  	[tilespmem:$0x1F510] =	vst v36;
	v4 =	vsub.f32 $0.0e+00, v14;
	v14 =	vmul.f32 $1.442695020e+00, v7;
	v1 =	vpop (erf);
	v7 =	vld [tilespmem:s31+$0xFFFFFF20];
	(erf) = vpow2.f32 v11  }
0x2f4: {  	v9 =	vld [tilespmem:s31+$0x90];
	[tilespmem:$0x1F5D0] =	vst v0;
	v11 =	vsub.f32 $0.0e+00, v3;
	v3 =	vpop (erf);
	(erf) = vpow2.f32 v15  }
0x2f5: {  	[tilespmem:$0x1F5E0] =	vst v1;
	v0 =	vpop (erf);
	(erf) = vpow2.f32 v12;
	v12 =	vld [tilespmem:s31+$0xFFFFFFE0]  }
0x2f6: {  	[tilespmem:$0x1F600] =	vst v0;
	v0 =	vsub.f32 $0.0e+00, v2;
	v1 =	vpop (erf);
	(erf) = vpow2.f32 v16;
	v16 =	vld [tilespmem:s31+$0x40]  }
0x2f7: {  	v36 =	vmov v45;
	[tilespmem:$0x1F5F0] =	vst v3;
	v3 =	vld [tilespmem:s31+$0xA0];
	v49 =	vpop (erf)  }
0x2f8: {  	v28 =	vsub.f32 v61, v22;
	v6 =	vld [tilespmem:s31+$0xD0];
	v61 =	vmul.f32 $1.442695020e+00, v0;
	v48 =	vpop (erf);
	v0 =	vmul.f32 v34, v7  }
0x2f9: {  	v18 =	vsub.f32 $0.0e+00, v9;
	v9 =	vmul.f32 $1.442695020e+00, v4;
	(erf) = vpow2.f32 v13;
	v45 =	vpop (erf)  }
0x2fa: {  	v47 =	vpop (erf);
	(erf) = vpow2.f32 v17;
	v17 =	vsub.f32 $0.0e+00, v0;
	v0 =	vmul.f32 v31, v12  }
0x2fb: {  	v26 =	vsub.f32 v62, v22;
	v62 =	vpop (erf);
	(erf) = vpow2.f32 v14;
	v14 =	vmul.f32 v40, v16  }
0x2fc: {  	[tilespmem:$0x1F560] =	vst v46;
	v46 =	vpop (erf);
	(erf) = vpow2.f32 v9;
	v9 =	vsub.f32 $0.0e+00, v0;
	v0 =	vmul.f32 v32, v3  }
0x2fd: {  	v6 =	vsub.f32 $0.0e+00, v6  }
0x2fe: {  	v8 =	vmul.f32 $1.442695020e+00, v18;
	v3 =	vsub.f32 $0.0e+00, v14;
	v14 =	vsub.f32 $0.0e+00, v0;
	v0 =	vld [tilespmem:$0x1F480]  }
0x2ff: {  	v4 =	vmul.f32 $1.442695020e+00, v11  }
0x300: {  	[tilespmem:$0x1F570] =	vst v44;
	v6 =	vmul.f32 $1.442695020e+00, v6;
	v44 =	vpop (erf);
	(erf) = vpow2.f32 v8  }
0x301: {  	v43 =	vpop (erf);
	(erf) = vpow2.f32 v4  }
0x302: {  	v5 =	vld [tilespmem:s31+$0xF0];
	v7 =	vsub.f32 v52, v21;
	v52 =	vpop (erf);
	(erf) = vpow2.f32 v6  }
0x303: {  	v42 =	vpop (erf);
	(erf) = vpow2.f32 v61;
	v61 =	vsub.f32 v38, v35;
	v38 =	vsub.f32 v0, v50;
	v0 =	vld [tilespmem:$0x1F490];
	_ =	sdelay $0x4  }
0x304: {  	[tilespmem:$0x1F610] =	vst v1;
	v1 =	vsub.f32 $0.0e+00, v5;
	v5 =	vsub.f32 v0, v50;
	v0 =	vld [tilespmem:$0x1F4A0];
	_ =	sdelay $0x4  }
0x305: {  	v4 =	vsub.f32 v0, v50;
	v0 =	vld [tilespmem:$0x1F4B0];
	_ =	sdelay $0x3  }
0x306: {  	v6 =	vsub.f32 v54, v21;
	v54 =	vsub.f32 v59, v20  }
0x307: {  	v59 =	vsub.f32 v39, v35;
	v39 =	vmul.f32 $1.442695020e+00, v14;
	v14 =	vmul.f32 $1.442695020e+00, v0;
	v0 =	vld [tilespmem:$0x1F4C0];
	_ =	sdelay $0x4  }
0x308: {  	v19 =	vmul.f32 $1.442695020e+00, v0;
	v0 =	vld [tilespmem:$0x1F4D0];
	_ =	sdelay $0x3  }
0x309: {  	v10 =	vld [tilespmem:s31+$0xFFFFFEC0]  }
0x30a: {  	v23 =	vmul.f32 $1.442695020e+00, v0;
	v0 =	vld [tilespmem:$0x1F4E0];
	_ =	sdelay $0x4  }
0x30b: {  	v10 =	vmul.f32 v30, v10;
	v24 =	vsub.f32 v0, v24;
	v0 =	vld [tilespmem:$0x1F4F0];
	_ =	sdelay $0x1  }
0x30c: {  	v15 =	vld [tilespmem:s31+$0xFFFFFF80];
	v10 =	vsub.f32 $0.0e+00, v10;
	_ =	sdelay $0x1  }
0x30d: {  	v2 =	vld [tilespmem:s31+$0x100];
	v11 =	vmul.f32 $1.442695020e+00, v10  }
0x30e: {  	v10 =	vmul.f32 $1.442695020e+00, v25;
	v25 =	vmul.f32 $1.442695020e+00, v0;
	v0 =	vld [tilespmem:$0x1F500];
	_ =	sdelay $0x1  }
0x30f: {  	v15 =	vmul.f32 v29, v15;
	_ =	sdelay $0x1  }
0x310: {  	v12 =	vsub.f32 $0.0e+00, v15;
	v15 =	vsub.f32 v55, v21;
	v8 =	vmul.f32 v41, v2;
	v2 =	vld [tilespmem:$0x1F570]  }
0x311: {  	v55 =	vsub.f32 v63, v20;
	v63 =	vsub.f32 v27, v35;
	v27 =	vmul.f32 $1.442695020e+00, v0;
	v0 =	vld [tilespmem:$0x1F510];
	_ =	sdelay $0x1  }
0x312: {  	v16 =	vsub.f32 v56, v21;
	v56 =	vmul.f32 $1.442695020e+00, v12;
	v12 =	vsub.f32 v60, v20  }
0x313: {  	v1 =	vmul.f32 $1.442695020e+00, v1  }
0x314: {  	v37 =	vsub.f32 v37, v35;
	v2 =	vsub.f32 v2, v35;
	v35 =	vmul.f32 $1.442695020e+00, v12;
	v12 =	vld [tilespmem:$0x1F5A0]  }
0x315: {  	(erf) = vpow2.f32 v1;
	v22 =	vsub.f32 v0, v22;
	v0 =	vld [tilespmem:$0x1F520];
	_ =	sdelay $0x1  }
0x316: {  	v18 =	vmul.f32 $1.442695020e+00, v17;
	v17 =	vsub.f32 v57, v20;
	v57 =	vpop (erf)  }
0x317: {  	v60 =	vpop (erf)  }
0x318: {  	v1 =	vld [tilespmem:$0x1F540];
	v41 =	vpop (erf)  }
0x319: {  	v40 =	vpop (erf);
	v12 =	vadd.f32 $1.000000000e+00, v12;
	v29 =	vmul.f32 $1.442695020e+00, v0;
	v0 =	vld [tilespmem:$0x1F530]  }
0x31a: {  	v34 =	vpop (erf)  }
0x31b: {  	v58 =	vsub.f32 v33, v58;
	v33 =	vpop (erf);
	[tilespmem:$0x1F780] =	vst v12;
	v12 =	vld [tilespmem:$0x1F5B0]  }
0x31c: {  	v32 =	vpop (erf)  }
0x31d: {  	v13 =	vmul.f32 $1.442695020e+00, v9;
	v30 =	vpop (erf);
	(erf) = vpow2.f32 v18;
	v18 =	vld [tilespmem:$0x1F600]  }
0x31e: {  	v31 =	vmul.f32 $1.442695020e+00, v0;
	v0 =	vsub.f32 v36, v21;
	v21 =	vmul.f32 $1.442695020e+00, v1;
	v1 =	vld [tilespmem:$0x1F550]  }
0x31f: {  	v8 =	vsub.f32 $0.0e+00, v8;
	v9 =	vmul.f32 $1.442695020e+00, v3;
	(erf) = vpow2.f32 v56  }
0x320: {  	(erf) = vpow2.f32 v13;
	v12 =	vadd.f32 $1.000000000e+00, v12  }
0x321: {  	v3 =	vld [tilespmem:$0x1F580];
	v8 =	vmul.f32 $1.442695020e+00, v8;
	(erf) = vpow2.f32 v9  }
0x322: {  	(erf) = vpow2.f32 v39;
	v18 =	vadd.f32 $1.000000000e+00, v18;
	[tilespmem:$0x1F790] =	vst v12;
	v12 =	vmul.f32 $1.442695020e+00, v61;
	v61 =	vld [tilespmem:$0x1F5D0]  }
0x323: {  	v13 =	vadd.f32 $1.000000000e+00, v49;
	(erf) = vpow2.f32 v8;
	v36 =	vmul.f32 $1.442695020e+00, v1;
	v1 =	vld [tilespmem:$0x1F560]  }
0x324: {  	(erf) = vpow2.f32 v11;
	v11 =	vadd.f32 $1.000000000e+00, v42;
	[tilespmem:$0x1F7D0] =	vst v18;
	v18 =	vld [tilespmem:$0x1F610]  }
0x325: {  	[tilespmem:$0x1F7F0] =	vst v13;
	(erf) = vpow2.f32 v10;
	v10 =	vadd.f32 $1.000000000e+00, v44  }
0x326: {  	[tilespmem:$0x1F880] =	vst v11;
	(erf) = vpow2.f32 v14;
	v14 =	vadd.f32 $1.000000000e+00, v60  }
0x327: {  	v3 =	vsub.f32 v3, v50;
	[tilespmem:$0x1F850] =	vst v10;
	v50 =	vadd.f32 $1.000000000e+00, v61  }
0x328: {  	[tilespmem:$0x1F8A0] =	vst v14;
	v14 =	vadd.f32 $1.000000000e+00, v34;
	v1 =	vsub.f32 v1, v20;
	v20 =	vmul.f32 $1.442695020e+00, v28;
	v28 =	vld [tilespmem:$0x1F590]  }
0x329: {  	v18 =	vadd.f32 $1.000000000e+00, v18;
	[tilespmem:$0x1F7A0] =	vst v50  }
0x32a: {  	[tilespmem:$0x1F8E0] =	vst v14;
	v14 =	vadd.f32 $1.000000000e+00, v30  }
0x32b: {  	[tilespmem:$0x1F7E0] =	vst v18;
	v18 =	vmul.f32 $1.442695020e+00, v22;
	v22 =	vmul.f32 $1.442695020e+00, v0;
	v0 =	vadd.f32 $1.000000000e+00, v45  }
0x32c: {  	[tilespmem:$0x1F920] =	vst v14;
	v45 =	vmul.f32 $1.442695020e+00, v2;
	v2 =	vadd.f32 $1.000000000e+00, v62  }
0x32d: {  	v50 =	vmul.f32 $1.442695020e+00, v5;
	v5 =	vld [tilespmem:$0x1F5E0];
	[tilespmem:$0x1F810] =	vst v0;
	v28 =	vadd.f32 $1.000000000e+00, v28  }
0x32e: {  	(erf) = vpow2.f32 v19;
	[tilespmem:$0x1F830] =	vst v2;
	v2 =	vadd.f32 $1.000000000e+00, v46  }
0x32f: {  	v0 =	vpop (erf);
	(erf) = vpow2.f32 v23;
	[tilespmem:$0x1F750] =	vst v28;
	v28 =	vmul.f32 $1.442695020e+00, v16;
	v16 =	vadd.f32 $1.000000000e+00, v53  }
0x330: {  	[tilespmem:$0x1F840] =	vst v2;
	v13 =	vmul.f32 $1.442695020e+00, v1;
	v53 =	vmul.f32 $1.442695020e+00, v17;
	v17 =	vadd.f32 $1.000000000e+00, v51  }
0x331: {  	v19 =	vadd.f32 $1.000000000e+00, v40;
	v1 =	vpop (erf);
	[tilespmem:$0x1F760] =	vst v16;
	v16 =	vmul.f32 $1.442695020e+00, v54;
	v54 =	vmul.f32 $1.442695020e+00, v63;
	v63 =	vld [tilespmem:$0x1F5F0]  }
0x332: {  	v5 =	vadd.f32 $1.000000000e+00, v5;
	(erf) = vpow2.f32 v25;
	v2 =	vpop (erf);
	[tilespmem:$0x1F770] =	vst v17;
	v17 =	vmul.f32 $1.442695020e+00, v59;
	v59 =	vld [tilespmem:$0x1F5C0]  }
0x333: {  	v26 =	vmul.f32 $1.442695020e+00, v26;
	[tilespmem:$0x1F8D0] =	vst v19;
	v19 =	vadd.f32 $1.000000000e+00, v32;
	(erf) = vpow2.f32 v27;
	v10 =	vpop (erf)  }
0x334: {  	[tilespmem:$0x1F7B0] =	vst v5;
	v5 =	vmul.f32 $1.442695020e+00, v58;
	v14 =	vadd.f32 $1.000000000e+00, v0;
	(erf) = vpow2.f32 v29;
	v11 =	vpop (erf)  }
0x335: {  	[tilespmem:$0x1F910] =	vst v19;
	v19 =	vadd.f32 $1.000000000e+00, v1;
	v51 =	vmul.f32 $1.442695020e+00, v55;
	(erf) = vpow2.f32 v31;
	v0 =	vpop (erf)  }
0x336: {  	v55 =	vmul.f32 $1.442695020e+00, v37;
	v1 =	vpop (erf);
	(erf) = vpow2.f32 v21;
	v58 =	vadd.f32 $1.000000000e+00, v63  }
0x337: {  	v37 =	vmul.f32 $1.442695020e+00, v59;
	v59 =	vpop (erf);
	(erf) = vpow2.f32 v36  }
0x338: {  	v7 =	vmul.f32 $1.442695020e+00, v7;
	v44 =	vadd.f32 $1.000000000e+00, v57;
	v57 =	vpop (erf);
	(erf) = vpow2.f32 v20  }
0x339: {  	v6 =	vmul.f32 $1.442695020e+00, v6;
	v60 =	vpop (erf);
	(erf) = vpow2.f32 v26  }
0x33a: {  	v15 =	vmul.f32 $1.442695020e+00, v15;
	v39 =	vadd.f32 $1.000000000e+00, v0;
	v0 =	vld [tilespmem:$0x1F620];
	[tilespmem:$0x1F7C0] =	vst v58;
	v58 =	vpop (erf);
	(erf) = vpow2.f32 v7  }
0x33b: {  	v61 =	vpop (erf);
	(erf) = vpow2.f32 v6  }
0x33c: {  	v49 =	vpop (erf);
	(erf) = vpow2.f32 v15;
	v15 =	vld [tilespmem:$0x1F660];
	_ =	sdelay $0x2  }
0x33d: {  	v25 =	vadd.f32 $1.000000000e+00, v1;
	v1 =	vbroadcast v0, $0xF;
	v0 =	vadd.f32 v57, v59  }
0x33e: {  	v9 =	vadd.f32 $1.000000000e+00, v48;
	v48 =	vmul.f32 $1.442695020e+00, v3;
	v3 =	vadd.f32 $1.000000000e+00, v52  }
0x33f: {  	[tilespmem:$0x1F940] =	vst v19;
	v52 =	vadd.f32 $1.000000000e+00, v10;
	v10 =	vadd.f32 v58, v60;
	v19 =	vbroadcast v15, $0xF;
	v15 =	vld [tilespmem:$0x1F670];
	_ =	sdelay $0x1  }
0x340: {  	v21 =	vadd.f32 v10, v0;
	v0 =	vpop (erf)  }
0x341: {  	(erf) = vpow2.f32 v28;
	v62 =	vpop (erf)  }
0x342: {  	v10 =	vadd.f32 v49, v61;
	(erf) = vpow2.f32 v53;
	v26 =	vadd.f32 v62, v0  }
0x343: {  	v53 =	vpop (erf);
	(erf) = vpow2.f32 v16;
	v16 =	vld [tilespmem:$0x1F690];
	v15 =	vbroadcast v15, $0xF  }
0x344: {  	v26 =	vadd.f32 v26, v10;
	v10 =	vld [tilespmem:$0x1FB10]  }
0x345: {  	[tilespmem:$0x1FF70] =	vst v15;
	v15 =	vld [tilespmem:$0x1F680];
	_ =	sdelay $0x4  }
0x346: {  	v16 =	vmul.f32 v15, v16;
	_ =	sdelay $0x1  }
0x347: {  	[tilespmem:v10+s29+$0x0] =	vst.idx.msk $0x1, v16;
	v10 =	vld [tilespmem:$0x1F6C0];
	_ =	sdelay $0x4  }
0x348: {  	v16 =	vshrl.u32 v10, $0x3;
	v10 =	vld [tilespmem:$0x1FB30]  }
0x349: {  	v28 =	vld [tilespmem:$0x1F6B0];
	_ =	sdelay $0x2  }
0x34a: {  	v42 =	vld [tilespmem:$0x1FFF0]  }
0x34b: {  	v15 =	vld [tilespmem:$0x1F6A0]  }
0x34c: {  	[tilespmem:$0x1F930] =	vst v14;
	v14 =	vadd.f32 $1.000000000e+00, v2;
	v2 =	vld [tilespmem:$0x1F630];
	v28 =	vmul.f32 v28, v1;
	_ =	sdelay $0x1  }
0x34d: {  	[tilespmem:v10+s29+$0x0] =	vst.idx.msk $0x1, v28;
	v10 =	vld [tilespmem:$0x1F6D0];
	_ =	sdelay $0x1  }
0x34e: {  	v27 =	vshll.u32 v15, v42;
	v15 =	vpop (erf);
	(erf) = vpow2.f32 v35  }
0x34f: {  	v2 =	vbroadcast v2, $0xF;
	v7 =	vld [tilespmem:$0x1F640];
	v1 =	vpop (erf);
	(erf) = vpow2.f32 v51  }
0x350: {  	v63 =	vpop (erf);
	(erf) = vpow2.f32 v55  }
0x351: {  	v2 =	vmul.f32 v10, v2;
	v10 =	vpop (erf);
	(erf) = vpow2.f32 v17;
	v17 =	vld [tilespmem:$0x1F6E0];
	_ =	sdelay $0x2  }
0x352: {  	v7 =	vbroadcast v7, $0xF;
	_ =	sdelay $0x1  }
0x353: {  	v7 =	vmul.f32 v17, v7;
	v17 =	vld [tilespmem:$0x1F6F0];
	_ =	sdelay $0x4  }
0x354: {  	v30 =	vshrl.u32 v17, $0x3;
	v17 =	vpop (erf);
	(erf) = vpow2.f32 v12;
	v12 =	vld [tilespmem:$0x1FB50];
	_ =	sdelay $0x5  }
0x355: {  	v6 =	vld [tilespmem:$0x1F650];
	_ =	sdelay $0x1  }
0x356: {  	[tilespmem:v12+s29+$0x0] =	vst.idx.msk $0x1, v2;
	v2 =	vld [tilespmem:$0x1F700];
	_ =	sdelay $0x2  }
0x357: {  	v6 =	vbroadcast v6, $0xF  }
0x358: {  	v29 =	vadd.f32 v15, v53;
	v28 =	vadd.f32 v63, v1  }
0x359: {  	v6 =	vmul.f32 v2, v6;
	v2 =	vld [tilespmem:$0x1FB60]  }
0x35a: {  	v31 =	vadd.f32 v28, v29;
	v29 =	vld [tilespmem:$0x1F720];
	_ =	sdelay $0x1  }
0x35b: {  	s15 =	sadd.s32 $0x4, s1  }
0x35c: {  	v23 =	vadd.f32 $1.000000000e+00, v33;
	v40 =	vadd.f32 $1.000000000e+00, v11;
	v11 =	vmov s15;
	s15 =	sadd.s32 $0x5, s1  }
0x35d: {  	v20 =	vmov s15;
	s15 =	sadd.s32 $0x6, s1  }
0x35e: {  	[tilespmem:$0x1F900] =	vst v23;
	v23 =	vmov s15  }
0x35f: {  	v8 =	vadd.f32 $1.000000000e+00, v47;
	v47 =	vshrl.u32 v23, $0x3;
	v23 =	vld [tilespmem:$0x1F740]  }
0x360: {  	[tilespmem:v2+s29+$0x0] =	vst.idx.msk $0x1, v7;
	v2 =	vld [tilespmem:$0x1F710]  }
0x361: {  	[tilespmem:v29+s29+$0x0] =	vst.idx.msk $0x1, v6;
	v6 =	vld [tilespmem:$0x1F730];
	_ =	sdelay $0x2  }
0x362: {  	v12 =	vpop (erf);
	(erf) = vpow2.f32 v54  }
0x363: {  	v38 =	vmul.f32 $1.442695020e+00, v38;
	v28 =	vadd.f32 v17, v10;
	v7 =	vshrl.u32 v2, $0x3;
	v2 =	vpop (erf)  }
0x364: {  	(erf) = vpow2.f32 v37;
	v6 =	vmul.f32 v6, v19;
	v29 =	vadd.f32 v2, v12;
	v19 =	vpop (erf)  }
0x365: {  	v4 =	vmul.f32 $1.442695020e+00, v4;
	(erf) = vpow2.f32 v38;
	v56 =	vpop (erf)  }
0x366: {  	[tilespmem:v23+s29+$0x0] =	vst.idx.msk $0x1, v6;
	(erf) = vpow2.f32 v50;
	v6 =	vadd.f32 v29, v28;
	v28 =	vadd.f32 v56, v19;
	v54 =	vpop (erf)  }
0x367: {  	v24 =	vmul.f32 $1.442695020e+00, v24;
	(erf) = vpow2.f32 v4;
	v55 =	vpop (erf)  }
0x368: {  	v4 =	vshll.u32 v16, v42;
	(erf) = vpow2.f32 v5;
	v16 =	vadd.f32 v55, v54;
	v23 =	vpop (erf)  }
0x369: {  	v50 =	vbroadcast v27, $0x0;
	(erf) = vpow2.f32 v24;
	v27 =	vpop (erf)  }
0x36a: {  	(erf) = vpow2.f32 v18;
	v16 =	vadd.f32 v16, v28;
	v28 =	vpop (erf)  }
0x36b: {  	(erf) = vpow2.f32 v22;
	v29 =	vpop (erf)  }
0x36c: {  	v18 =	vadd.f32 v27, v23;
	(erf) = vpow2.f32 v13;
	v13 =	vadd.f32 v29, v28;
	_ =	sdelay $0x1  }
0x36d: {  	v18 =	vadd.f32 v13, v18;
	v13 =	vld [tilespmem:$0x1F750];
	_ =	sdelay $0x2  }
0x36e: {  	v24 =	vpop (erf);
	(erf) = vpow2.f32 v45  }
0x36f: {  	v35 =	vpop (erf);
	(erf) = vpow2.f32 v48  }
0x370: {  	v38 =	vpop (erf);
	(erf) = vrcp.f32 v13;
	v13 =	vld [tilespmem:$0x1F760]  }
0x371: {  	v51 =	vld [tilespmem:$0x1F770];
	_ =	sdelay $0x2  }
0x372: {  	v46 =	vadd.f32 $1.000000000e+00, v41;
	v41 =	vpop (erf)  }
0x373: {  	v37 =	vpop (erf);
	(erf) = vrcp.f32 v13  }
0x374: {  	(erf) = vrcp.f32 v51;
	v51 =	vadd.f32 v21, v37;
	v21 =	vld [tilespmem:$0x1F780];
	_ =	sdelay $0x2  }
0x375: {  	v5 =	vshll.u32 v30, v42;
	v30 =	vadd.f32 v35, v24;
	v13 =	vadd.f32 v41, v38  }
0x376: {  	v36 =	vpop (erf)  }
0x377: {  	(erf) = vrcp.f32 v21;
	v21 =	vadd.f32 v13, v30;
	v13 =	vadd.f32 v26, v36;
	v26 =	vld [tilespmem:$0x1F790];
	_ =	sdelay $0x3  }
0x378: {  	v32 =	vpop (erf)  }
0x379: {  	v34 =	vpop (erf);
	(erf) = vrcp.f32 v26;
	v26 =	vld [tilespmem:$0x1F7A0]  }
0x37a: {  	v22 =	vshll.u32 v47, v42;
	v47 =	vadd.f32 v6, v34;
	v6 =	vld [tilespmem:$0x1F7B0];
	_ =	sdelay $0x3  }
0x37b: {  	(erf) = vrcp.f32 v26  }
0x37c: {  	(erf) = vrcp.f32 v6;
	v6 =	vld [tilespmem:$0x1F7C0]  }
0x37d: {  	v20 =	vshrl.u32 v20, $0x3  }
0x37e: {  	v20 =	vshll.u32 v20, v42  }
0x37f: {  	v11 =	vshrl.u32 v11, $0x3;
	v20 =	vadd.s32 $0x5, v20;
	v33 =	vpop (erf)  }
0x380: {  	v11 =	vshll.u32 v11, v42;
	v45 =	vadd.f32 v16, v33;
	v16 =	vbroadcast v20, $0x0;
	v20 =	vld [tilespmem:$0x1F800]  }
0x381: {  	v11 =	vadd.s32 $0x4, v11;
	(erf) = vrcp.f32 v6;
	v6 =	vld [tilespmem:$0x1F7D0]  }
0x382: {  	[tilespmem:$0x1F8C0] =	vst v46;
	v46 =	vadd.f32 v31, v32;
	v31 =	vpop (erf);
	v26 =	vbroadcast v11, $0x0;
	v11 =	vld [tilespmem:$0x1F7E0]  }
0x383: {  	[tilespmem:$0x1F890] =	vst v44;
	v44 =	vadd.f32 v18, v31;
	v18 =	vld [tilespmem:$0x1F7F0];
	_ =	sdelay $0x1  }
0x384: {  	v43 =	vadd.f32 $1.000000000e+00, v43;
	v30 =	vpop (erf)  }
0x385: {  	v4 =	vadd.s32 $0x1, v4;
	(erf) = vrcp.f32 v6;
	v6 =	vpop (erf)  }
0x386: {  	[tilespmem:$0x1F870] =	vst v43;
	v4 =	vbroadcast v4, $0x0;
	v20 =	vmov v20;
	(erf) = vrcp.f32 v11;
	v11 =	vpop (erf)  }
0x387: {  	[tilespmem:$0x1FB10] =	vst v20;
	v20 =	vld [tilespmem:$0x1F820];
	(erf) = vrcp.f32 v18;
	v18 =	vpop (erf)  }
0x388: {  	v43 =	vadd.f32 v21, v30;
	v21 =	vmul.f32 v35, v11;
	v35 =	vmovc v4;
	v4 =	vmul.f32 v38, v18;
	v18 =	vld [tilespmem:$0x1F810];
	_ =	sdelay $0x3  }
0x389: {  	(erf) = vrcp.f32 v9  }
0x38a: {  	v9 =	vpop (erf);
	(erf) = vrcp.f32 v18;
	v18 =	vmov v20  }
0x38b: {  	v5 =	vadd.s32 $0x2, v5;
	[tilespmem:$0x1FB30] =	vst v18;
	v18 =	vld [tilespmem:$0x1F830]  }
0x38c: {  	v5 =	vbroadcast v5, $0x0;
	v11 =	vpop (erf);
	v20 =	vmul.f32 v41, v9  }
0x38d: {  	(erf) = vrcp.f32 v8;
	v8 =	vmul.f32 v59, v11;
	v11 =	vpop (erf)  }
0x38e: {  	v38 =	vmov v5;
	v5 =	vmul.f32 v57, v11;
	v11 =	vld [tilespmem:$0x1F840]  }
0x38f: {  	v4 =	vadd.f32 v20, v4;
	v20 =	vld [tilespmem:$0x1F860]  }
0x390: {  	(erf) = vrcp.f32 v18;
	v18 =	vld [tilespmem:$0x1F850];
	_ =	sdelay $0x3  }
0x391: {  	v9 =	vpop (erf);
	(erf) = vrcp.f32 v11  }
0x392: {  	v11 =	vpop (erf);
	(erf) = vrcp.f32 v18;
	v18 =	vmov v20  }
0x393: {  	v6 =	vmul.f32 v24, v6;
	[tilespmem:$0x1FB50] =	vst v18;
	v18 =	vld [tilespmem:$0x1F870];
	_ =	sdelay $0x1  }
0x394: {  	v6 =	vadd.f32 v21, v6;
	_ =	sdelay $0x1  }
0x395: {  	v9 =	vmul.f32 v60, v9;
	v21 =	vmul.f32 v58, v11  }
0x396: {  	v11 =	vpop (erf);
	(erf) = vrcp.f32 v18  }
0x397: {  	v58 =	vadd.f32 v4, v6;
	v6 =	vpop (erf);
	(erf) = vrcp.f32 v3;
	v3 =	vadd.f32 v21, v9;
	v9 =	vld [tilespmem:$0x1F880];
	_ =	sdelay $0x3  }
0x398: {  	v7 =	vshll.u32 v7, v42  }
0x399: {  	v7 =	vadd.s32 $0x3, v7;
	v5 =	vadd.f32 v5, v8;
	v8 =	vpop (erf);
	(erf) = vrcp.f32 v9;
	v9 =	vld [tilespmem:$0x1F890]  }
0x39a: {  	v7 =	vbroadcast v7, $0x0;
	_ =	sdelay $0x2  }
0x39b: {  	v0 =	vmul.f32 v0, v8;
	v8 =	vpop (erf)  }
0x39c: {  	v20 =	vmov v7;
	v7 =	vpop (erf);
	(erf) = vrcp.f32 v9;
	v9 =	vmul.f32 v62, v8;
	v8 =	vld [tilespmem:$0x1F8A0]  }
0x39d: {  	v48 =	vadd.f32 v3, v5;
	v3 =	vmul.f32 v53, v7;
	v7 =	vld [tilespmem:$0x1F8C0];
	_ =	sdelay $0x3  }
0x39e: {  	(erf) = vrcp.f32 v8  }
0x39f: {  	v5 =	vpop (erf);
	(erf) = vrcp.f32 v7;
	v7 =	vld [tilespmem:$0x1F8D0]  }
0x3a0: {  	v4 =	vmul.f32 v61, v11;
	_ =	sdelay $0x1  }
0x3a1: {  	v6 =	vmul.f32 v49, v6  }
0x3a2: {  	v5 =	vmul.f32 v15, v5  }
0x3a3: {  	v6 =	vadd.f32 v6, v4;
	v4 =	vpop (erf);
	(erf) = vrcp.f32 v7;
	v7 =	vld [tilespmem:$0x1F8E0]  }
0x3a4: {  	v15 =	vadd.f32 v5, v3;
	v3 =	vld [tilespmem:$0x1F900];
	_ =	sdelay $0x1  }
0x3a5: {  	v4 =	vmul.f32 v1, v4;
	v1 =	vpop (erf);
	v9 =	vadd.f32 v9, v0  }
0x3a6: {  	v5 =	vmul.f32 v63, v1;
	v1 =	vpop (erf)  }
0x3a7: {  	v49 =	vadd.f32 v9, v6;
	v6 =	vmul.f32 v10, v1;
	v1 =	vld [tilespmem:$0x1F910];
	(erf) = vrcp.f32 v7  }
0x3a8: {  	(erf) = vrcp.f32 v3;
	v3 =	vld [tilespmem:$0x1F920];
	_ =	sdelay $0x2  }
0x3a9: {  	s15 =	sadd.s32 $0x7, s1;
	v0 =	vpop (erf)  }
0x3aa: {  	v9 =	vmul.f32 v17, v0;
	v0 =	vpop (erf);
	(erf) = vrcp.f32 v1;
	v1 =	vmov s15  }
0x3ab: {  	(erf) = vrcp.f32 v3;
	v3 =	vshrl.u32 v1, $0x3;
	v1 =	vmul.f32 v12, v0;
	v0 =	vld [tilespmem:$0x1F930]  }
0x3ac: {  	v8 =	vld [tilespmem:$0x1F8F0];
	_ =	sdelay $0x3  }
0x3ad: {  	p0 =	slt.u32 s1, $0x1F8;
	v53 =	vmov v50;
	(erf) = vrcp.f32 v0;
	v0 =	vshll.u32 v3, v42;
	v3 =	vld [tilespmem:$0x1F940]  }
.Ltmp0:
0x3ae: {  	v7 =	vmov v8;
	(pc) =	sbr.rel @p0 .LBB2_2-.Ltmp0, $4  }
0x3af: {  	_ = 	snop  }
0x3b0: {  	v22 =	vadd.s32 $0x6, v22  }
0x3b1: {  	v22 =	vbroadcast v22, $0x0;
	v50 =	vld [tilespmem:$0x1F8B0];
	[tilespmem:$0x1FB60] =	vst v7;
	v7 =	vpop (erf)  }
0x3b2: {  	s1 =	sadd.s32 $0x8, s1;
	v41 =	vld.idx.msk [tilespmem:v53+s12+$0x0], $0xffff;
	v2 =	vmul.f32 v2, v7;
	(erf) = vrcp.f32 v3;
	v3 =	vpop (erf)  }
0x3b3: {  	v0 =	vadd.s32 $0x7, v0  }
0x3b4: {  	v7 =	vbroadcast v0, $0x0;
	_ =	sdelay $0x1  }
0x3b5: {  	s1 =	sadd.s32 $0x300, s31;
	[tilespmem:$0x1F410] =	vst v7  }
0x3b6: {  	s0 =	sadd.s32 $0x280, s0;
	v18 =	vld [tilespmem:s1+$0x170]  }
0x3b7: {  	v8 =	vld [tilespmem:s0+$0x130]  }
0x3b8: {  	v10 =	vld [tilespmem:s0+$0xF0]  }
0x3b9: {  	v7 =	vld.idx.msk [tilespmem:v7+s12+$0x0], $0xffff  }
0x3ba: {  	v11 =	vld [tilespmem:s0+$0x100]  }
0x3bb: {  	(xrf2) =	vadd.scan.msk.f32 $0xffff, v51;
	v12 =	vld [tilespmem:s0+$0x110]  }
0x3bc: {  	(xrf2) =	vadd.scan.msk.f32 $0xffff, v13;
	v13 =	vld [tilespmem:s0+$0x120];
	_ =	sdelay $0x1  }
0x3bd: {  	(xrf2) =	vadd.scan.msk.f32 $0xffff, v46;
	v8 =	vsub.f32 v8, v18;
	v7 =	vcvt.s32.f32 v7;
	_ =	sdelay $0x1  }
0x3be: {  	[tilespmem:$0x1F460] =	vst v22;
	v8 =	vmul.f32 v7, v8  }
0x3bf: {  	[tilespmem:$0x1F450] =	vst v26;
	v42 =	vmax.f32 v10, v11;
	v17 =	vmax.f32 v12, v13  }
0x3c0: {  	v46 =	vmov v22;
	v22 =	vpop (erf);
	v0 =	vadd.f32 v8, v18;
	v8 =	vmax.f32 v42, v17;
	v17 =	vld [tilespmem:s1+$0x160]  }
0x3c1: {  	(erf) = vrcp.f32 v14;
	v14 =	vpop (erf);
	v18 =	vld [tilespmem:s1+$0x120];
	[tilespmem:$0x1F860] =	vst v20  }
0x3c2: {  	v62 =	vmov v20;
	(erf) = vrcp.f32 v52;
	v24 =	vpop (erf);
	v20 =	vld [tilespmem:s1+$0x130]  }
0x3c3: {  	v51 =	vmov v26;
	(erf) = vrcp.f32 v40;
	v26 =	vpop (erf);
	v57 =	vld [tilespmem:s1+$0x140];
	[tilespmem:$0x1F800] =	vst v35  }
0x3c4: {  	(erf) = vrcp.f32 v39;
	v52, _, _ =	vpop (xrf2);
	[tilespmem:$0x1F820] =	vst v38;
	v8 =	vmax.f32 v8, v0  }
0x3c5: {  	v61 =	vmov v38;
	(erf) = vrcp.f32 v25;
	v21, _, _ =	vpop (xrf2);
	v38 =	vld [tilespmem:s1+$0x150];
	(xrf0) =	vmax.scan.msk.f32 $0xffff, v8  }
0x3c6: {  	(erf) = vrcp.f32 v50;
	v59, _, _ =	vpop (xrf2);
	v8 =	vbroadcast v52, $0xF  }
0x3c7: {  	v40 =	vpop (erf);
	v21 =	vbroadcast v21, $0xF;
	v60 =	vbroadcast v59, $0xF;
	v18 =	vsub.f32 $0.0e+00, v18  }
0x3c8: {  	v63 =	vmov v35;
	v39 =	vpop (erf);
	(erf) = vrcp.f32 v8;
	v7 =	vmul.f32 v7, v17  }
0x3c9: {  	v42 =	vpop (erf);
	(erf) = vrcp.f32 v21;
	v35 =	vsub.f32 $0.0e+00, v20;
	v50 =	vmul.f32 $1.442695020e+00, v18  }
0x3ca: {  	v20 =	vpop (erf);
	v57 =	vsub.f32 $0.0e+00, v57;
	(erf) = vrcp.f32 v60;
	v60 =	vsub.f32 $0.0e+00, v38  }
0x3cb: {  	v8 =	vmul.f32 $1.442695020e+00, v35;
	v59, _, _ =	vpop (xrf0)  }
0x3cc: {  	v52 =	vpop (erf);
	v7 =	vsub.f32 $0.0e+00, v7;
	v60 =	vmul.f32 $1.442695020e+00, v60;
	v21 =	vbroadcast v59, $0xF  }
0x3cd: {  	v35 =	vmul.f32 $1.442695020e+00, v57;
	(erf) = vpow2.f32 v50;
	v50 =	vpop (erf)  }
0x3ce: {  	v7 =	vmul.f32 $1.442695020e+00, v7;
	(erf) = vpow2.f32 v8;
	v57 =	vpop (erf);
	v11 =	vsub.f32 v11, v21  }
0x3cf: {  	v38 =	vsub.f32 v10, v21;
	(erf) = vpow2.f32 v35;
	v18 =	vsub.f32 v12, v21;
	v59 =	vpop (erf)  }
0x3d0: {  	(erf) = vpow2.f32 v60;
	v60 =	vpop (erf);
	v25 =	vmul.f32 $1.442695020e+00, v11  }
0x3d1: {  	v35 =	vsub.f32 v13, v21;
	v8 =	vmul.f32 $1.442695020e+00, v38;
	v13 =	vpop (erf)  }
0x3d2: {  	(erf) = vpow2.f32 v7;
	v12 =	vpop (erf)  }
0x3d3: {  	v38 =	vmul.f32 $1.442695020e+00, v18;
	(erf) = vpow2.f32 v8;
	[tilespmem:$0x1F220] =	vst v12;
	v18 =	vpop (erf)  }
0x3d4: {  	(erf) = vpow2.f32 v25;
	[tilespmem:$0x1F3C0] =	vst v18;
	v25 =	vpop (erf)  }
0x3d5: {  	v17 =	vmul.f32 $1.442695020e+00, v35;
	[tilespmem:$0x1F3E0] =	vst v25;
	v35 =	vpop (erf)  }
0x3d6: {  	[tilespmem:$0x1F400] =	vst v35  }
0x3d7: {  	v0 =	vsub.f32 v0, v21;
	v11 =	vpop (erf);
	v10 =	vld.idx.msk [tilespmem:v63+s12+$0x0], $0xffff  }
0x3d8: {  	v18 =	vld.idx.msk [tilespmem:v61+s12+$0x0], $0xffff;
	v61 =	vpop (erf)  }
0x3d9: {  	v8 =	vld.idx.msk [tilespmem:v62+s12+$0x0], $0xffff;
	v62 =	vpop (erf)  }
0x3da: {  	(erf) = vpow2.f32 v38;
	v38 =	vmul.f32 $1.442695020e+00, v0;
	v7 =	vld.idx.msk [tilespmem:v51+s12+$0x0], $0xffff;
	v63 =	vpop (erf)  }
0x3db: {  	(erf) = vpow2.f32 v17;
	v35 =	vld.idx.msk [tilespmem:v16+s12+$0x0], $0xffff;
	[tilespmem:$0x1F470] =	vst v53;
	v0 =	vpop (erf)  }
0x3dc: {  	(erf) = vpow2.f32 v38;
	v53 =	vld.idx.msk [tilespmem:v46+s12+$0x0], $0xffff;
	v21 =	vpop (erf)  }
0x3dd: {  	v12 =	vld [tilespmem:s1+$0xFFFFFED0];
	v51 =	vpop (erf)  }
0x3de: {  	(xrf2) =	vadd.scan.msk.f32 $0xffff, v47  }
0x3df: {  	v25 =	vmul.f32 v37, v20;
	v17 =	vld [tilespmem:s0+$0xFFFFFF00];
	(xrf2) =	vadd.scan.msk.f32 $0xffff, v45  }
0x3e0: {  	v20 =	vld [tilespmem:s1+$0xFFFFFF30];
	(xrf2) =	vadd.scan.msk.f32 $0xffff, v44  }
0x3e1: {  	v36 =	vmul.f32 v36, v52;
	v25 =	vadd.f32 v48, v25;
	v38 =	vld [tilespmem:s0+$0xFFFFFF50];
	(xrf2) =	vadd.scan.msk.f32 $0xffff, v43  }
0x3e2: {  	v3 =	vmul.f32 v19, v3;
	v5 =	vadd.f32 v5, v4;
	v1 =	vadd.f32 v2, v1;
	v52 =	vld [tilespmem:s1+$0xFFFFFF90]  }
0x3e3: {  	v56 =	vmul.f32 v56, v22;
	v36 =	vadd.f32 v49, v36;
	v46 =	vpop (erf);
	v4 =	vld [tilespmem:s0+$0xFFFFFFF0];
	v45 =	vadd.f32 v51, v21;
	(xrf2) =	vadd.scan.msk.f32 $0xffff, v25  }
0x3e4: {  	v49 =	vadd.f32 v9, v6;
	v11 =	vadd.f32 $1.000000000e+00, v11;
	v9 =	vld [tilespmem:s1+$0x50];
	v37 =	vpop (erf)  }
0x3e5: {  	v3 =	vadd.f32 v56, v3;
	v19 =	vmul.f32 v27, v40;
	v22 =	vld [tilespmem:s0+$0x40];
	v47 =	vadd.f32 v37, v46  }
0x3e6: {  	v34 =	vmul.f32 v34, v57;
	(erf) = vrcp.f32 v11;
	v11 =	vadd.f32 v5, v15;
	v6 =	vld [tilespmem:s1+$0xB0]  }
0x3e7: {  	v15 =	vmul.f32 v23, v26;
	v23 =	vmul.f32 v28, v39;
	v28 =	vld [tilespmem:s1+$0x110];
	v48 =	vadd.f32 v47, v45;
	v45 =	vpop (erf);
	(xrf2) =	vadd.scan.msk.f32 $0xffff, v36  }
0x3e8: {  	v56 =	vmul.f32 v33, v59;
	v57 =	vadd.f32 $1.000000000e+00, v63;
	v5 =	vadd.f32 v1, v49;
	v40 =	vld [tilespmem:s0+$0xFFFFFEC0];
	v49, _, _ =	vpop (xrf2)  }
0x3e9: {  	v44 =	vmul.f32 v55, v24;
	v47 =	vld [tilespmem:s0+$0xFFFFFFA0];
	v36 =	vmul.f32 v54, v14;
	v48 =	vadd.f32 v48, v45;
	v55, _, _ =	vpop (xrf2)  }
0x3ea: {  	v63 =	vmul.f32 v31, v60;
	v31 =	vadd.f32 v19, v15;
	v25 =	vld [tilespmem:s1+$0xFFFFFFF0];
	v54 =	vadd.f32 $1.000000000e+00, v62;
	v59, _, _ =	vpop (xrf2)  }
0x3eb: {  	v14 =	vld [tilespmem:s0+$0x90];
	[tilespmem:$0x1F1E0] =	vst v56;
	v1 =	vadd.f32 v44, v36;
	(xrf2) =	vadd.scan.msk.f32 $0xffff, v48;
	v48 =	vadd.f32 $1.000000000e+00, v61;
	v62, _, _ =	vpop (xrf2)  }
0x3ec: {  	v24 =	vmul.f32 v29, v42;
	v44 =	vld [tilespmem:s1+$0xFFFFFE80];
	[tilespmem:$0x1F390] =	vst v62  }
0x3ed: {  	v1 =	vadd.f32 v1, v3;
	(erf) = vrcp.f32 v48;
	v33, _, _ =	vpop (xrf2);
	v39 =	vld [tilespmem:s1+$0xFFFFFE90];
	[tilespmem:$0x1F200] =	vst v31  }
0x3ee: {  	(erf) = vrcp.f32 v54;
	v54 =	vadd.f32 v24, v23;
	[tilespmem:$0x1F3A0] =	vst v33  }
0x3ef: {  	v48 =	vbroadcast v55, $0xF;
	v55 =	vmul.f32 v30, v13;
	v36 =	vld [tilespmem:s1+$0xFFFFFEA0];
	[tilespmem:$0x1F1F0] =	vst v1  }
0x3f0: {  	v29 =	vmul.f32 v32, v50;
	v50 =	vld [tilespmem:s1+$0xFFFFFEB0];
	[tilespmem:$0x1F210] =	vst v54  }
0x3f1: {  	v56, _, _ =	vpop (xrf2);
	[tilespmem:$0x1F230] =	vst v55  }
0x3f2: {  	[tilespmem:$0x1F3B0] =	vst v56  }
0x3f3: {  	v0 =	vadd.f32 $1.000000000e+00, v0;
	(erf) = vrcp.f32 v57;
	v57 =	vld [tilespmem:s1+$0xFFFFFEE0]  }
0x3f4: {  	v32 =	vbroadcast v49, $0xF  }
0x3f5: {  	(erf) = vrcp.f32 v0  }
0x3f6: {  	v60 =	vsub.f32 $0.0e+00, v44;
	v59 =	vbroadcast v59, $0xF;
	(erf) = vrcp.f32 v32;
	v61, _, _ =	vpop (xrf2);
	v62 =	vld [tilespmem:s1+$0xFFFFFEF0]  }
0x3f7: {  	(erf) = vrcp.f32 v48;
	v32 =	vld [tilespmem:s1+$0xFFFFFF00];
	v30 =	vbroadcast v61, $0xF;
	v31 =	vsub.f32 $0.0e+00, v39  }
0x3f8: {  	v33 =	vmul.f32 $1.442695020e+00, v60;
	(erf) = vrcp.f32 v59;
	v43 =	vld [tilespmem:s1+$0xFFFFFF40];
	v13 =	vsub.f32 $0.0e+00, v57  }
0x3f9: {  	v49 =	vpop (erf);
	v39 =	vld [tilespmem:s1+$0xFFFFFF10];
	v36 =	vsub.f32 $0.0e+00, v36;
	(erf) = vrcp.f32 v30;
	v42 =	vmul.f32 $1.442695020e+00, v31  }
0x3fa: {  	v44 =	vmul.f32 v21, v49;
	v3 =	vsub.f32 $0.0e+00, v50;
	(erf) = vpow2.f32 v33  }
0x3fb: {  	v49 =	vld [tilespmem:s1+$0xFFFFFF50];
	v48 =	vmul.f32 $1.442695020e+00, v36;
	v54 =	vsub.f32 $0.0e+00, v62;
	(erf) = vpow2.f32 v42  }
0x3fc: {  	v23 =	vsub.f32 $0.0e+00, v32;
	v57 =	vld [tilespmem:s1+$0xFFFFFF70];
	v50 =	vmul.f32 $1.442695020e+00, v3;
	v56 =	vmul.f32 $1.442695020e+00, v13;
	v13 =	vpop (erf)  }
0x3fd: {  	v55 =	vld [tilespmem:s1+$0xFFFFFF60];
	v21 =	vsub.f32 $0.0e+00, v43;
	(erf) = vpow2.f32 v48;
	v59 =	vmul.f32 $1.442695020e+00, v54;
	v33 =	vpop (erf)  }
0x3fe: {  	v60 =	vld [tilespmem:s1+$0xFFFFFFA0];
	v19 =	vsub.f32 $0.0e+00, v39;
	v61 =	vmul.f32 $1.442695020e+00, v23;
	(erf) = vpow2.f32 v50;
	v43 =	vpop (erf)  }
0x3ff: {  	v62 =	vld [tilespmem:s1+$0xFFFFFFB0];
	v31 =	vmul.f32 $1.442695020e+00, v21;
	(erf) = vpow2.f32 v56;
	v48 =	vpop (erf)  }
0x400: {  	v15 =	vsub.f32 $0.0e+00, v49;
	v36 =	vld [tilespmem:s1+$0xFFFFFFD0];
	v19 =	vmul.f32 $1.442695020e+00, v19;
	(erf) = vpow2.f32 v59;
	v49 =	vpop (erf)  }
0x401: {  	v54 =	vld [tilespmem:s1+$0xFFFFFFC0];
	v39 =	vsub.f32 $0.0e+00, v57;
	(erf) = vpow2.f32 v61;
	[tilespmem:$0x1F420] =	vst v49;
	v57 =	vpop (erf)  }
0x402: {  	(erf) = vpow2.f32 v19;
	v50 =	vld [tilespmem:s1+$0x0];
	[tilespmem:$0x1F430] =	vst v57;
	v61 =	vpop (erf)  }
0x403: {  	v32 =	vsub.f32 $0.0e+00, v55;
	(erf) = vpow2.f32 v31;
	v30 =	vld [tilespmem:s1+$0x10];
	[tilespmem:$0x1F440] =	vst v61;
	v31 =	vpop (erf)  }
0x404: {  	v15 =	vmul.f32 $1.442695020e+00, v15;
	v23 =	vld [tilespmem:s1+$0x20];
	[tilespmem:$0x1F240] =	vst v31  }
0x405: {  	v18 =	vcvt.s32.f32 v18;
	v55 =	vmul.f32 $1.442695020e+00, v32;
	v56 =	vsub.f32 $0.0e+00, v60;
	v42 =	vld [tilespmem:s1+$0x30]  }
0x406: {  	v60 =	vsub.f32 $0.0e+00, v62;
	v59 =	vmul.f32 $1.442695020e+00, v39;
	(erf) = vpow2.f32 v15;
	v39 =	vpop (erf)  }
0x407: {  	v62 =	vmul.f32 $1.442695020e+00, v56;
	v26 =	vsub.f32 $0.0e+00, v54;
	(erf) = vpow2.f32 v55;
	v56 =	vld [tilespmem:s0+$0xFFFFFED0];
	[tilespmem:$0x1F250] =	vst v39;
	v54 =	vpop (erf)  }
0x408: {  	v32 =	vmul.f32 $1.442695020e+00, v60;
	(erf) = vpow2.f32 v59;
	v57 =	vld [tilespmem:s0+$0xFFFFFEE0];
	[tilespmem:$0x1F260] =	vst v54;
	v61 =	vpop (erf)  }
0x409: {  	v36 =	vsub.f32 $0.0e+00, v36;
	(erf) = vpow2.f32 v62;
	v59 =	vld [tilespmem:s0+$0xFFFFFEF0];
	[tilespmem:$0x1F270] =	vst v61;
	v31 =	vpop (erf);
	v60 =	vsub.f32 $0.0e+00, v30  }
0x40a: {  	v49 =	vmul.f32 $1.442695020e+00, v26;
	(erf) = vpow2.f32 v32;
	v24 =	vld [tilespmem:s1+$0x60];
	[tilespmem:$0x1F280] =	vst v31;
	v32 =	vsub.f32 $0.0e+00, v42;
	v42 =	vpop (erf)  }
0x40b: {  	v8 =	vcvt.s32.f32 v8;
	v2 =	vcvt.s32.f32 v7;
	v50 =	vsub.f32 $0.0e+00, v50;
	[tilespmem:$0x1F290] =	vst v42  }
0x40c: {  	v4 =	vsub.f32 v4, v25;
	v55 =	vmul.f32 $1.442695020e+00, v36;
	(erf) = vpow2.f32 v49;
	v54 =	vpop (erf);
	v49 =	vld [tilespmem:s1+$0xFFFFFEC0]  }
0x40d: {  	v11 =	vadd.f32 v11, v29;
	v62 =	vmul.f32 $1.442695020e+00, v50;
	v19 =	vmul.f32 $1.442695020e+00, v60;
	v21 =	vld [tilespmem:s1+$0x70];
	[tilespmem:$0x1F2A0] =	vst v54;
	v60 =	vpop (erf)  }
0x40e: {  	v4 =	vmul.f32 v8, v4;
	(erf) = vpow2.f32 v55;
	v30 =	vsub.f32 $0.0e+00, v23;
	[tilespmem:$0x1F2B0] =	vst v60;
	v15 =	vpop (erf)  }
0x40f: {  	v17 =	vsub.f32 v17, v12;
	v39 =	vcvt.s32.f32 v10;
	(erf) = vpow2.f32 v62;
	v61 =	vld [tilespmem:s1+$0xFFFFFF20];
	[tilespmem:$0x1F2C0] =	vst v15  }
0x410: {  	v22 =	vsub.f32 v22, v9;
	v50 =	vmul.f32 $1.442695020e+00, v30;
	v62 =	vcvt.s32.f32 v41;
	v23 =	vld [tilespmem:s1+$0xFFFFFF80]  }
0x411: {  	v41 =	vsub.f32 v38, v20;
	(erf) = vpow2.f32 v19;
	v55 =	vmul.f32 $1.442695020e+00, v32;
	v1 =	vld [tilespmem:s0+$0xFFFFFF10]  }
0x412: {  	v47 =	vsub.f32 v47, v52;
	(erf) = vpow2.f32 v50;
	v17 =	vmul.f32 v62, v17;
	v10 =	vld [tilespmem:s0+$0xFFFFFF20]  }
0x413: {  	v24 =	vsub.f32 $0.0e+00, v24;
	v42 =	vmul.f32 v39, v41;
	(erf) = vpow2.f32 v55;
	v55 =	vld [tilespmem:s1+$0xFFFFFFE0]  }
0x414: {  	v54 =	vadd.f32 v17, v12;
	v0 =	vmul.f32 v62, v49;
	v49 =	vld [tilespmem:s1+$0x80];
	v12 =	vmul.f32 v39, v61;
	v61 =	vpop (erf)  }
0x415: {  	v60 =	vmul.f32 v18, v47;
	v21 =	vsub.f32 $0.0e+00, v21;
	v29 =	vmul.f32 v18, v23;
	v18 =	vld [tilespmem:s0+$0xFFFFFF30];
	[tilespmem:$0x1F2D0] =	vst v61  }
0x416: {  	v14 =	vsub.f32 v14, v6;
	v13 =	vmul.f32 v51, v13;
	v50 =	vmul.f32 $1.442695020e+00, v24;
	v62 =	vld [tilespmem:s1+$0x40]  }
0x417: {  	v31 =	vadd.f32 v60, v52;
	v60 =	vcvt.s32.f32 v35;
	v15 =	vmul.f32 $1.442695020e+00, v21;
	v21 =	vld [tilespmem:s0+$0xFFFFFF40]  }
0x418: {  	v26 =	vadd.f32 v4, v25;
	v4 =	vmul.f32 v2, v22;
	v36 =	vadd.f32 v5, v34;
	v38 =	vld [tilespmem:s1+$0x90]  }
0x419: {  	v41 =	vadd.f32 v42, v20;
	v14 =	vmul.f32 v60, v14;
	(erf) = vpow2.f32 v50;
	v42 =	vpop (erf);
	v39 =	vld [tilespmem:s1+$0xC0]  }
0x41a: {  	v50 =	vmax.f32 v57, v59;
	v0 =	vsub.f32 $0.0e+00, v0;
	v19 =	vmul.f32 v8, v55;
	v22 =	vld [tilespmem:s0+$0xE0];
	v55 =	vpop (erf)  }
0x41b: {  	(erf) = vpow2.f32 v15;
	v52 =	vld [tilespmem:s1+$0xD0];
	v15 =	vadd.f32 v14, v6;
	v23 =	vsub.f32 $0.0e+00, v49;
	[tilespmem:$0x1F2E0] =	vst v55  }
0x41c: {  	v12 =	vsub.f32 $0.0e+00, v12;
	v0 =	vmul.f32 $1.442695020e+00, v0;
	v49 =	vmax.f32 v40, v56;
	v61 =	vld [tilespmem:s1+$0xA0]  }
0x41d: {  	v25 =	vmax.f32 v49, v50;
	v49 =	vmax.f32 v1, v10;
	v47 =	vmul.f32 $1.442695020e+00, v23  }
0x41e: {  	v12 =	vmul.f32 $1.442695020e+00, v12;
	v25 =	vmax.f32 v25, v54;
	v20 =	vmul.f32 v2, v62;
	v62 =	vld [tilespmem:s1+$0xE0]  }
0x41f: {  	v23 =	vld [tilespmem:s0+$0xFFFFFF70];
	(erf) = vpow2.f32 v47;
	v34 =	vsub.f32 $0.0e+00, v38;
	v50 =	vmax.f32 v18, v21  }
0x420: {  	v55 =	vpop (erf);
	(xrf0) =	vmax.scan.msk.f32 $0xffff, v25;
	v8 =	vsub.f32 $0.0e+00, v39;
	v47 =	vld [tilespmem:s1+$0xF0];
	v30 =	vsub.f32 $0.0e+00, v52;
	v25 =	vmax.f32 v49, v50  }
0x421: {  	v38 =	vld [tilespmem:s0+$0xFFFFFF60];
	[tilespmem:$0x1F2F0] =	vst v55;
	v39 =	vadd.f32 v4, v9;
	v25 =	vmax.f32 v25, v41;
	v4 =	vmul.f32 v60, v61;
	v60 =	vpop (erf)  }
0x422: {  	v9 =	vcvt.s32.f32 v53;
	v22 =	vsub.f32 v22, v28;
	(xrf0) =	vmax.scan.msk.f32 $0xffff, v25;
	v25 =	vld [tilespmem:s1+$0x100];
	[tilespmem:$0x1F300] =	vst v60  }
0x423: {  	v34 =	vmul.f32 $1.442695020e+00, v34;
	v52 =	vmul.f32 $1.442695020e+00, v8;
	v7 =	vld [tilespmem:s0+$0xFFFFFF90];
	v61 =	vsub.f32 $0.0e+00, v62  }
0x424: {  	v19 =	vsub.f32 $0.0e+00, v19;
	v14 =	vmul.f32 v9, v22;
	v50 =	vpop (erf);
	v62 =	vmul.f32 $1.442695020e+00, v30;
	v30 =	vld [tilespmem:s0+$0xFFFFFF80]  }
0x425: {  	v60 =	vsub.f32 $0.0e+00, v29;
	(erf) = vpow2.f32 v34;
	v55 =	vpop (erf);
	v49 =	vsub.f32 $0.0e+00, v47  }
0x426: {  	v20 =	vsub.f32 $0.0e+00, v20;
	(erf) = vpow2.f32 v52;
	[tilespmem:$0x1F310] =	vst v50;
	v32, _, _ =	vpop (xrf0);
	v52 =	vmul.f32 $1.442695020e+00, v61  }
0x427: {  	v4 =	vsub.f32 $0.0e+00, v4;
	v6 =	vmul.f32 $1.442695020e+00, v60;
	v50 =	vmul.f32 $1.442695020e+00, v19;
	v27 =	vld [tilespmem:s0+$0xFFFFFFB0];
	[tilespmem:$0x1F320] =	vst v55;
	v61 =	vpop (erf)  }
0x428: {  	v17 =	vmax.f32 v38, v23;
	(erf) = vpow2.f32 v62;
	v53 =	vmul.f32 $1.442695020e+00, v49;
	v29 =	vld [tilespmem:s0+$0xFFFFFFC0];
	v62, _, _ =	vpop (xrf0);
	[tilespmem:$0x1F330] =	vst v61  }
0x429: {  	v25 =	vmul.f32 v9, v25;
	(erf) = vpow2.f32 v52;
	v24 =	vmax.f32 v30, v7;
	v49 =	vpop (erf);
	v22 =	vld [tilespmem:s0+$0xFFFFFFD0]  }
0x42a: {  	v4 =	vmul.f32 $1.442695020e+00, v4;
	(erf) = vpow2.f32 v53;
	v9 =	vld [tilespmem:s0+$0xFFFFFFE0];
	[tilespmem:$0x1F340] =	vst v49;
	v35 =	vmax.f32 v17, v24;
	v52 =	vpop (erf)  }
0x42b: {  	v19 =	vbroadcast v62, $0xF;
	v60 =	vsub.f32 $0.0e+00, v25;
	[tilespmem:$0x1F350] =	vst v52;
	v53 =	vmax.f32 v35, v31;
	v55 =	vpop (erf)  }
0x42c: {  	v61 =	vmul.f32 $1.442695020e+00, v20;
	(erf) = vpow2.f32 v12;
	[tilespmem:$0x1F360] =	vst v55;
	(xrf0) =	vmax.scan.msk.f32 $0xffff, v53;
	v8 =	vpop (erf)  }
0x42d: {  	(erf) = vpow2.f32 v6;
	v62 =	vmax.f32 v27, v29;
	v6 =	vmul.f32 $1.442695020e+00, v60;
	v20 =	vld [tilespmem:s0+$0x0];
	[tilespmem:$0x1F370] =	vst v8;
	v17 =	vpop (erf)  }
0x42e: {  	v24 =	vsub.f32 v1, v19;
	v10 =	vsub.f32 v10, v19;
	(erf) = vpow2.f32 v50;
	v35 =	vld [tilespmem:s0+$0x10];
	[tilespmem:$0x1F380] =	vst v17  }
0x42f: {  	v47 =	vsub.f32 v18, v19;
	(erf) = vpow2.f32 v61;
	v5 =	vmax.f32 v22, v9;
	v8 =	vld [tilespmem:s0+$0x20]  }
0x430: {  	v10 =	vmul.f32 $1.442695020e+00, v10;
	(erf) = vpow2.f32 v4;
	v25 =	vmax.f32 v62, v5;
	v62 =	vpop (erf);
	v5 =	vld [tilespmem:s0+$0x30]  }
0x431: {  	v49 =	vsub.f32 v21, v19;
	v4 =	vmul.f32 $1.442695020e+00, v24;
	(erf) = vpow2.f32 v6;
	v61 =	vpop (erf)  }
0x432: {  	v6 =	vmul.f32 $1.442695020e+00, v47;
	v25 =	vmax.f32 v25, v26;
	(erf) = vpow2.f32 v0;
	v34, _, _ =	vpop (xrf0)  }
0x433: {  	v12 =	vadd.f32 v14, v28;
	(xrf0) =	vmax.scan.msk.f32 $0xffff, v25;
	v60 =	vpop (erf);
	(erf) = vpow2.f32 v4;
	v0 =	vbroadcast v34, $0xF  }
0x434: {  	v18 =	vld [tilespmem:s0+$0x50];
	v4 =	vmul.f32 $1.442695020e+00, v49;
	v55 =	vpop (erf);
	(erf) = vpow2.f32 v10;
	v2 =	vmax.f32 v20, v35  }
0x435: {  	(xrf2) =	vadd.scan.msk.f32 $0xffff, v11;
	v21 =	vld [tilespmem:s0+$0x60];
	v53 =	vpop (erf);
	(erf) = vpow2.f32 v6;
	v50 =	vsub.f32 v38, v0;
	v3 =	vmax.f32 v8, v5  }
0x436: {  	v28 =	vld [tilespmem:s0+$0x70];
	v17 =	vsub.f32 v23, v0;
	v52 =	vpop (erf);
	(erf) = vpow2.f32 v4;
	v34 =	vsub.f32 v30, v0  }
0x437: {  	v7 =	vsub.f32 v7, v0;
	v14 =	vmax.f32 v2, v3;
	v3 =	vld [tilespmem:s0+$0x80];
	v24 =	vmul.f32 $1.442695020e+00, v50  }
0x438: {  	v23 =	vmax.f32 v14, v39;
	v6 =	vmul.f32 $1.442695020e+00, v17;
	v14 =	vmul.f32 v46, v33  }
0x439: {  	v11 =	vld [tilespmem:s0+$0xB0];
	v0 =	vsub.f32 v31, v0;
	v4 =	vmul.f32 $1.442695020e+00, v34;
	v7 =	vmul.f32 $1.442695020e+00, v7;
	v25, _, _ =	vpop (xrf0)  }
0x43a: {  	v1 =	vld [tilespmem:s0+$0xD0];
	(xrf0) =	vmax.scan.msk.f32 $0xffff, v23;
	v10 =	vbroadcast v25, $0xF;
	v50 =	vpop (erf);
	(erf) = vpow2.f32 v24  }
0x43b: {  	v51 =	vmax.f32 v18, v21;
	v2 =	vld [tilespmem:s0+$0xA0];
	v0 =	vmul.f32 $1.442695020e+00, v0;
	v49 =	vpop (erf);
	(erf) = vpow2.f32 v6  }
0x43c: {  	v33 =	vld [tilespmem:s0+$0xC0];
	v38 =	vsub.f32 v27, v10;
	v17 =	vmax.f32 v28, v3;
	v46 =	vpop (erf);
	(erf) = vpow2.f32 v4  }
0x43d: {  	v24 =	vsub.f32 v22, v10;
	v23 =	vmax.f32 v51, v17;
	v47 =	vpop (erf);
	(erf) = vpow2.f32 v7  }
0x43e: {  	(xrf2) =	vadd.scan.msk.f32 $0xffff, v36;
	v51 =	vsub.f32 v29, v10;
	v30 =	vmul.f32 $1.442695020e+00, v38;
	v34 =	vmax.f32 v23, v15  }
0x43f: {  	v23 =	vmul.f32 v37, v43;
	v37 =	vadd.f32 v13, v44;
	v13, _, _ =	vpop (xrf2);
	(xrf0) =	vmax.scan.msk.f32 $0xffff, v34;
	v34 =	vsub.f32 v9, v10  }
0x440: {  	v43 =	vmax.f32 v2, v11;
	v4 =	vmul.f32 $1.442695020e+00, v24;
	v17, _, _ =	vpop (xrf0);
	v25 =	vmul.f32 $1.442695020e+00, v51  }
0x441: {  	v51 =	vmax.f32 v33, v1;
	v38 =	vpop (erf);
	(erf) = vpow2.f32 v30;
	v44 =	vbroadcast v17, $0xF  }
0x442: {  	v9 =	vmax.f32 v43, v51;
	v14 =	vadd.f32 v23, v14;
	v29 =	vpop (erf);
	(erf) = vpow2.f32 v25  }
0x443: {  	v17 =	vmax.f32 v9, v12;
	v7 =	vmul.f32 $1.442695020e+00, v34;
	v22 =	vsub.f32 v20, v44;
	v34 =	vpop (erf)  }
0x444: {  	(xrf0) =	vmax.scan.msk.f32 $0xffff, v17;
	v23 =	vsub.f32 v35, v44;
	v24 =	vsub.f32 v8, v44;
	(erf) = vpow2.f32 v4;
	v30 =	vpop (erf)  }
0x445: {  	v35 =	vadd.f32 v14, v37;
	v37 =	vmul.f32 v45, v48;
	(erf) = vpow2.f32 v7;
	v27, _, _ =	vpop (xrf0)  }
0x446: {  	[tilespmem:$0x1F3D0] =	vst v13;
	v5 =	vsub.f32 v5, v44;
	v25 =	vmul.f32 $1.442695020e+00, v22;
	v4 =	vmul.f32 $1.442695020e+00, v23;
	v13 =	vpop (erf)  }
0x447: {  	v6 =	vmul.f32 $1.442695020e+00, v24;
	v9 =	vadd.f32 v35, v37;
	v8 =	vbroadcast v27, $0xF;
	v14 =	vpop (erf)  }
0x448: {  	v5 =	vmul.f32 $1.442695020e+00, v5;
	(erf) = vpow2.f32 v25;
	v27, _, _ =	vpop (xrf2)  }
0x449: {  	(xrf2) =	vadd.scan.msk.f32 $0xffff, v9;
	v9 =	vbroadcast v32, $0xF;
	(erf) = vpow2.f32 v4;
	v22 =	vpop (erf);
	v36 =	vsub.f32 v18, v8  }
0x44a: {  	v24 =	vld [tilespmem:$0x1F1F0];
	(erf) = vpow2.f32 v6;
	v43 =	vsub.f32 v21, v8;
	v45 =	vsub.f32 v28, v8;
	v48, _, _ =	vpop (xrf0)  }
0x44b: {  	v23 =	vpop (erf);
	v51 =	vsub.f32 v3, v8;
	v21 =	vld [tilespmem:$0x1F1E0];
	(erf) = vpow2.f32 v5;
	v18 =	vbroadcast v48, $0xF  }
0x44c: {  	v32 =	vsub.f32 v40, v9;
	v35 =	vpop (erf);
	v7 =	vmul.f32 $1.442695020e+00, v36;
	v20 =	vmul.f32 $1.442695020e+00, v43  }
0x44d: {  	v5 =	vmul.f32 $1.442695020e+00, v45;
	v37 =	vpop (erf);
	v2 =	vsub.f32 v2, v18;
	v25 =	vsub.f32 v11, v18  }
0x44e: {  	v17 =	vpop (erf);
	v28 =	vsub.f32 v33, v18;
	(erf) = vpow2.f32 v7;
	v7 =	vmul.f32 $1.442695020e+00, v51  }
0x44f: {  	v1 =	vsub.f32 v1, v18;
	v11 =	vpop (erf);
	(erf) = vpow2.f32 v20;
	v2 =	vmul.f32 $1.442695020e+00, v2  }
0x450: {  	v21 =	vadd.f32 v24, v21;
	v24 =	vpop (erf);
	v33 =	vmul.f32 $1.442695020e+00, v28;
	(erf) = vpow2.f32 v5  }
0x451: {  	v6 =	vld [tilespmem:$0x1F230];
	v48 =	vsub.f32 v57, v9;
	v5 =	vmul.f32 $1.442695020e+00, v25;
	v36 =	vpop (erf);
	(erf) = vpow2.f32 v7  }
0x452: {  	v45 =	vsub.f32 v56, v9;
	v1 =	vmul.f32 $1.442695020e+00, v1;
	v20 =	vld [tilespmem:$0x1F200];
	v40 =	vpop (erf);
	(erf) = vpow2.f32 v2  }
0x453: {  	v12 =	vsub.f32 v12, v18;
	v25 =	vld [tilespmem:$0x1F210];
	v2 =	vmul.f32 $1.442695020e+00, v32;
	v32 =	vpop (erf);
	(erf) = vpow2.f32 v5  }
0x454: {  	v51 =	vsub.f32 v59, v9;
	v28 =	vmul.f32 $1.442695020e+00, v48;
	v3, _, _ =	vpop (xrf2);
	(erf) = vpow2.f32 v33  }
0x455: {  	v43 =	vld [tilespmem:$0x1FF70];
	v5 =	vmul.f32 $1.442695020e+00, v45;
	v59 =	vpop (erf);
	v33 =	vsub.f32 v41, v19;
	(erf) = vpow2.f32 v1  }
0x456: {  	v48 =	vsub.f32 v26, v10;
	v18 =	vmul.f32 $1.442695020e+00, v12;
	v45 =	vld [tilespmem:$0x1F220];
	v57 =	vpop (erf);
	(erf) = vpow2.f32 v2  }
0x457: {  	v26 =	vadd.f32 v58, v6;
	v41 =	vmul.f32 $1.442695020e+00, v51;
	v19 =	vpop (erf);
	(erf) = vpow2.f32 v5  }
0x458: {  	[tilespmem:$0x1F3F0] =	vst v27;
	v27 =	vadd.f32 v25, v20;
	v20 =	vld [tilespmem:$0x1F240];
	v31 =	vpop (erf);
	v56 =	vmul.f32 $1.442695020e+00, v33;
	(erf) = vpow2.f32 v28  }
0x459: {  	(xrf2) =	vadd.scan.msk.f32 $0xffff, v21;
	v21 =	vsub.f32 v39, v44;
	v7 =	vbroadcast v3, $0xF;
	v33 =	vpop (erf);
	(erf) = vpow2.f32 v41  }
0x45a: {  	v44 =	vadd.f32 v23, v22;
	v2 =	vmul.f32 $1.442695020e+00, v48;
	v28 =	vpop (erf);
	(erf) = vpow2.f32 v56  }
0x45b: {  	v25 =	vsub.f32 v15, v8;
	v51 =	vmul.f32 v45, v43;
	v39 =	vpop (erf);
	(erf) = vpow2.f32 v0  }
0x45c: {  	v48 =	vadd.f32 v11, v17;
	v43 =	vld [tilespmem:$0x1F260];
	v56 =	vpop (erf);
	(erf) = vpow2.f32 v2;
	v2 =	vmul.f32 $1.442695020e+00, v21  }
0x45d: {  	v10 =	vadd.f32 v27, v63;
	v58 =	vmul.f32 v20, v7;
	v0 =	vmul.f32 $1.442695020e+00, v25;
	v20 =	vpop (erf)  }
0x45e: {  	v27 =	vadd.f32 v14, v13;
	v45 =	vadd.f32 v37, v35;
	v21 =	vld [tilespmem:$0x1F250];
	v8 =	vpop (erf);
	(erf) = vpow2.f32 v2  }
0x45f: {  	v63 =	vsub.f32 v54, v9;
	v54 =	vadd.f32 v32, v40;
	v9 =	vpop (erf);
	(erf) = vpow2.f32 v0  }
0x460: {  	v25 =	vadd.f32 v44, v27;
	v27 =	vadd.f32 v48, v45;
	v12 =	vpop (erf);
	(erf) = vpow2.f32 v18;
	v18 =	vld [tilespmem:$0x1F270]  }
0x461: {  	v45 =	vadd.f32 v36, v24;
	v5 =	vadd.f32 $1.000000000e+00, v43;
	v43 =	vld [tilespmem:$0x1F280]  }
0x462: {  	v15 =	vadd.f32 v31, v19;
	v44 =	vmul.f32 $1.442695020e+00, v63;
	v63 =	vadd.f32 v57, v59  }
0x463: {  	v2 =	vadd.f32 $1.000000000e+00, v21;
	v21 =	vadd.f32 v54, v45;
	v45 =	vld [tilespmem:$0x1F290]  }
0x464: {  	v54 =	vld [tilespmem:$0x1F2A0]  }
0x465: {  	v3 =	vpop (erf);
	(erf) = vpow2.f32 v44;
	v0 =	vadd.f32 $1.000000000e+00, v18;
	v18 =	vadd.f32 v15, v63;
	v63 =	vld [tilespmem:$0x1F2B0]  }
0x466: {  	v6 =	vpop (erf);
	v44 =	vadd.f32 $1.000000000e+00, v43;
	(erf) = vrcp.f32 v2  }
0x467: {  	v4 =	vpop (erf);
	(erf) = vrcp.f32 v5;
	v5 =	vld [tilespmem:$0x1F2C0]  }
0x468: {  	v7 =	vpop (erf);
	(erf) = vrcp.f32 v0;
	v0 =	vadd.f32 $1.000000000e+00, v45  }
0x469: {  	v41 =	vadd.f32 $1.000000000e+00, v54;
	v54 =	vpop (erf);
	(erf) = vrcp.f32 v44  }
0x46a: {  	v44 =	vpop (erf);
	(erf) = vrcp.f32 v0;
	v43 =	vadd.f32 $1.000000000e+00, v63  }
0x46b: {  	v45 =	vpop (erf);
	(erf) = vrcp.f32 v41  }
0x46c: {  	v2 =	vadd.f32 $1.000000000e+00, v5;
	v5 =	vpop (erf);
	(erf) = vrcp.f32 v43;
	v43 =	vld [tilespmem:$0x1F2D0];
	_ =	sdelay $0x1  }
0x46d: {  	v1 =	vadd.f32 v28, v33;
	_ =	sdelay $0x1  }
0x46e: {  	(xrf2) =	vadd.scan.msk.f32 $0xffff, v10;
	v10 =	vadd.f32 v8, v20;
	v15 =	vadd.f32 v56, v39  }
0x46f: {  	v63 =	vadd.f32 v12, v9;
	v43 =	vadd.f32 $1.000000000e+00, v43  }
0x470: {  	v15 =	vadd.f32 v15, v1;
	v1 =	vpop (erf);
	(erf) = vrcp.f32 v2  }
0x471: {  	v10 =	vadd.f32 v63, v10;
	v63 =	vadd.f32 $1.000000000e+00, v42;
	v42 =	vpop (erf);
	(erf) = vrcp.f32 v43;
	v43 =	vld [tilespmem:$0x1F2F0];
	_ =	sdelay $0x4  }
0x472: {  	v41 =	vld [tilespmem:$0x1F2E0];
	v0 =	vadd.f32 $1.000000000e+00, v43;
	v43 =	vpop (erf)  }
0x473: {  	(erf) = vrcp.f32 v63;
	v63 =	vpop (erf)  }
0x474: {  	v2 =	vadd.f32 v6, v3;
	v3 =	vmul.f32 v3, v63;
	v63 =	vld [tilespmem:$0x1F300];
	_ =	sdelay $0x2  }
0x475: {  	v41 =	vadd.f32 $1.000000000e+00, v41;
	_ =	sdelay $0x1  }
0x476: {  	(xrf2) =	vadd.scan.msk.f32 $0xffff, v26;
	v26 =	vadd.f32 v7, v4;
	(erf) = vrcp.f32 v41;
	v41 =	vadd.f32 $1.000000000e+00, v63  }
0x477: {  	v63 =	vpop (erf);
	(erf) = vrcp.f32 v0  }
0x478: {  	v26 =	vadd.f32 v26, v2;
	v2 =	vmul.f32 v6, v63;
	v6 =	vpop (erf);
	(erf) = vrcp.f32 v41;
	v41 =	vld [tilespmem:$0x1F310];
	_ =	sdelay $0x4  }
0x479: {  	v0 =	vmul.f32 v4, v6;
	v4 =	vadd.f32 $1.000000000e+00, v41;
	v41 =	vld [tilespmem:$0x1F320];
	_ =	sdelay $0x3  }
0x47a: {  	v63 =	vpop (erf)  }
0x47b: {  	v2 =	vadd.f32 v2, v3;
	v3 =	vmul.f32 v7, v63;
	v63 =	vpop (erf);
	v6 =	vadd.f32 $1.000000000e+00, v41  }
0x47c: {  	(erf) = vrcp.f32 v4;
	v41 =	vpop (erf)  }
0x47d: {  	(erf) = vrcp.f32 v6;
	v6 =	vmul.f32 v14, v41;
	v41 =	vld [tilespmem:$0x1F350]  }
0x47e: {  	v4 =	vmul.f32 v13, v63;
	v13 =	vld [tilespmem:$0x1F330]  }
0x47f: {  	v63 =	vld [tilespmem:$0x1F340];
	_ =	sdelay $0x2  }
0x480: {  	v0 =	vadd.f32 v3, v0;
	v3 =	vadd.f32 $1.000000000e+00, v41;
	v41 =	vld [tilespmem:$0x1F360]  }
0x481: {  	v7 =	vadd.f32 $1.000000000e+00, v13  }
0x482: {  	v14 =	vadd.f32 $1.000000000e+00, v63  }
0x483: {  	v63 =	vpop (erf);
	(erf) = vrcp.f32 v7  }
0x484: {  	v7 =	vmul.f32 v22, v63;
	v22 =	vpop (erf);
	(erf) = vrcp.f32 v14  }
0x485: {  	v63 =	vpop (erf);
	(erf) = vrcp.f32 v3;
	v3 =	vadd.f32 $1.000000000e+00, v41;
	v41 =	vld [tilespmem:$0x1F370]  }
0x486: {  	v6 =	vadd.f32 v6, v4;
	v4 =	vadd.f32 v0, v2;
	v0 =	vmul.f32 v35, v63;
	v35 =	vld [tilespmem:$0x1F380];
	_ =	sdelay $0x2  }
0x487: {  	v14 =	vmul.f32 v23, v22  }
0x488: {  	v63 =	vadd.f32 $1.000000000e+00, v41  }
0x489: {  	(erf) = vrcp.f32 v3;
	v3 =	vadd.f32 v14, v7;
	v7 =	vadd.f32 $1.000000000e+00, v35;
	v41 =	vpop (erf)  }
0x48a: {  	v35 =	vpop (erf);
	(erf) = vrcp.f32 v63;
	v63 =	vadd.f32 $1.000000000e+00, v62  }
0x48b: {  	v14 =	vmul.f32 v37, v41;
	v37 =	vadd.f32 $1.000000000e+00, v61;
	v41 =	vpop (erf);
	(erf) = vrcp.f32 v7  }
0x48c: {  	v47 =	vadd.f32 $1.000000000e+00, v47;
	v61 =	vadd.f32 $1.000000000e+00, v60;
	v62 =	vpop (erf);
	(erf) = vrcp.f32 v63  }
0x48d: {  	v17 =	vmul.f32 v17, v35;
	v63 =	vadd.f32 $1.000000000e+00, v55;
	v35 =	vpop (erf);
	(erf) = vrcp.f32 v37  }
0x48e: {  	v11 =	vmul.f32 v11, v41;
	v37 =	vadd.f32 $1.000000000e+00, v53;
	v41 =	vpop (erf);
	(erf) = vrcp.f32 v61  }
0x48f: {  	v25 =	vadd.f32 v25, v54;
	v53 =	vadd.f32 $1.000000000e+00, v52;
	v55 =	vpop (erf);
	(erf) = vrcp.f32 v63  }
0x490: {  	v60 =	vadd.f32 $1.000000000e+00, v50;
	v0 =	vadd.f32 v14, v0;
	v61 =	vpop (erf);
	(erf) = vrcp.f32 v37  }
0x491: {  	v22 =	vmul.f32 v24, v62;
	v62 =	vadd.f32 $1.000000000e+00, v49;
	v63 =	vpop (erf);
	(erf) = vrcp.f32 v53  }
0x492: {  	v14 =	vmul.f32 v40, v41;
	v41 =	vadd.f32 $1.000000000e+00, v46;
	v46 =	vpop (erf);
	(erf) = vrcp.f32 v60  }
0x493: {  	v50 =	vadd.f32 $1.000000000e+00, v38;
	v23 =	vmul.f32 v36, v35;
	(erf) = vrcp.f32 v62;
	v49 =	vpop (erf)  }
0x494: {  	v11 =	vadd.f32 v11, v17;
	v35 =	vld [tilespmem:$0x1F950];
	v24 =	vmul.f32 v32, v55;
	(erf) = vrcp.f32 v41;
	v52 =	vpop (erf)  }
0x495: {  	v17 =	vmul.f32 v59, v61;
	v53 =	vadd.f32 $1.000000000e+00, v29;
	(erf) = vrcp.f32 v47;
	v55 =	vpop (erf)  }
0x496: {  	(xrf2) =	vadd.scan.msk.f32 $0xffff, v25;
	v25 =	vld [tilespmem:$0x1F3A0];
	v61 =	vmul.f32 v57, v63;
	v63 =	vadd.f32 $1.000000000e+00, v34;
	(erf) = vrcp.f32 v50;
	v60 =	vpop (erf)  }
0x497: {  	v30 =	vadd.f32 $1.000000000e+00, v30;
	v32 =	vld [tilespmem:$0x1F3E0];
	(erf) = vrcp.f32 v53;
	v62 =	vpop (erf)  }
0x498: {  	v59 =	vadd.f32 v27, v44;
	v27 =	vld [tilespmem:$0x1F3B0];
	v36 =	vpop (erf);
	(erf) = vrcp.f32 v63  }
0x499: {  	v29 =	vld [tilespmem:$0x1F3C0];
	v38 =	vpop (erf);
	(erf) = vrcp.f32 v30  }
0x49a: {  	v0 =	vadd.f32 v11, v0;
	v19 =	vmul.f32 v19, v46;
	v11 =	vadd.f32 v61, v17;
	v61 =	vld [tilespmem:$0x1F390];
	v41 =	vpop (erf)  }
0x49b: {  	v37 =	vmul.f32 v33, v52;
	v33 =	vld [tilespmem:$0x1F3F0];
	v46 =	vmul.f32 v28, v55;
	v47 =	vpop (erf)  }
0x49c: {  	v30 =	vld [tilespmem:$0x1F3D0];
	[tilespmem:v35+s29+$0x0] =	vst.idx.msk $0x1, v51;
	v52 =	vpop (erf)  }
0x49d: {  	v21 =	vadd.f32 v21, v45;
	v53 =	vadd.f32 v46, v37;
	v37 =	vld [tilespmem:$0x1F410];
	v55 =	vpop (erf)  }
0x49e: {  	v15 =	vadd.f32 v15, v1;
	v40 =	vadd.f32 v18, v5;
	v57 =	vpop (erf)  }
0x49f: {  	v22 =	vadd.f32 v23, v22;
	(xrf2) =	vadd.scan.msk.f32 $0xffff, v59;
	v23 =	vmul.f32 v31, v49;
	v50 =	vmul.f32 v39, v60;
	v60 =	vpop (erf)  }
0x4a0: {  	v10 =	vadd.f32 v10, v42;
	v14 =	vadd.f32 v24, v14;
	(xrf2) =	vadd.scan.msk.f32 $0xffff, v21;
	v7 =	vmul.f32 v56, v62;
	v62 =	vpop (erf)  }
0x4a1: {  	v3 =	vadd.f32 v3, v6;
	(xrf2) =	vadd.scan.msk.f32 $0xffff, v40;
	v49 =	vadd.f32 v23, v19;
	v19 =	vpop (erf)  }
0x4a2: {  	v14 =	vadd.f32 v14, v22;
	(xrf2) =	vadd.scan.msk.f32 $0xffff, v15;
	v20 =	vmul.f32 v20, v36;
	v8 =	vmul.f32 v8, v38;
	v21 =	vpop (erf)  }
0x4a3: {  	v48, _, _ =	vpop (xrf2);
	(xrf2) =	vadd.scan.msk.f32 $0xffff, v10;
	v56 =	vadd.f32 v26, v43;
	v9 =	vmul.f32 v9, v41;
	v10 =	vmul.f32 v43, v21  }
0x4a4: {  	v7 =	vadd.f32 v7, v50;
	v12 =	vmul.f32 v12, v47;
	v6 =	vmul.f32 v54, v52  }
0x4a5: {  	v15 =	vmul.f32 v44, v55;
	v4 =	vadd.f32 v4, v10;
	v10 =	vld [tilespmem:$0x1F400];
	[tilespmem:v37+s29+$0x0] =	vst.idx.msk $0x1, v58  }
0x4a6: {  	v8 =	vadd.f32 v8, v20;
	v3 =	vadd.f32 v3, v6;
	v59 =	vmul.f32 v45, v57;
	v39 =	vld [tilespmem:$0x1FB10]  }
0x4a7: {  	v13, _, _ =	vpop (xrf2);
	(xrf2) =	vadd.scan.msk.f32 $0xffff, v56;
	v9 =	vadd.f32 v12, v9;
	v0 =	vadd.f32 v0, v15  }
0x4a8: {  	v2, _, _ =	vpop (xrf2);
	v7 =	vadd.f32 v7, v53;
	v6 =	vadd.f32 v14, v59;
	(xrf2) =	vadd.scan.msk.f32 $0xffff, v3;
	v1 =	vmul.f32 v1, v62  }
0x4a9: {  	v63, _, _ =	vpop (xrf2);
	v8 =	vadd.f32 v9, v8;
	(xrf2) =	vadd.scan.msk.f32 $0xffff, v0  }
0x4aa: {  	v18, _, _ =	vpop (xrf2);
	(xrf2) =	vadd.scan.msk.f32 $0xffff, v6;
	v6 =	vmul.f32 v42, v19;
	v1 =	vadd.f32 v7, v1;
	v7 =	vbroadcast v25, $0xF  }
0x4ab: {  	v15 =	vbroadcast v61, $0xF;
	v5 =	vmul.f32 v5, v60  }
0x4ac: {  	v6 =	vadd.f32 v8, v6;
	v7 =	vmul.f32 v29, v7;
	v8 =	vbroadcast v30, $0xF  }
0x4ad: {  	v11 =	vadd.f32 v49, v11;
	v3 =	vbroadcast v63, $0xF;
	(erf) = vrcp.f32 v15  }
0x4ae: {  	v22, _, _ =	vpop (xrf2);
	v0 =	vbroadcast v18, $0xF;
	v8 =	vmul.f32 v10, v8;
	v10 =	vld [tilespmem:$0x1F420];
	[tilespmem:v39+s29+$0x0] =	vst.idx.msk $0x1, v7  }
0x4af: {  	v23, _, _ =	vpop (xrf2);
	v12 =	vbroadcast v22, $0xF;
	v5 =	vadd.f32 v11, v5;
	(erf) = vrcp.f32 v3;
	v11 =	vld [tilespmem:$0x1FB30]  }
0x4b0: {  	v24, _, _ =	vpop (xrf2);
	v3 =	vbroadcast v23, $0xF;
	(erf) = vrcp.f32 v0  }
0x4b1: {  	v0 =	vbroadcast v24, $0xF;
	(erf) = vrcp.f32 v12  }
0x4b2: {  	(erf) = vrcp.f32 v3  }
0x4b3: {  	(erf) = vrcp.f32 v0;
	v0 =	vbroadcast v27, $0xF;
	_ =	sdelay $0x1  }
0x4b4: {  	v0 =	vmul.f32 v32, v0;
	_ =	sdelay $0x1  }
0x4b5: {  	[tilespmem:v11+s29+$0x0] =	vst.idx.msk $0x1, v0  }
0x4b6: {  	v11 =	vld [tilespmem:$0x1FB50];
	_ =	sdelay $0x7  }
0x4b7: {  	[tilespmem:v11+s29+$0x0] =	vst.idx.msk $0x1, v8  }
0x4b8: {  	v11 =	vld [tilespmem:$0x1FB60];
	_ =	sdelay $0x3  }
0x4b9: {  	v9 =	vbroadcast v33, $0xF;
	_ =	sdelay $0x1  }
0x4ba: {  	v9 =	vmul.f32 v10, v9;
	_ =	sdelay $0x1  }
0x4bb: {  	v8 =	vld [tilespmem:$0x1F430];
	[tilespmem:v11+s29+$0x0] =	vst.idx.msk $0x1, v9  }
0x4bc: {  	v11 =	vld [tilespmem:$0x1FB80];
	_ =	sdelay $0x3  }
0x4bd: {  	v40 =	vbroadcast v48, $0xF;
	_ =	sdelay $0x1  }
0x4be: {  	v7 =	vmul.f32 v8, v40;
	_ =	sdelay $0x1  }
0x4bf: {  	v9 =	vld [tilespmem:$0x1F440];
	[tilespmem:v11+s29+$0x0] =	vst.idx.msk $0x1, v7  }
0x4c0: {  	v47 =	vld [tilespmem:$0x1FBB0];
	_ =	sdelay $0x3  }
0x4c1: {  	v42 =	vbroadcast v13, $0xF;
	_ =	sdelay $0x1  }
0x4c2: {  	v0 =	vmul.f32 v9, v42;
	_ =	sdelay $0x1  }
0x4c3: {  	[tilespmem:v47+s29+$0x0] =	vst.idx.msk $0x1, v0  }
0x4c4: {  	v51 =	vld [tilespmem:$0x1FAE0];
	_ =	sdelay $0x3  }
0x4c5: {  	v2 =	vbroadcast v2, $0xF  }
0x4c6: {  	v38 =	vpop (erf)  }
0x4c7: {  	v2 =	vmul.f32 v38, v2;
	_ =	sdelay $0x1  }
0x4c8: {  	[tilespmem:v51+s29+$0x0] =	vst.idx.msk $0x1, v2  }
0x4c9: {  	v54 =	vld [tilespmem:$0x1F800]  }
0x4ca: {  	v26, _, _ =	vpop (xrf2)  }
0x4cb: {  	v28, _, _ =	vpop (xrf2)  }
0x4cc: {  	(xrf2) =	vadd.scan.msk.f32 $0xffff, v5;
	v31, _, _ =	vpop (xrf2)  }
0x4cd: {  	(xrf2) =	vadd.scan.msk.f32 $0xffff, v1;
	v1 =	vbroadcast v31, $0xF  }
0x4ce: {  	v41 =	vpop (erf)  }
0x4cf: {  	v3 =	vbroadcast v26, $0xF;
	v48 =	vmul.f32 v41, v1  }
0x4d0: {  	v5 =	vbroadcast v28, $0xF  }
0x4d1: {  	(erf) = vrcp.f32 v3;
	[tilespmem:v54+s29+$0x0] =	vst.idx.msk $0x1, v48  }
0x4d2: {  	(erf) = vrcp.f32 v5;
	v5 =	vld [tilespmem:$0x1F820];
	_ =	sdelay $0x2  }
0x4d3: {  	v34, _, _ =	vpop (xrf2)  }
0x4d4: {  	(xrf2) =	vadd.scan.msk.f32 $0xffff, v6;
	v6 =	vbroadcast v34, $0xF  }
0x4d5: {  	v43 =	vpop (erf)  }
0x4d6: {  	v52 =	vmul.f32 v43, v6;
	_ =	sdelay $0x1  }
0x4d7: {  	[tilespmem:v5+s29+$0x0] =	vst.idx.msk $0x1, v52  }
0x4d8: {  	v5 =	vld [tilespmem:$0x1F860];
	_ =	sdelay $0x2  }
0x4d9: {  	v36, _, _ =	vpop (xrf2)  }
0x4da: {  	v50 =	vbroadcast v36, $0xF  }
0x4db: {  	v44 =	vpop (erf)  }
0x4dc: {  	v55 =	vmul.f32 v44, v50;
	_ =	sdelay $0x1  }
0x4dd: {  	[tilespmem:v5+s29+$0x0] =	vst.idx.msk $0x1, v55  }
0x4de: {  	v5 =	vld [tilespmem:$0x1F450]  }
0x4df: {  	v49, _, _ =	vpop (xrf2)  }
0x4e0: {  	v53, _, _ =	vpop (xrf2)  }
0x4e1: {  	(xrf2) =	vadd.scan.msk.f32 $0xffff, v4;
	v45 =	vpop (erf);
	v4 =	vbroadcast v53, $0xF  }
0x4e2: {  	v1 =	vbroadcast v49, $0xF;
	v46 =	vpop (erf)  }
0x4e3: {  	v58 =	vmul.f32 v46, v4  }
0x4e4: {  	v1 =	vmul.f32 v45, v1  }
0x4e5: {  	[tilespmem:v16+s29+$0x0] =	vst.idx.msk $0x1, v58  }
0x4e6: {  	[tilespmem:v5+s29+$0x0] =	vst.idx.msk $0x1, v1  }
0x4e7: {  	v63 =	vld [tilespmem:$0x1F460];
	_ =	sdelay $0x2  }
0x4e8: {  	v56, _, _ =	vpop (xrf2)  }
0x4e9: {  	v3 =	vbroadcast v56, $0xF  }
0x4ea: {  	v59 =	vpop (erf)  }
0x4eb: {  	v60 =	vmul.f32 v59, v3;
	_ =	sdelay $0x1  }
0x4ec: {  	[tilespmem:v63+s29+$0x0] =	vst.idx.msk $0x1, v60  }
0x4ed: {  	v1 =	vld [tilespmem:$0x1F470];
	_ =	sdelay $0x2  }
0x4ee: {  	v57, _, _ =	vpop (xrf2)  }
0x4ef: {  	v2 =	vbroadcast v57, $0xF  }
0x4f0: {  	v61 =	vpop (erf)  }
0x4f1: {  	s30 =	sadd.s32 $0x1, s30;
	v62 =	vmul.f32 v61, v2  }
0x4f2: {  	p0 =	sne.s32 s30, s9  }
.Ltmp1:
0x4f3: {  	[tilespmem:v1+s29+$0x0] =	vst.idx.msk $0x1, v62;
	(pc) =	sbr.rel @p0 .LBB2_1-.Ltmp1, $4  }
0x4f4: {  	[hbm4b:s8+s2] =	stream.linear.scatter [tilespmem:s29], [sflag:$0x2], $0x200, $0x38;
	[tilespmem:$0x16800] =	vst v63  }
0x4f5: {  	_ =	swait.ge [sflag:s10], $0x200  }
0x4f6: {  	[sflag:s10] =	ssyncset.done $0x0  }
0x4f7: {  	v59 =	vld [tilespmem:$0x1FFF0];
	[sflag:s10] =	ssyncadd.s32 $0xFFFFFE00  }
0x4f8: {  	_ =	sfence.sel $0x180000  }
0x4f9: {  	[bflag:$0x0] =	sbarrier.arrive $0xFFFF  }
0x4fa: {  	_ =	strace $0x90000047  }
0x4fb: {  	s0 =	stileid.u32;
	[bflag:$0x2] =	sbarrier.arrive $0xFFFF  }
0x4fc: {  	p0 =	sne.s32 s0, $0x0;
	s0 =	rddreg [dreg:$0x5]  }
0x4fd: {  	s0 =	sadd.s32 @!p0 $0x100000, s0  }
0x4fe: {  	[sflag:s0] =	ssyncadd.tile.s32 @!p0 $0x1;
	_ =	shalt  }
.Lfunc_end2:
_tile_overlayer_lowered:
.L_overlay_start_2:
0x4ff: {  	(tag) =	ssettag $0x2  }
0x500: {  	s0 =	rddreg [dreg:$0x0];
	s2 =	stileid.u32  }
0x501: {  	s1 =	rddreg [dreg:$0x1];
	p0 =	sne.s32 s2, $0x0  }
0x502: {  	s3 =	rddreg [dreg:$0x2];
	[bflag:$0x3] =	sbarrier.arrive $0xFFFF;
	s2 =	simm.s32 @!p0 $0x1C02  }
0x503: {  	[timem:s3], [sflag:s2] =	dma.local @!p0 [hbm:s0], s1  }
0x504: {  	s0 =	simm.s32 @!p0 $0x2  }
0x505: {  	_ =	swait.ge @!p0 [sflag:s0], s1  }
0x506: {  	s1 =	ssub.s32 @!p0 $0x0, s1;
	[sflag:s0] =	ssyncset.done @!p0 $0x0  }
0x507: {  	[sflag:s0] =	ssyncadd.s32 @!p0 s1  }
0x508: {  	[bflag:$0x3] =	sbarrier.arrive $0xFFFF  }
0x509: {  	_ =	shalt  }

</sc_bundles>
